<compile_context>
chip_gen: v7x
topology: tpu7x:2x2x1
jax: 0.10.2.dev20260603
libtpu: 0.0.44.dev20260713+nightly
codegen_flags: <defaults>
</compile_context>

<pallas_src>
import functools

import jax
import jax.numpy as jnp
from jax import lax
from jax.experimental import pallas as pl
from jax.experimental.pallas import tpu as pltpu
from jax.experimental.pallas import tpu_sc as plsc

N = 10000
E = 320000
D = 128
NC = 2
NS = 16
NW = NC * NS
EPW = E // NW

CH = 80
NF = EPW // CH

DCH = 128
DNF = EPW // DCH
DTEDGE = EPW - DNF * DCH
DTOFF = DNF * DCH

RPT = 624
TAIL = N - NS * RPT
TBASE = NS * RPT

_mesh = plsc.VectorSubcoreMesh(core_axis_name="c", subcore_axis_name="s")


def _zero_acc(zeros_hbm, acc_sh, s):
    pltpu.sync_copy(zeros_hbm.at[pl.ds(s * RPT, RPT)],
                    acc_sh.at[pl.ds(s * RPT, RPT)])

    @pl.when(s == 0)
    def _():
        pltpu.sync_copy(zeros_hbm.at[pl.ds(TBASE, TAIL)],
                        acc_sh.at[pl.ds(TBASE, TAIL)])


def _write_back(acc_sh, out_hbm, c, s):
    pltpu.sync_copy(acc_sh.at[pl.ds(s * RPT, RPT)],
                    out_hbm.at[c, pl.ds(s * RPT, RPT)])

    @pl.when(s == 0)
    def _():
        pltpu.sync_copy(acc_sh.at[pl.ds(TBASE, TAIL)],
                        out_hbm.at[c, pl.ds(TBASE, TAIL)])


assert DNF == 78


@functools.partial(
    pl.kernel,
    out_type=jax.ShapeDtypeStruct((NC, N, D), jnp.float32),
    mesh=_mesh,
    scratch_types=[
        [pltpu.VMEM((DCH,), jnp.int32) for _ in range(4)],
        pltpu.VMEM((DTEDGE,), jnp.int32),
        pltpu.VMEM((DCH, D), jnp.float32),
        pltpu.VMEM_SHARED((N, D), jnp.float32),
        [pltpu.SemaphoreType.DMA for _ in range(4)],
        [pltpu.SemaphoreType.DMA for _ in range(4)],
        pltpu.SemaphoreType.DMA,
    ],
)
def _deg_kernel(dst_hbm, zeros_hbm, ones_hbm, out_hbm,
                didx, didxt, ones_v, acc_sh, si, ss, sit):
    c = lax.axis_index("c")
    s = lax.axis_index("s")
    wid = s * NC + c
    base = wid * EPW

    def issue_fetch(k, b):
        pltpu.async_copy(dst_hbm.at[pl.ds(base + k * DCH, DCH)],
                         didx[b], si[b])

    def wait_fetch(k, b):
        pltpu.make_async_copy(dst_hbm.at[pl.ds(base + k * DCH, DCH)],
                              didx[b], si[b]).wait()

    def issue_scatter(b):
        pltpu.async_copy(ones_v, acc_sh.at[didx[b]], ss[b], add=True)

    def wait_scatter(b):
        pltpu.make_async_copy(ones_v, acc_sh.at[didx[b]], ss[b]).wait()

    issue_fetch(0, 0)
    issue_fetch(1, 1)
    pltpu.async_copy(dst_hbm.at[pl.ds(base + DTOFF, DTEDGE)], didxt, sit)
    pltpu.sync_copy(ones_hbm, ones_v)
    _zero_acc(zeros_hbm, acc_sh, s)
    plsc.subcore_barrier()

    for v in (0, 1):
        wait_fetch(v, v)
        issue_scatter(v)
        issue_fetch(v + 2, v + 2)
    for v in (2, 3):
        wait_fetch(v, v)
        issue_scatter(v)
        wait_scatter(v - 2)
        issue_fetch(v + 2, v - 2)

    def body(g, carry):
        v0 = 4 * g
        for u in range(4):
            v = v0 + u
            b = u % 4
            b2 = (u + 2) % 4
            wait_fetch(v, b)
            issue_scatter(b)
            wait_scatter(b2)
            issue_fetch(v + 2, b2)
        return carry

    lax.fori_loop(1, 19, body, 0)

    for v in (76, 77):
        wait_fetch(v, v % 4)
        issue_scatter(v % 4)

    pltpu.make_async_copy(dst_hbm.at[pl.ds(base + DTOFF, DTEDGE)],
                          didxt, sit).wait()
    pltpu.sync_copy(ones_v.at[pl.ds(0, DTEDGE)], acc_sh.at[didxt], add=True)

    for b in (2, 3, 0, 1):
        wait_scatter(b)

    plsc.subcore_barrier()
    _write_back(acc_sh, out_hbm, c, s)


assert NF == 125


@functools.partial(
    pl.kernel,
    out_type=jax.ShapeDtypeStruct((NC, N, D), jnp.float32),
    mesh=_mesh,
    scratch_types=[
        pltpu.VMEM((EPW,), jnp.int32),
        [pltpu.VMEM((CH,), jnp.int32) for _ in range(3)],
        [pltpu.VMEM((CH, D), jnp.float32) for _ in range(3)],
        pltpu.VMEM_SHARED((N, D), jnp.float32),
        [pltpu.SemaphoreType.DMA for _ in range(3)],
        [pltpu.SemaphoreType.DMA for _ in range(3)],
    ],
)
def _hop_kernel(g_hbm, src_hbm, dst_hbm, zeros_hbm, out_hbm,
                sidx_v, didx, rows, acc_sh, sg, si):
    c = lax.axis_index("c")
    s = lax.axis_index("s")
    wid = s * NC + c
    base = wid * EPW

    def issue_fetch(k, b):
        pltpu.async_copy(dst_hbm.at[pl.ds(base + k * CH, CH)], didx[b], si[b])
        pltpu.async_copy(g_hbm.at[sidx_v.at[pl.ds(k * CH, CH)]], rows[b], sg[b])

    def wait_fetch(k, b):
        pltpu.make_async_copy(dst_hbm.at[pl.ds(base + k * CH, CH)],
                              didx[b], si[b]).wait()
        pltpu.make_async_copy(g_hbm.at[sidx_v.at[pl.ds(k * CH, CH)]],
                              rows[b], sg[b]).wait()

    pltpu.sync_copy(src_hbm.at[pl.ds(base, EPW)], sidx_v)
    issue_fetch(0, 0)
    issue_fetch(1, 1)
    issue_fetch(2, 2)

    _zero_acc(zeros_hbm, acc_sh, s)
    plsc.subcore_barrier()

    def body(g, carry):
        v0 = 3 * g
        for u in range(3):
            v = v0 + u
            b = u
            wait_fetch(v, b)
            pltpu.sync_copy(rows[b], acc_sh.at[didx[b]], add=True)
            issue_fetch(v + 3, b)
        return carry

    lax.fori_loop(0, 40, body, 0)

    for v in (120, 121):
        b = v % 3
        wait_fetch(v, b)
        pltpu.sync_copy(rows[b], acc_sh.at[didx[b]], add=True)
        issue_fetch(v + 3, b)
    for v in (122, 123, 124):
        b = v % 3
        wait_fetch(v, b)
        pltpu.sync_copy(rows[b], acc_sh.at[didx[b]], add=True)

    plsc.subcore_barrier()
    _write_back(acc_sh, out_hbm, c, s)


_BR = 2000


def _norm_body(dacc_ref, feat_ref, g_ref, norm_ref):
    deg = dacc_ref[0, :, 0:1] + dacc_ref[1, :, 0:1]
    deg = jnp.maximum(deg, 1.0)
    nrm = lax.rsqrt(deg)
    norm_ref[...] = nrm
    g_ref[...] = feat_ref[...] * nrm


_norm_call = pl.pallas_call(
    _norm_body,
    grid=(N // _BR,),
    in_specs=[
        pl.BlockSpec((NC, _BR, D), lambda i: (0, i, 0)),
        pl.BlockSpec((_BR, D), lambda i: (i, 0)),
    ],
    out_specs=[
        pl.BlockSpec((_BR, D), lambda i: (i, 0)),
        pl.BlockSpec((_BR, 1), lambda i: (i, 0)),
    ],
    out_shape=[
        jax.ShapeDtypeStruct((N, D), jnp.float32),
        jax.ShapeDtypeStruct((N, 1), jnp.float32),
    ],
)


def _mid_body(p_ref, norm_ref, g_ref):
    nrm = norm_ref[...]
    g_ref[...] = (p_ref[0] + p_ref[1]) * (nrm * nrm)


_mid_call = pl.pallas_call(
    _mid_body,
    grid=(N // _BR,),
    in_specs=[
        pl.BlockSpec((NC, _BR, D), lambda i: (0, i, 0)),
        pl.BlockSpec((_BR, 1), lambda i: (i, 0)),
    ],
    out_specs=pl.BlockSpec((_BR, D), lambda i: (i, 0)),
    out_shape=jax.ShapeDtypeStruct((N, D), jnp.float32),
)


def _fin_body(q_ref, norm_ref, wt_ref, b_ref, out_ref):
    h = (q_ref[0] + q_ref[1]) * norm_ref[...]
    out_ref[...] = (
        jnp.dot(h, wt_ref[...], preferred_element_type=jnp.float32)
        + b_ref[...]
    )


_fin_call = pl.pallas_call(
    _fin_body,
    grid=(N // _BR,),
    in_specs=[
        pl.BlockSpec((NC, _BR, D), lambda i: (0, i, 0)),
        pl.BlockSpec((_BR, 1), lambda i: (i, 0)),
        pl.BlockSpec((D, D), lambda i: (0, 0)),
        pl.BlockSpec((1, D), lambda i: (0, 0)),
    ],
    out_specs=pl.BlockSpec((_BR, D), lambda i: (i, 0)),
    out_shape=jax.ShapeDtypeStruct((N, D), jnp.float32),
)


def kernel(feat, edge_index, W, b):
    ei = edge_index.astype(jnp.int32)
    src = ei[0]
    dst = ei[1]
    zeros = jnp.zeros((N, D), jnp.float32)
    ones = jnp.ones((DCH, D), jnp.float32)

    dacc = _deg_kernel(dst, zeros, ones)
    g1, norm = _norm_call(dacc, feat)
    p = _hop_kernel(g1, src, dst, zeros)
    g2 = _mid_call(p, norm)
    q = _hop_kernel(g2, src, dst, zeros)
    out = _fin_call(q, norm, W.T.astype(jnp.float32), b.reshape(1, D))
    return out

# --- scband reference (transcript-rebuilt; emitter-appended) ---
"""Pipeline reference for scband-sgconv-42923903156363 (READ-ONLY COPY).

The authoritative reference and input builder live on the scoring server;
editing this copy changes nothing except your own understanding.
"""

import jax, jax.numpy as jnp
import numpy as np

N_NODES = 10000
N_EDGES = 320000
D_IN = 128
D_OUT = 128
K_HOPS = 2


def setup_inputs(seed: int = 0) -> dict:
    key = jax.random.key(seed)
    k1, k2, k3 = jax.random.split(key, 3)
    feat = jax.random.normal(k1, (N_NODES, D_IN), dtype=jnp.float32)
    edge_index = jax.random.randint(k2, (2, N_EDGES), 0, N_NODES, dtype=jnp.int64)
    # Xavier-uniform initialized linear weight, zero bias (per reset_parameters)
    limit = float(np.sqrt(6.0 / (D_IN + D_OUT)))
    W = jax.random.uniform(k3, (D_OUT, D_IN), dtype=jnp.float32, minval=-limit, maxval=limit)
    b = jnp.zeros((D_OUT,), dtype=jnp.float32)
    return {"feat": feat, "edge_index": edge_index, "W": W, "b": b}


def reference(feat, edge_index, W, b):
    src = edge_index[0]
    dst = edge_index[1]
    n = feat.shape[0]
    # in-degrees (number of incoming edges per destination node), clamp(min=1)
    deg = jnp.bincount(dst, length=n).astype(feat.dtype)
    deg = jnp.clip(deg, 1.0, None)
    norm = jnp.power(deg, -0.5)[:, None]
    h = feat
    for _ in range(K_HOPS):
        h = h * norm
        # copy_u -> sum: gather from src nodes, scatter-add to dst nodes
        h = jax.ops.segment_sum(h[src], dst, num_segments=n)
        h = h * norm
    # fc: linear layer
    return h @ W.T + b

if __name__ == "__main__":
    import jax
    _d = setup_inputs()
    print(jax.jit(kernel)(*tuple(_d.values())))

</pallas_src>

<mosaic_0001>
#map = affine_map<(d0, d1) -> (0)>
#map1 = affine_map<(d0, d1) -> (0, 0)>
#map2 = affine_map<(d0, d1) -> (0, 0, 0)>
module attributes {stable_mosaic.version = 14 : i64} {
  func.func @_deg_kernel(%arg0: i32, %arg1: i32, %arg2: memref<320000xi32, #tpu.memory_space<hbm>>, %arg3: memref<10000x128xf32, #tpu.memory_space<hbm>>, %arg4: memref<128x128xf32, #tpu.memory_space<hbm>>, %arg5: memref<2x10000x128xf32, #tpu.memory_space<hbm>>, %arg6: memref<128xi32, #tpu.memory_space<vmem>>, %arg7: memref<128xi32, #tpu.memory_space<vmem>>, %arg8: memref<128xi32, #tpu.memory_space<vmem>>, %arg9: memref<128xi32, #tpu.memory_space<vmem>>, %arg10: memref<16xi32, #tpu.memory_space<vmem>>, %arg11: memref<128x128xf32, #tpu.memory_space<vmem>>, %arg12: memref<10000x128xf32, #tpu.memory_space<vmem_shared>>, %arg13: memref<!tpu.dma_semaphore, #tpu.memory_space<semaphore_mem>>, %arg14: memref<!tpu.dma_semaphore, #tpu.memory_space<semaphore_mem>>, %arg15: memref<!tpu.dma_semaphore, #tpu.memory_space<semaphore_mem>>, %arg16: memref<!tpu.dma_semaphore, #tpu.memory_space<semaphore_mem>>, %arg17: memref<!tpu.dma_semaphore, #tpu.memory_space<semaphore_mem>>, %arg18: memref<!tpu.dma_semaphore, #tpu.memory_space<semaphore_mem>>, %arg19: memref<!tpu.dma_semaphore, #tpu.memory_space<semaphore_mem>>, %arg20: memref<!tpu.dma_semaphore, #tpu.memory_space<semaphore_mem>>, %arg21: memref<!tpu.dma_semaphore, #tpu.memory_space<semaphore_mem>>) attributes {dimension_semantics = [#tpu.dimension_semantics<core_parallel>, #tpu.dimension_semantics<subcore_parallel>], iteration_bounds = array<i64: 2, 16>, scalar_prefetch = 0 : i64, scratch_operands = 16 : i64, tpu.core_type = #tpu.core_type<sc_vector_subcore>, window_params = [{transform_indices = #map}, {transform_indices = #map1}, {transform_indices = #map1}, {transform_indices = #map2}]} {
    %mul3A = arith.constant 2 : i32
    %mul3A_0 = arith.muli %arg1, %mul3A : i32
    %add3A = arith.addi %mul3A_0, %arg0 : i32
    %mul3A_1 = arith.constant 10000 : i32
    %mul3A_2 = arith.muli %add3A, %mul3A_1 : i32
    %add3A_3 = arith.constant 0 : i32
    %add3A_4 = arith.addi %mul3A_2, %add3A_3 : i32
    %dma_start3A = tpu.memref_slice %arg2[%add3A_4] : memref<320000xi32, #tpu.memory_space<hbm>> -> memref<128xi32, #tpu.memory_space<hbm>>
    %dma_start3A_5 = tpu.memref_slice %arg2[%add3A_4] : memref<320000xi32, #tpu.memory_space<hbm>> -> memref<128xi32, #tpu.memory_space<hbm>>
    tpu.enqueue_dma source(%dma_start3A_5 : memref<128xi32, #tpu.memory_space<hbm>>) target(%arg6 : memref<128xi32, #tpu.memory_space<vmem>>) target_semaphore(%arg13 : memref<!tpu.dma_semaphore, #tpu.memory_space<semaphore_mem>>)
    %add3A_6 = arith.constant 128 : i32
    %add3A_7 = arith.addi %mul3A_2, %add3A_6 : i32
    %dma_start3A_8 = tpu.memref_slice %arg2[%add3A_7] : memref<320000xi32, #tpu.memory_space<hbm>> -> memref<128xi32, #tpu.memory_space<hbm>>
    %dma_start3A_9 = tpu.memref_slice %arg2[%add3A_7] : memref<320000xi32, #tpu.memory_space<hbm>> -> memref<128xi32, #tpu.memory_space<hbm>>
    tpu.enqueue_dma source(%dma_start3A_9 : memref<128xi32, #tpu.memory_space<hbm>>) target(%arg7 : memref<128xi32, #tpu.memory_space<vmem>>) target_semaphore(%arg14 : memref<!tpu.dma_semaphore, #tpu.memory_space<semaphore_mem>>)
    %add3A_10 = arith.constant 9984 : i32
    %add3A_11 = arith.addi %mul3A_2, %add3A_10 : i32
    %dma_start3A_12 = tpu.memref_slice %arg2[%add3A_11] : memref<320000xi32, #tpu.memory_space<hbm>> -> memref<16xi32, #tpu.memory_space<hbm>>
    %dma_start3A_13 = tpu.memref_slice %arg2[%add3A_11] : memref<320000xi32, #tpu.memory_space<hbm>> -> memref<16xi32, #tpu.memory_space<hbm>>
    tpu.enqueue_dma source(%dma_start3A_13 : memref<16xi32, #tpu.memory_space<hbm>>) target(%arg10 : memref<16xi32, #tpu.memory_space<vmem>>) target_semaphore(%arg21 : memref<!tpu.dma_semaphore, #tpu.memory_space<semaphore_mem>>)
    "tpu.region"() ({
      %run_scoped3A = tpu.sem_alloc : memref<!tpu.dma_semaphore, #tpu.memory_space<semaphore_mem>>
      tpu.enqueue_dma source(%arg4 : memref<128x128xf32, #tpu.memory_space<hbm>>) target(%arg11 : memref<128x128xf32, #tpu.memory_space<vmem>>) target_semaphore(%run_scoped3A : memref<!tpu.dma_semaphore, #tpu.memory_space<semaphore_mem>>)
      tpu.wait_dma2 semaphore(%run_scoped3A : memref<!tpu.dma_semaphore, #tpu.memory_space<semaphore_mem>>) src(%arg4 : memref<128x128xf32, #tpu.memory_space<hbm>>) dst(%arg11 : memref<128x128xf32, #tpu.memory_space<vmem>>)
      tpu.yield
    }) : () -> ()
    %mul3A_14 = arith.constant 624 : i32
    %mul3A_15 = arith.muli %arg1, %mul3A_14 : i32
    %mul3A_16 = arith.constant 624 : i32
    %mul3A_17 = arith.muli %arg1, %mul3A_16 : i32
    "tpu.region"() ({
      %run_scoped3A = tpu.sem_alloc : memref<!tpu.dma_semaphore, #tpu.memory_space<semaphore_mem>>
      %dma_start3A_114 = arith.constant 0 : i32
      %dma_start3A_115 = tpu.memref_slice %arg12[%mul3A_17, %dma_start3A_114] : memref<10000x128xf32, #tpu.memory_space<vmem_shared>> -> memref<624x128xf32, #tpu.memory_space<vmem_shared>>
      %dma_start3A_116 = arith.constant 0 : i32
      %dma_start3A_117 = tpu.memref_slice %arg3[%mul3A_15, %dma_start3A_116] : memref<10000x128xf32, #tpu.memory_space<hbm>> -> memref<624x128xf32, #tpu.memory_space<hbm>>
      tpu.enqueue_dma source(%dma_start3A_117 : memref<624x128xf32, #tpu.memory_space<hbm>>) target(%dma_start3A_115 : memref<624x128xf32, #tpu.memory_space<vmem_shared>>) target_semaphore(%run_scoped3A : memref<!tpu.dma_semaphore, #tpu.memory_space<semaphore_mem>>)
      %dma_wait3A_118 = arith.constant 0 : i32
      %dma_wait3A_119 = tpu.memref_slice %arg12[%mul3A_17, %dma_wait3A_118] : memref<10000x128xf32, #tpu.memory_space<vmem_shared>> -> memref<624x128xf32, #tpu.memory_space<vmem_shared>>
      %dma_wait3A_120 = arith.constant 0 : i32
      %dma_wait3A_121 = tpu.memref_slice %arg3[%mul3A_15, %dma_wait3A_120] : memref<10000x128xf32, #tpu.memory_space<hbm>> -> memref<624x128xf32, #tpu.memory_space<hbm>>
      tpu.wait_dma2 semaphore(%run_scoped3A : memref<!tpu.dma_semaphore, #tpu.memory_space<semaphore_mem>>) src(%dma_wait3A_121 : memref<624x128xf32, #tpu.memory_space<hbm>>) dst(%dma_wait3A_119 : memref<624x128xf32, #tpu.memory_space<vmem_shared>>)
      tpu.yield
    }) : () -> ()
    %eq3A = arith.constant 0 : i32
    %eq3A_18 = arith.cmpi eq, %arg1, %eq3A : i32
    %convert_element_type3A = arith.extui %eq3A_18 : i1 to i32
    %cond3A = arith.constant 0 : i32
    %cond3A_19 = arith.cmpi ne, %convert_element_type3A, %cond3A : i32
    scf.if %cond3A_19 {
      "tpu.region"() ({
        %run_scoped3A = tpu.sem_alloc : memref<!tpu.dma_semaphore, #tpu.memory_space<semaphore_mem>>
        %dma_start3A_114 = arith.constant 9984 : i32
        %dma_start3A_115 = arith.constant 0 : i32
        %dma_start3A_116 = tpu.memref_slice %arg12[%dma_start3A_114, %dma_start3A_115] : memref<10000x128xf32, #tpu.memory_space<vmem_shared>> -> memref<16x128xf32, #tpu.memory_space<vmem_shared>>
        %dma_start3A_117 = arith.constant 9984 : i32
        %dma_start3A_118 = arith.constant 0 : i32
        %dma_start3A_119 = tpu.memref_slice %arg3[%dma_start3A_117, %dma_start3A_118] : memref<10000x128xf32, #tpu.memory_space<hbm>> -> memref<16x128xf32, #tpu.memory_space<hbm>>
        tpu.enqueue_dma source(%dma_start3A_119 : memref<16x128xf32, #tpu.memory_space<hbm>>) target(%dma_start3A_116 : memref<16x128xf32, #tpu.memory_space<vmem_shared>>) target_semaphore(%run_scoped3A : memref<!tpu.dma_semaphore, #tpu.memory_space<semaphore_mem>>)
        %dma_wait3A_120 = arith.constant 9984 : i32
        %dma_wait3A_121 = arith.constant 0 : i32
        %dma_wait3A_122 = tpu.memref_slice %arg12[%dma_wait3A_120, %dma_wait3A_121] : memref<10000x128xf32, #tpu.memory_space<vmem_shared>> -> memref<16x128xf32, #tpu.memory_space<vmem_shared>>
        %dma_wait3A_123 = arith.constant 9984 : i32
        %dma_wait3A_124 = arith.constant 0 : i32
        %dma_wait3A_125 = tpu.memref_slice %arg3[%dma_wait3A_123, %dma_wait3A_124] : memref<10000x128xf32, #tpu.memory_space<hbm>> -> memref<16x128xf32, #tpu.memory_space<hbm>>
        tpu.wait_dma2 semaphore(%run_scoped3A : memref<!tpu.dma_semaphore, #tpu.memory_space<semaphore_mem>>) src(%dma_wait3A_125 : memref<16x128xf32, #tpu.memory_space<hbm>>) dst(%dma_wait3A_122 : memref<16x128xf32, #tpu.memory_space<vmem_shared>>)
        tpu.yield
      }) : () -> ()
    } else {
    }
    %barrier3A = arith.constant 0 : index
    tpu.barrier barrier_id(%barrier3A)
    %add3A_20 = arith.constant 0 : i32
    %add3A_21 = arith.addi %mul3A_2, %add3A_20 : i32
    %dma_wait3A = tpu.memref_slice %arg2[%add3A_21] : memref<320000xi32, #tpu.memory_space<hbm>> -> memref<128xi32, #tpu.memory_space<hbm>>
    %dma_wait3A_22 = tpu.memref_slice %arg2[%add3A_21] : memref<320000xi32, #tpu.memory_space<hbm>> -> memref<128xi32, #tpu.memory_space<hbm>>
    tpu.wait_dma2 semaphore(%arg13 : memref<!tpu.dma_semaphore, #tpu.memory_space<semaphore_mem>>) src(%dma_wait3A_22 : memref<128xi32, #tpu.memory_space<hbm>>) dst(%arg6 : memref<128xi32, #tpu.memory_space<vmem>>)
    %dma_start3A_23 = arith.constant 0 : i32
    %dma_start3A_24 = arith.constant 0 : i32
    %dma_start3A_25 = tpu.memref_slice %arg12[%dma_start3A_23, %dma_start3A_24] : memref<10000x128xf32, #tpu.memory_space<vmem_shared>> -> memref<10000x128xf32, #tpu.memory_space<vmem_shared>>
    tpu.enqueue_indirect_dma source(%arg11 : memref<128x128xf32, #tpu.memory_space<vmem>>) target(%dma_start3A_25 : memref<10000x128xf32, #tpu.memory_space<vmem_shared>>) offsets(%arg6 : memref<128xi32, #tpu.memory_space<vmem>>) semaphore(%arg17 : memref<!tpu.dma_semaphore, #tpu.memory_space<semaphore_mem>>) {add = true}
    %add3A_26 = arith.constant 256 : i32
    %add3A_27 = arith.addi %mul3A_2, %add3A_26 : i32
    %dma_start3A_28 = tpu.memref_slice %arg2[%add3A_27] : memref<320000xi32, #tpu.memory_space<hbm>> -> memref<128xi32, #tpu.memory_space<hbm>>
    %dma_start3A_29 = tpu.memref_slice %arg2[%add3A_27] : memref<320000xi32, #tpu.memory_space<hbm>> -> memref<128xi32, #tpu.memory_space<hbm>>
    tpu.enqueue_dma source(%dma_start3A_29 : memref<128xi32, #tpu.memory_space<hbm>>) target(%arg8 : memref<128xi32, #tpu.memory_space<vmem>>) target_semaphore(%arg15 : memref<!tpu.dma_semaphore, #tpu.memory_space<semaphore_mem>>)
    %add3A_30 = arith.constant 128 : i32
    %add3A_31 = arith.addi %mul3A_2, %add3A_30 : i32
    %dma_wait3A_32 = tpu.memref_slice %arg2[%add3A_31] : memref<320000xi32, #tpu.memory_space<hbm>> -> memref<128xi32, #tpu.memory_space<hbm>>
    %dma_wait3A_33 = tpu.memref_slice %arg2[%add3A_31] : memref<320000xi32, #tpu.memory_space<hbm>> -> memref<128xi32, #tpu.memory_space<hbm>>
    tpu.wait_dma2 semaphore(%arg14 : memref<!tpu.dma_semaphore, #tpu.memory_space<semaphore_mem>>) src(%dma_wait3A_33 : memref<128xi32, #tpu.memory_space<hbm>>) dst(%arg7 : memref<128xi32, #tpu.memory_space<vmem>>)
    %dma_start3A_34 = arith.constant 0 : i32
    %dma_start3A_35 = arith.constant 0 : i32
    %dma_start3A_36 = tpu.memref_slice %arg12[%dma_start3A_34, %dma_start3A_35] : memref<10000x128xf32, #tpu.memory_space<vmem_shared>> -> memref<10000x128xf32, #tpu.memory_space<vmem_shared>>
    tpu.enqueue_indirect_dma source(%arg11 : memref<128x128xf32, #tpu.memory_space<vmem>>) target(%dma_start3A_36 : memref<10000x128xf32, #tpu.memory_space<vmem_shared>>) offsets(%arg7 : memref<128xi32, #tpu.memory_space<vmem>>) semaphore(%arg18 : memref<!tpu.dma_semaphore, #tpu.memory_space<semaphore_mem>>) {add = true}
    %add3A_37 = arith.constant 384 : i32
    %add3A_38 = arith.addi %mul3A_2, %add3A_37 : i32
    %dma_start3A_39 = tpu.memref_slice %arg2[%add3A_38] : memref<320000xi32, #tpu.memory_space<hbm>> -> memref<128xi32, #tpu.memory_space<hbm>>
    %dma_start3A_40 = tpu.memref_slice %arg2[%add3A_38] : memref<320000xi32, #tpu.memory_space<hbm>> -> memref<128xi32, #tpu.memory_space<hbm>>
    tpu.enqueue_dma source(%dma_start3A_40 : memref<128xi32, #tpu.memory_space<hbm>>) target(%arg9 : memref<128xi32, #tpu.memory_space<vmem>>) target_semaphore(%arg16 : memref<!tpu.dma_semaphore, #tpu.memory_space<semaphore_mem>>)
    %add3A_41 = arith.constant 256 : i32
    %add3A_42 = arith.addi %mul3A_2, %add3A_41 : i32
    %dma_wait3A_43 = tpu.memref_slice %arg2[%add3A_42] : memref<320000xi32, #tpu.memory_space<hbm>> -> memref<128xi32, #tpu.memory_space<hbm>>
    %dma_wait3A_44 = tpu.memref_slice %arg2[%add3A_42] : memref<320000xi32, #tpu.memory_space<hbm>> -> memref<128xi32, #tpu.memory_space<hbm>>
    tpu.wait_dma2 semaphore(%arg15 : memref<!tpu.dma_semaphore, #tpu.memory_space<semaphore_mem>>) src(%dma_wait3A_44 : memref<128xi32, #tpu.memory_space<hbm>>) dst(%arg8 : memref<128xi32, #tpu.memory_space<vmem>>)
    %dma_start3A_45 = arith.constant 0 : i32
    %dma_start3A_46 = arith.constant 0 : i32
    %dma_start3A_47 = tpu.memref_slice %arg12[%dma_start3A_45, %dma_start3A_46] : memref<10000x128xf32, #tpu.memory_space<vmem_shared>> -> memref<10000x128xf32, #tpu.memory_space<vmem_shared>>
    tpu.enqueue_indirect_dma source(%arg11 : memref<128x128xf32, #tpu.memory_space<vmem>>) target(%dma_start3A_47 : memref<10000x128xf32, #tpu.memory_space<vmem_shared>>) offsets(%arg8 : memref<128xi32, #tpu.memory_space<vmem>>) semaphore(%arg19 : memref<!tpu.dma_semaphore, #tpu.memory_space<semaphore_mem>>) {add = true}
    %dma_wait3A_48 = arith.constant 0 : i32
    %dma_wait3A_49 = arith.constant 0 : i32
    %dma_wait3A_50 = tpu.memref_slice %arg12[%dma_wait3A_48, %dma_wait3A_49] : memref<10000x128xf32, #tpu.memory_space<vmem_shared>> -> memref<10000x128xf32, #tpu.memory_space<vmem_shared>>
    tpu.wait_indirect_dma semaphore(%arg17 : memref<!tpu.dma_semaphore, #tpu.memory_space<semaphore_mem>>) src(%arg11 : memref<128x128xf32, #tpu.memory_space<vmem>>) dst(%dma_wait3A_50 : memref<10000x128xf32, #tpu.memory_space<vmem_shared>>)
    %add3A_51 = arith.constant 512 : i32
    %add3A_52 = arith.addi %mul3A_2, %add3A_51 : i32
    %dma_start3A_53 = tpu.memref_slice %arg2[%add3A_52] : memref<320000xi32, #tpu.memory_space<hbm>> -> memref<128xi32, #tpu.memory_space<hbm>>
    %dma_start3A_54 = tpu.memref_slice %arg2[%add3A_52] : memref<320000xi32, #tpu.memory_space<hbm>> -> memref<128xi32, #tpu.memory_space<hbm>>
    tpu.enqueue_dma source(%dma_start3A_54 : memref<128xi32, #tpu.memory_space<hbm>>) target(%arg6 : memref<128xi32, #tpu.memory_space<vmem>>) target_semaphore(%arg13 : memref<!tpu.dma_semaphore, #tpu.memory_space<semaphore_mem>>)
    %add3A_55 = arith.constant 384 : i32
    %add3A_56 = arith.addi %mul3A_2, %add3A_55 : i32
    %dma_wait3A_57 = tpu.memref_slice %arg2[%add3A_56] : memref<320000xi32, #tpu.memory_space<hbm>> -> memref<128xi32, #tpu.memory_space<hbm>>
    %dma_wait3A_58 = tpu.memref_slice %arg2[%add3A_56] : memref<320000xi32, #tpu.memory_space<hbm>> -> memref<128xi32, #tpu.memory_space<hbm>>
    tpu.wait_dma2 semaphore(%arg16 : memref<!tpu.dma_semaphore, #tpu.memory_space<semaphore_mem>>) src(%dma_wait3A_58 : memref<128xi32, #tpu.memory_space<hbm>>) dst(%arg9 : memref<128xi32, #tpu.memory_space<vmem>>)
    %dma_start3A_59 = arith.constant 0 : i32
    %dma_start3A_60 = arith.constant 0 : i32
    %dma_start3A_61 = tpu.memref_slice %arg12[%dma_start3A_59, %dma_start3A_60] : memref<10000x128xf32, #tpu.memory_space<vmem_shared>> -> memref<10000x128xf32, #tpu.memory_space<vmem_shared>>
    tpu.enqueue_indirect_dma source(%arg11 : memref<128x128xf32, #tpu.memory_space<vmem>>) target(%dma_start3A_61 : memref<10000x128xf32, #tpu.memory_space<vmem_shared>>) offsets(%arg9 : memref<128xi32, #tpu.memory_space<vmem>>) semaphore(%arg20 : memref<!tpu.dma_semaphore, #tpu.memory_space<semaphore_mem>>) {add = true}
    %dma_wait3A_62 = arith.constant 0 : i32
    %dma_wait3A_63 = arith.constant 0 : i32
    %dma_wait3A_64 = tpu.memref_slice %arg12[%dma_wait3A_62, %dma_wait3A_63] : memref<10000x128xf32, #tpu.memory_space<vmem_shared>> -> memref<10000x128xf32, #tpu.memory_space<vmem_shared>>
    tpu.wait_indirect_dma semaphore(%arg18 : memref<!tpu.dma_semaphore, #tpu.memory_space<semaphore_mem>>) src(%arg11 : memref<128x128xf32, #tpu.memory_space<vmem>>) dst(%dma_wait3A_64 : memref<10000x128xf32, #tpu.memory_space<vmem_shared>>)
    %add3A_65 = arith.constant 640 : i32
    %add3A_66 = arith.addi %mul3A_2, %add3A_65 : i32
    %dma_start3A_67 = tpu.memref_slice %arg2[%add3A_66] : memref<320000xi32, #tpu.memory_space<hbm>> -> memref<128xi32, #tpu.memory_space<hbm>>
    %dma_start3A_68 = tpu.memref_slice %arg2[%add3A_66] : memref<320000xi32, #tpu.memory_space<hbm>> -> memref<128xi32, #tpu.memory_space<hbm>>
    tpu.enqueue_dma source(%dma_start3A_68 : memref<128xi32, #tpu.memory_space<hbm>>) target(%arg7 : memref<128xi32, #tpu.memory_space<vmem>>) target_semaphore(%arg14 : memref<!tpu.dma_semaphore, #tpu.memory_space<semaphore_mem>>)
    %scan3A = arith.constant 0 : i32
    %scan3A_69 = arith.constant 1 : i32
    %scan3A_70 = arith.constant 18 : i32
    %scan3A_71 = arith.addi %scan3A_69, %scan3A_70 : i32
    %scan3A_72 = arith.constant 1 : i32
    scf.for %scan3A_114 = %scan3A_69 to %scan3A_71 step %scan3A_72  : i32 {
      %mul3A_115 = arith.constant 4 : i32
      %mul3A_116 = arith.muli %mul3A_115, %scan3A_114 : i32
      %add3A_117 = arith.constant 0 : i32
      %add3A_118 = arith.addi %mul3A_116, %add3A_117 : i32
      %mul3A_119 = arith.constant 128 : i32
      %mul3A_120 = arith.muli %add3A_118, %mul3A_119 : i32
      %add3A_121 = arith.addi %mul3A_2, %mul3A_120 : i32
      %dma_wait3A_122 = tpu.memref_slice %arg2[%add3A_121] : memref<320000xi32, #tpu.memory_space<hbm>> -> memref<128xi32, #tpu.memory_space<hbm>>
      %dma_wait3A_123 = tpu.memref_slice %arg2[%add3A_121] : memref<320000xi32, #tpu.memory_space<hbm>> -> memref<128xi32, #tpu.memory_space<hbm>>
      tpu.wait_dma2 semaphore(%arg13 : memref<!tpu.dma_semaphore, #tpu.memory_space<semaphore_mem>>) src(%dma_wait3A_123 : memref<128xi32, #tpu.memory_space<hbm>>) dst(%arg6 : memref<128xi32, #tpu.memory_space<vmem>>)
      %dma_start3A_124 = arith.constant 0 : i32
      %dma_start3A_125 = arith.constant 0 : i32
      %dma_start3A_126 = tpu.memref_slice %arg12[%dma_start3A_124, %dma_start3A_125] : memref<10000x128xf32, #tpu.memory_space<vmem_shared>> -> memref<10000x128xf32, #tpu.memory_space<vmem_shared>>
      tpu.enqueue_indirect_dma source(%arg11 : memref<128x128xf32, #tpu.memory_space<vmem>>) target(%dma_start3A_126 : memref<10000x128xf32, #tpu.memory_space<vmem_shared>>) offsets(%arg6 : memref<128xi32, #tpu.memory_space<vmem>>) semaphore(%arg17 : memref<!tpu.dma_semaphore, #tpu.memory_space<semaphore_mem>>) {add = true}
      %dma_wait3A_127 = arith.constant 0 : i32
      %dma_wait3A_128 = arith.constant 0 : i32
      %dma_wait3A_129 = tpu.memref_slice %arg12[%dma_wait3A_127, %dma_wait3A_128] : memref<10000x128xf32, #tpu.memory_space<vmem_shared>> -> memref<10000x128xf32, #tpu.memory_space<vmem_shared>>
      tpu.wait_indirect_dma semaphore(%arg19 : memref<!tpu.dma_semaphore, #tpu.memory_space<semaphore_mem>>) src(%arg11 : memref<128x128xf32, #tpu.memory_space<vmem>>) dst(%dma_wait3A_129 : memref<10000x128xf32, #tpu.memory_space<vmem_shared>>)
      %add3A_130 = arith.constant 2 : i32
      %add3A_131 = arith.addi %add3A_118, %add3A_130 : i32
      %mul3A_132 = arith.constant 128 : i32
      %mul3A_133 = arith.muli %add3A_131, %mul3A_132 : i32
      %add3A_134 = arith.addi %mul3A_2, %mul3A_133 : i32
      %dma_start3A_135 = tpu.memref_slice %arg2[%add3A_134] : memref<320000xi32, #tpu.memory_space<hbm>> -> memref<128xi32, #tpu.memory_space<hbm>>
      %dma_start3A_136 = tpu.memref_slice %arg2[%add3A_134] : memref<320000xi32, #tpu.memory_space<hbm>> -> memref<128xi32, #tpu.memory_space<hbm>>
      tpu.enqueue_dma source(%dma_start3A_136 : memref<128xi32, #tpu.memory_space<hbm>>) target(%arg8 : memref<128xi32, #tpu.memory_space<vmem>>) target_semaphore(%arg15 : memref<!tpu.dma_semaphore, #tpu.memory_space<semaphore_mem>>)
      %add3A_137 = arith.constant 1 : i32
      %add3A_138 = arith.addi %mul3A_116, %add3A_137 : i32
      %mul3A_139 = arith.constant 128 : i32
      %mul3A_140 = arith.muli %add3A_138, %mul3A_139 : i32
      %add3A_141 = arith.addi %mul3A_2, %mul3A_140 : i32
      %dma_wait3A_142 = tpu.memref_slice %arg2[%add3A_141] : memref<320000xi32, #tpu.memory_space<hbm>> -> memref<128xi32, #tpu.memory_space<hbm>>
      %dma_wait3A_143 = tpu.memref_slice %arg2[%add3A_141] : memref<320000xi32, #tpu.memory_space<hbm>> -> memref<128xi32, #tpu.memory_space<hbm>>
      tpu.wait_dma2 semaphore(%arg14 : memref<!tpu.dma_semaphore, #tpu.memory_space<semaphore_mem>>) src(%dma_wait3A_143 : memref<128xi32, #tpu.memory_space<hbm>>) dst(%arg7 : memref<128xi32, #tpu.memory_space<vmem>>)
      %dma_start3A_144 = arith.constant 0 : i32
      %dma_start3A_145 = arith.constant 0 : i32
      %dma_start3A_146 = tpu.memref_slice %arg12[%dma_start3A_144, %dma_start3A_145] : memref<10000x128xf32, #tpu.memory_space<vmem_shared>> -> memref<10000x128xf32, #tpu.memory_space<vmem_shared>>
      tpu.enqueue_indirect_dma source(%arg11 : memref<128x128xf32, #tpu.memory_space<vmem>>) target(%dma_start3A_146 : memref<10000x128xf32, #tpu.memory_space<vmem_shared>>) offsets(%arg7 : memref<128xi32, #tpu.memory_space<vmem>>) semaphore(%arg18 : memref<!tpu.dma_semaphore, #tpu.memory_space<semaphore_mem>>) {add = true}
      %dma_wait3A_147 = arith.constant 0 : i32
      %dma_wait3A_148 = arith.constant 0 : i32
      %dma_wait3A_149 = tpu.memref_slice %arg12[%dma_wait3A_147, %dma_wait3A_148] : memref<10000x128xf32, #tpu.memory_space<vmem_shared>> -> memref<10000x128xf32, #tpu.memory_space<vmem_shared>>
      tpu.wait_indirect_dma semaphore(%arg20 : memref<!tpu.dma_semaphore, #tpu.memory_space<semaphore_mem>>) src(%arg11 : memref<128x128xf32, #tpu.memory_space<vmem>>) dst(%dma_wait3A_149 : memref<10000x128xf32, #tpu.memory_space<vmem_shared>>)
      %add3A_150 = arith.constant 2 : i32
      %add3A_151 = arith.addi %add3A_138, %add3A_150 : i32
      %mul3A_152 = arith.constant 128 : i32
      %mul3A_153 = arith.muli %add3A_151, %mul3A_152 : i32
      %add3A_154 = arith.addi %mul3A_2, %mul3A_153 : i32
      %dma_start3A_155 = tpu.memref_slice %arg2[%add3A_154] : memref<320000xi32, #tpu.memory_space<hbm>> -> memref<128xi32, #tpu.memory_space<hbm>>
      %dma_start3A_156 = tpu.memref_slice %arg2[%add3A_154] : memref<320000xi32, #tpu.memory_space<hbm>> -> memref<128xi32, #tpu.memory_space<hbm>>
      tpu.enqueue_dma source(%dma_start3A_156 : memref<128xi32, #tpu.memory_space<hbm>>) target(%arg9 : memref<128xi32, #tpu.memory_space<vmem>>) target_semaphore(%arg16 : memref<!tpu.dma_semaphore, #tpu.memory_space<semaphore_mem>>)
      %add3A_157 = arith.constant 2 : i32
      %add3A_158 = arith.addi %mul3A_116, %add3A_157 : i32
      %mul3A_159 = arith.constant 128 : i32
      %mul3A_160 = arith.muli %add3A_158, %mul3A_159 : i32
      %add3A_161 = arith.addi %mul3A_2, %mul3A_160 : i32
      %dma_wait3A_162 = tpu.memref_slice %arg2[%add3A_161] : memref<320000xi32, #tpu.memory_space<hbm>> -> memref<128xi32, #tpu.memory_space<hbm>>
      %dma_wait3A_163 = tpu.memref_slice %arg2[%add3A_161] : memref<320000xi32, #tpu.memory_space<hbm>> -> memref<128xi32, #tpu.memory_space<hbm>>
      tpu.wait_dma2 semaphore(%arg15 : memref<!tpu.dma_semaphore, #tpu.memory_space<semaphore_mem>>) src(%dma_wait3A_163 : memref<128xi32, #tpu.memory_space<hbm>>) dst(%arg8 : memref<128xi32, #tpu.memory_space<vmem>>)
      %dma_start3A_164 = arith.constant 0 : i32
      %dma_start3A_165 = arith.constant 0 : i32
      %dma_start3A_166 = tpu.memref_slice %arg12[%dma_start3A_164, %dma_start3A_165] : memref<10000x128xf32, #tpu.memory_space<vmem_shared>> -> memref<10000x128xf32, #tpu.memory_space<vmem_shared>>
      tpu.enqueue_indirect_dma source(%arg11 : memref<128x128xf32, #tpu.memory_space<vmem>>) target(%dma_start3A_166 : memref<10000x128xf32, #tpu.memory_space<vmem_shared>>) offsets(%arg8 : memref<128xi32, #tpu.memory_space<vmem>>) semaphore(%arg19 : memref<!tpu.dma_semaphore, #tpu.memory_space<semaphore_mem>>) {add = true}
      %dma_wait3A_167 = arith.constant 0 : i32
      %dma_wait3A_168 = arith.constant 0 : i32
      %dma_wait3A_169 = tpu.memref_slice %arg12[%dma_wait3A_167, %dma_wait3A_168] : memref<10000x128xf32, #tpu.memory_space<vmem_shared>> -> memref<10000x128xf32, #tpu.memory_space<vmem_shared>>
      tpu.wait_indirect_dma semaphore(%arg17 : memref<!tpu.dma_semaphore, #tpu.memory_space<semaphore_mem>>) src(%arg11 : memref<128x128xf32, #tpu.memory_space<vmem>>) dst(%dma_wait3A_169 : memref<10000x128xf32, #tpu.memory_space<vmem_shared>>)
      %add3A_170 = arith.constant 2 : i32
      %add3A_171 = arith.addi %add3A_158, %add3A_170 : i32
      %mul3A_172 = arith.constant 128 : i32
      %mul3A_173 = arith.muli %add3A_171, %mul3A_172 : i32
      %add3A_174 = arith.addi %mul3A_2, %mul3A_173 : i32
      %dma_start3A_175 = tpu.memref_slice %arg2[%add3A_174] : memref<320000xi32, #tpu.memory_space<hbm>> -> memref<128xi32, #tpu.memory_space<hbm>>
      %dma_start3A_176 = tpu.memref_slice %arg2[%add3A_174] : memref<320000xi32, #tpu.memory_space<hbm>> -> memref<128xi32, #tpu.memory_space<hbm>>
      tpu.enqueue_dma source(%dma_start3A_176 : memref<128xi32, #tpu.memory_space<hbm>>) target(%arg6 : memref<128xi32, #tpu.memory_space<vmem>>) target_semaphore(%arg13 : memref<!tpu.dma_semaphore, #tpu.memory_space<semaphore_mem>>)
      %add3A_177 = arith.constant 3 : i32
      %add3A_178 = arith.addi %mul3A_116, %add3A_177 : i32
      %mul3A_179 = arith.constant 128 : i32
      %mul3A_180 = arith.muli %add3A_178, %mul3A_179 : i32
      %add3A_181 = arith.addi %mul3A_2, %mul3A_180 : i32
      %dma_wait3A_182 = tpu.memref_slice %arg2[%add3A_181] : memref<320000xi32, #tpu.memory_space<hbm>> -> memref<128xi32, #tpu.memory_space<hbm>>
      %dma_wait3A_183 = tpu.memref_slice %arg2[%add3A_181] : memref<320000xi32, #tpu.memory_space<hbm>> -> memref<128xi32, #tpu.memory_space<hbm>>
      tpu.wait_dma2 semaphore(%arg16 : memref<!tpu.dma_semaphore, #tpu.memory_space<semaphore_mem>>) src(%dma_wait3A_183 : memref<128xi32, #tpu.memory_space<hbm>>) dst(%arg9 : memref<128xi32, #tpu.memory_space<vmem>>)
      %dma_start3A_184 = arith.constant 0 : i32
      %dma_start3A_185 = arith.constant 0 : i32
      %dma_start3A_186 = tpu.memref_slice %arg12[%dma_start3A_184, %dma_start3A_185] : memref<10000x128xf32, #tpu.memory_space<vmem_shared>> -> memref<10000x128xf32, #tpu.memory_space<vmem_shared>>
      tpu.enqueue_indirect_dma source(%arg11 : memref<128x128xf32, #tpu.memory_space<vmem>>) target(%dma_start3A_186 : memref<10000x128xf32, #tpu.memory_space<vmem_shared>>) offsets(%arg9 : memref<128xi32, #tpu.memory_space<vmem>>) semaphore(%arg20 : memref<!tpu.dma_semaphore, #tpu.memory_space<semaphore_mem>>) {add = true}
      %dma_wait3A_187 = arith.constant 0 : i32
      %dma_wait3A_188 = arith.constant 0 : i32
      %dma_wait3A_189 = tpu.memref_slice %arg12[%dma_wait3A_187, %dma_wait3A_188] : memref<10000x128xf32, #tpu.memory_space<vmem_shared>> -> memref<10000x128xf32, #tpu.memory_space<vmem_shared>>
      tpu.wait_indirect_dma semaphore(%arg18 : memref<!tpu.dma_semaphore, #tpu.memory_space<semaphore_mem>>) src(%arg11 : memref<128x128xf32, #tpu.memory_space<vmem>>) dst(%dma_wait3A_189 : memref<10000x128xf32, #tpu.memory_space<vmem_shared>>)
      %add3A_190 = arith.constant 2 : i32
      %add3A_191 = arith.addi %add3A_178, %add3A_190 : i32
      %mul3A_192 = arith.constant 128 : i32
      %mul3A_193 = arith.muli %add3A_191, %mul3A_192 : i32
      %add3A_194 = arith.addi %mul3A_2, %mul3A_193 : i32
      %dma_start3A_195 = tpu.memref_slice %arg2[%add3A_194] : memref<320000xi32, #tpu.memory_space<hbm>> -> memref<128xi32, #tpu.memory_space<hbm>>
      %dma_start3A_196 = tpu.memref_slice %arg2[%add3A_194] : memref<320000xi32, #tpu.memory_space<hbm>> -> memref<128xi32, #tpu.memory_space<hbm>>
      tpu.enqueue_dma source(%dma_start3A_196 : memref<128xi32, #tpu.memory_space<hbm>>) target(%arg7 : memref<128xi32, #tpu.memory_space<vmem>>) target_semaphore(%arg14 : memref<!tpu.dma_semaphore, #tpu.memory_space<semaphore_mem>>)
    }
    %scan3A_73 = arith.constant 18 : i32
    %add3A_74 = arith.constant 9728 : i32
    %add3A_75 = arith.addi %mul3A_2, %add3A_74 : i32
    %dma_wait3A_76 = tpu.memref_slice %arg2[%add3A_75] : memref<320000xi32, #tpu.memory_space<hbm>> -> memref<128xi32, #tpu.memory_space<hbm>>
    %dma_wait3A_77 = tpu.memref_slice %arg2[%add3A_75] : memref<320000xi32, #tpu.memory_space<hbm>> -> memref<128xi32, #tpu.memory_space<hbm>>
    tpu.wait_dma2 semaphore(%arg13 : memref<!tpu.dma_semaphore, #tpu.memory_space<semaphore_mem>>) src(%dma_wait3A_77 : memref<128xi32, #tpu.memory_space<hbm>>) dst(%arg6 : memref<128xi32, #tpu.memory_space<vmem>>)
    %dma_start3A_78 = arith.constant 0 : i32
    %dma_start3A_79 = arith.constant 0 : i32
    %dma_start3A_80 = tpu.memref_slice %arg12[%dma_start3A_78, %dma_start3A_79] : memref<10000x128xf32, #tpu.memory_space<vmem_shared>> -> memref<10000x128xf32, #tpu.memory_space<vmem_shared>>
    tpu.enqueue_indirect_dma source(%arg11 : memref<128x128xf32, #tpu.memory_space<vmem>>) target(%dma_start3A_80 : memref<10000x128xf32, #tpu.memory_space<vmem_shared>>) offsets(%arg6 : memref<128xi32, #tpu.memory_space<vmem>>) semaphore(%arg17 : memref<!tpu.dma_semaphore, #tpu.memory_space<semaphore_mem>>) {add = true}
    %add3A_81 = arith.constant 9856 : i32
    %add3A_82 = arith.addi %mul3A_2, %add3A_81 : i32
    %dma_wait3A_83 = tpu.memref_slice %arg2[%add3A_82] : memref<320000xi32, #tpu.memory_space<hbm>> -> memref<128xi32, #tpu.memory_space<hbm>>
    %dma_wait3A_84 = tpu.memref_slice %arg2[%add3A_82] : memref<320000xi32, #tpu.memory_space<hbm>> -> memref<128xi32, #tpu.memory_space<hbm>>
    tpu.wait_dma2 semaphore(%arg14 : memref<!tpu.dma_semaphore, #tpu.memory_space<semaphore_mem>>) src(%dma_wait3A_84 : memref<128xi32, #tpu.memory_space<hbm>>) dst(%arg7 : memref<128xi32, #tpu.memory_space<vmem>>)
    %dma_start3A_85 = arith.constant 0 : i32
    %dma_start3A_86 = arith.constant 0 : i32
    %dma_start3A_87 = tpu.memref_slice %arg12[%dma_start3A_85, %dma_start3A_86] : memref<10000x128xf32, #tpu.memory_space<vmem_shared>> -> memref<10000x128xf32, #tpu.memory_space<vmem_shared>>
    tpu.enqueue_indirect_dma source(%arg11 : memref<128x128xf32, #tpu.memory_space<vmem>>) target(%dma_start3A_87 : memref<10000x128xf32, #tpu.memory_space<vmem_shared>>) offsets(%arg7 : memref<128xi32, #tpu.memory_space<vmem>>) semaphore(%arg18 : memref<!tpu.dma_semaphore, #tpu.memory_space<semaphore_mem>>) {add = true}
    %add3A_88 = arith.constant 9984 : i32
    %add3A_89 = arith.addi %mul3A_2, %add3A_88 : i32
    %dma_wait3A_90 = tpu.memref_slice %arg2[%add3A_89] : memref<320000xi32, #tpu.memory_space<hbm>> -> memref<16xi32, #tpu.memory_space<hbm>>
    %dma_wait3A_91 = tpu.memref_slice %arg2[%add3A_89] : memref<320000xi32, #tpu.memory_space<hbm>> -> memref<16xi32, #tpu.memory_space<hbm>>
    tpu.wait_dma2 semaphore(%arg21 : memref<!tpu.dma_semaphore, #tpu.memory_space<semaphore_mem>>) src(%dma_wait3A_91 : memref<16xi32, #tpu.memory_space<hbm>>) dst(%arg10 : memref<16xi32, #tpu.memory_space<vmem>>)
    "tpu.region"() ({
      %run_scoped3A = tpu.sem_alloc : memref<!tpu.dma_semaphore, #tpu.memory_space<semaphore_mem>>
      %dma_start3A_114 = arith.constant 0 : i32
      %dma_start3A_115 = arith.constant 0 : i32
      %dma_start3A_116 = tpu.memref_slice %arg11[%dma_start3A_114, %dma_start3A_115] : memref<128x128xf32, #tpu.memory_space<vmem>> -> memref<16x128xf32, #tpu.memory_space<vmem>>
      %dma_start3A_117 = arith.constant 0 : i32
      %dma_start3A_118 = arith.constant 0 : i32
      %dma_start3A_119 = tpu.memref_slice %arg12[%dma_start3A_117, %dma_start3A_118] : memref<10000x128xf32, #tpu.memory_space<vmem_shared>> -> memref<10000x128xf32, #tpu.memory_space<vmem_shared>>
      tpu.enqueue_indirect_dma source(%dma_start3A_116 : memref<16x128xf32, #tpu.memory_space<vmem>>) target(%dma_start3A_119 : memref<10000x128xf32, #tpu.memory_space<vmem_shared>>) offsets(%arg10 : memref<16xi32, #tpu.memory_space<vmem>>) semaphore(%run_scoped3A : memref<!tpu.dma_semaphore, #tpu.memory_space<semaphore_mem>>) {add = true}
      %dma_wait3A_120 = arith.constant 0 : i32
      %dma_wait3A_121 = arith.constant 0 : i32
      %dma_wait3A_122 = tpu.memref_slice %arg11[%dma_wait3A_120, %dma_wait3A_121] : memref<128x128xf32, #tpu.memory_space<vmem>> -> memref<16x128xf32, #tpu.memory_space<vmem>>
      %dma_wait3A_123 = arith.constant 0 : i32
      %dma_wait3A_124 = arith.constant 0 : i32
      %dma_wait3A_125 = tpu.memref_slice %arg12[%dma_wait3A_123, %dma_wait3A_124] : memref<10000x128xf32, #tpu.memory_space<vmem_shared>> -> memref<10000x128xf32, #tpu.memory_space<vmem_shared>>
      tpu.wait_indirect_dma semaphore(%run_scoped3A : memref<!tpu.dma_semaphore, #tpu.memory_space<semaphore_mem>>) src(%dma_wait3A_122 : memref<16x128xf32, #tpu.memory_space<vmem>>) dst(%dma_wait3A_125 : memref<10000x128xf32, #tpu.memory_space<vmem_shared>>)
      tpu.yield
    }) : () -> ()
    %dma_wait3A_92 = arith.constant 0 : i32
    %dma_wait3A_93 = arith.constant 0 : i32
    %dma_wait3A_94 = tpu.memref_slice %arg12[%dma_wait3A_92, %dma_wait3A_93] : memref<10000x128xf32, #tpu.memory_space<vmem_shared>> -> memref<10000x128xf32, #tpu.memory_space<vmem_shared>>
    tpu.wait_indirect_dma semaphore(%arg19 : memref<!tpu.dma_semaphore, #tpu.memory_space<semaphore_mem>>) src(%arg11 : memref<128x128xf32, #tpu.memory_space<vmem>>) dst(%dma_wait3A_94 : memref<10000x128xf32, #tpu.memory_space<vmem_shared>>)
    %dma_wait3A_95 = arith.constant 0 : i32
    %dma_wait3A_96 = arith.constant 0 : i32
    %dma_wait3A_97 = tpu.memref_slice %arg12[%dma_wait3A_95, %dma_wait3A_96] : memref<10000x128xf32, #tpu.memory_space<vmem_shared>> -> memref<10000x128xf32, #tpu.memory_space<vmem_shared>>
    tpu.wait_indirect_dma semaphore(%arg20 : memref<!tpu.dma_semaphore, #tpu.memory_space<semaphore_mem>>) src(%arg11 : memref<128x128xf32, #tpu.memory_space<vmem>>) dst(%dma_wait3A_97 : memref<10000x128xf32, #tpu.memory_space<vmem_shared>>)
    %dma_wait3A_98 = arith.constant 0 : i32
    %dma_wait3A_99 = arith.constant 0 : i32
    %dma_wait3A_100 = tpu.memref_slice %arg12[%dma_wait3A_98, %dma_wait3A_99] : memref<10000x128xf32, #tpu.memory_space<vmem_shared>> -> memref<10000x128xf32, #tpu.memory_space<vmem_shared>>
    tpu.wait_indirect_dma semaphore(%arg17 : memref<!tpu.dma_semaphore, #tpu.memory_space<semaphore_mem>>) src(%arg11 : memref<128x128xf32, #tpu.memory_space<vmem>>) dst(%dma_wait3A_100 : memref<10000x128xf32, #tpu.memory_space<vmem_shared>>)
    %dma_wait3A_101 = arith.constant 0 : i32
    %dma_wait3A_102 = arith.constant 0 : i32
    %dma_wait3A_103 = tpu.memref_slice %arg12[%dma_wait3A_101, %dma_wait3A_102] : memref<10000x128xf32, #tpu.memory_space<vmem_shared>> -> memref<10000x128xf32, #tpu.memory_space<vmem_shared>>
    tpu.wait_indirect_dma semaphore(%arg18 : memref<!tpu.dma_semaphore, #tpu.memory_space<semaphore_mem>>) src(%arg11 : memref<128x128xf32, #tpu.memory_space<vmem>>) dst(%dma_wait3A_103 : memref<10000x128xf32, #tpu.memory_space<vmem_shared>>)
    %barrier3A_104 = arith.constant 0 : index
    tpu.barrier barrier_id(%barrier3A_104)
    %mul3A_105 = arith.constant 624 : i32
    %mul3A_106 = arith.muli %arg1, %mul3A_105 : i32
    %mul3A_107 = arith.constant 624 : i32
    %mul3A_108 = arith.muli %arg1, %mul3A_107 : i32
    "tpu.region"() ({
      %run_scoped3A = tpu.sem_alloc : memref<!tpu.dma_semaphore, #tpu.memory_space<semaphore_mem>>
      %dma_start3A_114 = arith.constant 0 : i32
      %dma_start3A_115 = tpu.memref_slice %arg5[%arg0, %mul3A_108, %dma_start3A_114] : memref<2x10000x128xf32, #tpu.memory_space<hbm>> -> memref<1x624x128xf32, #tpu.memory_space<hbm>>
      %dma_start3A_116 = tpu.memref_squeeze %dma_start3A_115 : memref<1x624x128xf32, #tpu.memory_space<hbm>> -> memref<624x128xf32, #tpu.memory_space<hbm>>
      %dma_start3A_117 = arith.constant 0 : i32
      %dma_start3A_118 = tpu.memref_slice %arg12[%mul3A_106, %dma_start3A_117] : memref<10000x128xf32, #tpu.memory_space<vmem_shared>> -> memref<624x128xf32, #tpu.memory_space<vmem_shared>>
      tpu.enqueue_dma source(%dma_start3A_118 : memref<624x128xf32, #tpu.memory_space<vmem_shared>>) target(%dma_start3A_116 : memref<624x128xf32, #tpu.memory_space<hbm>>) target_semaphore(%run_scoped3A : memref<!tpu.dma_semaphore, #tpu.memory_space<semaphore_mem>>)
      %dma_wait3A_119 = arith.constant 0 : i32
      %dma_wait3A_120 = tpu.memref_slice %arg5[%arg0, %mul3A_108, %dma_wait3A_119] : memref<2x10000x128xf32, #tpu.memory_space<hbm>> -> memref<1x624x128xf32, #tpu.memory_space<hbm>>
      %dma_wait3A_121 = tpu.memref_squeeze %dma_wait3A_120 : memref<1x624x128xf32, #tpu.memory_space<hbm>> -> memref<624x128xf32, #tpu.memory_space<hbm>>
      %dma_wait3A_122 = arith.constant 0 : i32
      %dma_wait3A_123 = tpu.memref_slice %arg12[%mul3A_106, %dma_wait3A_122] : memref<10000x128xf32, #tpu.memory_space<vmem_shared>> -> memref<624x128xf32, #tpu.memory_space<vmem_shared>>
      tpu.wait_dma2 semaphore(%run_scoped3A : memref<!tpu.dma_semaphore, #tpu.memory_space<semaphore_mem>>) src(%dma_wait3A_123 : memref<624x128xf32, #tpu.memory_space<vmem_shared>>) dst(%dma_wait3A_121 : memref<624x128xf32, #tpu.memory_space<hbm>>)
      tpu.yield
    }) : () -> ()
    %eq3A_109 = arith.constant 0 : i32
    %eq3A_110 = arith.cmpi eq, %arg1, %eq3A_109 : i32
    %convert_element_type3A_111 = arith.extui %eq3A_110 : i1 to i32
    %cond3A_112 = arith.constant 0 : i32
    %cond3A_113 = arith.cmpi ne, %convert_element_type3A_111, %cond3A_112 : i32
    scf.if %cond3A_113 {
      "tpu.region"() ({
        %run_scoped3A = tpu.sem_alloc : memref<!tpu.dma_semaphore, #tpu.memory_space<semaphore_mem>>
        %dma_start3A_114 = arith.constant 9984 : i32
        %dma_start3A_115 = arith.constant 0 : i32
        %dma_start3A_116 = tpu.memref_slice %arg5[%arg0, %dma_start3A_114, %dma_start3A_115] : memref<2x10000x128xf32, #tpu.memory_space<hbm>> -> memref<1x16x128xf32, #tpu.memory_space<hbm>>
        %dma_start3A_117 = tpu.memref_squeeze %dma_start3A_116 : memref<1x16x128xf32, #tpu.memory_space<hbm>> -> memref<16x128xf32, #tpu.memory_space<hbm>>
        %dma_start3A_118 = arith.constant 9984 : i32
        %dma_start3A_119 = arith.constant 0 : i32
        %dma_start3A_120 = tpu.memref_slice %arg12[%dma_start3A_118, %dma_start3A_119] : memref<10000x128xf32, #tpu.memory_space<vmem_shared>> -> memref<16x128xf32, #tpu.memory_space<vmem_shared>>
        tpu.enqueue_dma source(%dma_start3A_120 : memref<16x128xf32, #tpu.memory_space<vmem_shared>>) target(%dma_start3A_117 : memref<16x128xf32, #tpu.memory_space<hbm>>) target_semaphore(%run_scoped3A : memref<!tpu.dma_semaphore, #tpu.memory_space<semaphore_mem>>)
        %dma_wait3A_121 = arith.constant 9984 : i32
        %dma_wait3A_122 = arith.constant 0 : i32
        %dma_wait3A_123 = tpu.memref_slice %arg5[%arg0, %dma_wait3A_121, %dma_wait3A_122] : memref<2x10000x128xf32, #tpu.memory_space<hbm>> -> memref<1x16x128xf32, #tpu.memory_space<hbm>>
        %dma_wait3A_124 = tpu.memref_squeeze %dma_wait3A_123 : memref<1x16x128xf32, #tpu.memory_space<hbm>> -> memref<16x128xf32, #tpu.memory_space<hbm>>
        %dma_wait3A_125 = arith.constant 9984 : i32
        %dma_wait3A_126 = arith.constant 0 : i32
        %dma_wait3A_127 = tpu.memref_slice %arg12[%dma_wait3A_125, %dma_wait3A_126] : memref<10000x128xf32, #tpu.memory_space<vmem_shared>> -> memref<16x128xf32, #tpu.memory_space<vmem_shared>>
        tpu.wait_dma2 semaphore(%run_scoped3A : memref<!tpu.dma_semaphore, #tpu.memory_space<semaphore_mem>>) src(%dma_wait3A_127 : memref<16x128xf32, #tpu.memory_space<vmem_shared>>) dst(%dma_wait3A_124 : memref<16x128xf32, #tpu.memory_space<hbm>>)
        tpu.yield
      }) : () -> ()
    } else {
    }
    return
  }
}

#map = affine_map<(d0, d1) -> (0, 0)>
#map1 = affine_map<(d0, d1) -> (0)>
#map2 = affine_map<(d0, d1) -> (0, 0, 0)>
module attributes {stable_mosaic.version = 14 : i64} {
  func.func @_hop_kernel(%arg0: i32, %arg1: i32, %arg2: memref<10000x128xf32, #tpu.memory_space<hbm>>, %arg3: memref<320000xi32, #tpu.memory_space<hbm>>, %arg4: memref<320000xi32, #tpu.memory_space<hbm>>, %arg5: memref<10000x128xf32, #tpu.memory_space<hbm>>, %arg6: memref<2x10000x128xf32, #tpu.memory_space<hbm>>, %arg7: memref<10000xi32, #tpu.memory_space<vmem>>, %arg8: memref<80xi32, #tpu.memory_space<vmem>>, %arg9: memref<80xi32, #tpu.memory_space<vmem>>, %arg10: memref<80xi32, #tpu.memory_space<vmem>>, %arg11: memref<80x128xf32, #tpu.memory_space<vmem>>, %arg12: memref<80x128xf32, #tpu.memory_space<vmem>>, %arg13: memref<80x128xf32, #tpu.memory_space<vmem>>, %arg14: memref<10000x128xf32, #tpu.memory_space<vmem_shared>>, %arg15: memref<!tpu.dma_semaphore, #tpu.memory_space<semaphore_mem>>, %arg16: memref<!tpu.dma_semaphore, #tpu.memory_space<semaphore_mem>>, %arg17: memref<!tpu.dma_semaphore, #tpu.memory_space<semaphore_mem>>, %arg18: memref<!tpu.dma_semaphore, #tpu.memory_space<semaphore_mem>>, %arg19: memref<!tpu.dma_semaphore, #tpu.memory_space<semaphore_mem>>, %arg20: memref<!tpu.dma_semaphore, #tpu.memory_space<semaphore_mem>>) attributes {dimension_semantics = [#tpu.dimension_semantics<core_parallel>, #tpu.dimension_semantics<subcore_parallel>], iteration_bounds = array<i64: 2, 16>, scalar_prefetch = 0 : i64, scratch_operands = 14 : i64, tpu.core_type = #tpu.core_type<sc_vector_subcore>, window_params = [{transform_indices = #map}, {transform_indices = #map1}, {transform_indices = #map1}, {transform_indices = #map}, {transform_indices = #map2}]} {
    %mul3A = arith.constant 2 : i32
    %mul3A_0 = arith.muli %arg1, %mul3A : i32
    %add3A = arith.addi %mul3A_0, %arg0 : i32
    %mul3A_1 = arith.constant 10000 : i32
    %mul3A_2 = arith.muli %add3A, %mul3A_1 : i32
    "tpu.region"() ({
      %run_scoped3A = tpu.sem_alloc : memref<!tpu.dma_semaphore, #tpu.memory_space<semaphore_mem>>
      %dma_start3A_112 = tpu.memref_slice %arg3[%mul3A_2] : memref<320000xi32, #tpu.memory_space<hbm>> -> memref<10000xi32, #tpu.memory_space<hbm>>
      %dma_start3A_113 = tpu.memref_slice %arg3[%mul3A_2] : memref<320000xi32, #tpu.memory_space<hbm>> -> memref<10000xi32, #tpu.memory_space<hbm>>
      tpu.enqueue_dma source(%dma_start3A_113 : memref<10000xi32, #tpu.memory_space<hbm>>) target(%arg7 : memref<10000xi32, #tpu.memory_space<vmem>>) target_semaphore(%run_scoped3A : memref<!tpu.dma_semaphore, #tpu.memory_space<semaphore_mem>>)
      %dma_wait3A_114 = tpu.memref_slice %arg3[%mul3A_2] : memref<320000xi32, #tpu.memory_space<hbm>> -> memref<10000xi32, #tpu.memory_space<hbm>>
      %dma_wait3A_115 = tpu.memref_slice %arg3[%mul3A_2] : memref<320000xi32, #tpu.memory_space<hbm>> -> memref<10000xi32, #tpu.memory_space<hbm>>
      tpu.wait_dma2 semaphore(%run_scoped3A : memref<!tpu.dma_semaphore, #tpu.memory_space<semaphore_mem>>) src(%dma_wait3A_115 : memref<10000xi32, #tpu.memory_space<hbm>>) dst(%arg7 : memref<10000xi32, #tpu.memory_space<vmem>>)
      tpu.yield
    }) : () -> ()
    %add3A_3 = arith.constant 0 : i32
    %add3A_4 = arith.addi %mul3A_2, %add3A_3 : i32
    %dma_start3A = tpu.memref_slice %arg4[%add3A_4] : memref<320000xi32, #tpu.memory_space<hbm>> -> memref<80xi32, #tpu.memory_space<hbm>>
    %dma_start3A_5 = tpu.memref_slice %arg4[%add3A_4] : memref<320000xi32, #tpu.memory_space<hbm>> -> memref<80xi32, #tpu.memory_space<hbm>>
    tpu.enqueue_dma source(%dma_start3A_5 : memref<80xi32, #tpu.memory_space<hbm>>) target(%arg8 : memref<80xi32, #tpu.memory_space<vmem>>) target_semaphore(%arg18 : memref<!tpu.dma_semaphore, #tpu.memory_space<semaphore_mem>>)
    %dma_start3A_6 = arith.constant 0 : i32
    %dma_start3A_7 = tpu.memref_slice %arg7[%dma_start3A_6] : memref<10000xi32, #tpu.memory_space<vmem>> -> memref<80xi32, #tpu.memory_space<vmem>>
    %dma_start3A_8 = arith.constant 0 : i32
    %dma_start3A_9 = arith.constant 0 : i32
    %dma_start3A_10 = tpu.memref_slice %arg2[%dma_start3A_8, %dma_start3A_9] : memref<10000x128xf32, #tpu.memory_space<hbm>> -> memref<10000x128xf32, #tpu.memory_space<hbm>>
    tpu.enqueue_indirect_dma source(%dma_start3A_10 : memref<10000x128xf32, #tpu.memory_space<hbm>>) target(%arg11 : memref<80x128xf32, #tpu.memory_space<vmem>>) offsets(%dma_start3A_7 : memref<80xi32, #tpu.memory_space<vmem>>) semaphore(%arg15 : memref<!tpu.dma_semaphore, #tpu.memory_space<semaphore_mem>>)
    %add3A_11 = arith.constant 80 : i32
    %add3A_12 = arith.addi %mul3A_2, %add3A_11 : i32
    %dma_start3A_13 = tpu.memref_slice %arg4[%add3A_12] : memref<320000xi32, #tpu.memory_space<hbm>> -> memref<80xi32, #tpu.memory_space<hbm>>
    %dma_start3A_14 = tpu.memref_slice %arg4[%add3A_12] : memref<320000xi32, #tpu.memory_space<hbm>> -> memref<80xi32, #tpu.memory_space<hbm>>
    tpu.enqueue_dma source(%dma_start3A_14 : memref<80xi32, #tpu.memory_space<hbm>>) target(%arg9 : memref<80xi32, #tpu.memory_space<vmem>>) target_semaphore(%arg19 : memref<!tpu.dma_semaphore, #tpu.memory_space<semaphore_mem>>)
    %dma_start3A_15 = arith.constant 80 : i32
    %dma_start3A_16 = tpu.memref_slice %arg7[%dma_start3A_15] : memref<10000xi32, #tpu.memory_space<vmem>> -> memref<80xi32, #tpu.memory_space<vmem>>
    %dma_start3A_17 = arith.constant 0 : i32
    %dma_start3A_18 = arith.constant 0 : i32
    %dma_start3A_19 = tpu.memref_slice %arg2[%dma_start3A_17, %dma_start3A_18] : memref<10000x128xf32, #tpu.memory_space<hbm>> -> memref<10000x128xf32, #tpu.memory_space<hbm>>
    tpu.enqueue_indirect_dma source(%dma_start3A_19 : memref<10000x128xf32, #tpu.memory_space<hbm>>) target(%arg12 : memref<80x128xf32, #tpu.memory_space<vmem>>) offsets(%dma_start3A_16 : memref<80xi32, #tpu.memory_space<vmem>>) semaphore(%arg16 : memref<!tpu.dma_semaphore, #tpu.memory_space<semaphore_mem>>)
    %add3A_20 = arith.constant 160 : i32
    %add3A_21 = arith.addi %mul3A_2, %add3A_20 : i32
    %dma_start3A_22 = tpu.memref_slice %arg4[%add3A_21] : memref<320000xi32, #tpu.memory_space<hbm>> -> memref<80xi32, #tpu.memory_space<hbm>>
    %dma_start3A_23 = tpu.memref_slice %arg4[%add3A_21] : memref<320000xi32, #tpu.memory_space<hbm>> -> memref<80xi32, #tpu.memory_space<hbm>>
    tpu.enqueue_dma source(%dma_start3A_23 : memref<80xi32, #tpu.memory_space<hbm>>) target(%arg10 : memref<80xi32, #tpu.memory_space<vmem>>) target_semaphore(%arg20 : memref<!tpu.dma_semaphore, #tpu.memory_space<semaphore_mem>>)
    %dma_start3A_24 = arith.constant 160 : i32
    %dma_start3A_25 = tpu.memref_slice %arg7[%dma_start3A_24] : memref<10000xi32, #tpu.memory_space<vmem>> -> memref<80xi32, #tpu.memory_space<vmem>>
    %dma_start3A_26 = arith.constant 0 : i32
    %dma_start3A_27 = arith.constant 0 : i32
    %dma_start3A_28 = tpu.memref_slice %arg2[%dma_start3A_26, %dma_start3A_27] : memref<10000x128xf32, #tpu.memory_space<hbm>> -> memref<10000x128xf32, #tpu.memory_space<hbm>>
    tpu.enqueue_indirect_dma source(%dma_start3A_28 : memref<10000x128xf32, #tpu.memory_space<hbm>>) target(%arg13 : memref<80x128xf32, #tpu.memory_space<vmem>>) offsets(%dma_start3A_25 : memref<80xi32, #tpu.memory_space<vmem>>) semaphore(%arg17 : memref<!tpu.dma_semaphore, #tpu.memory_space<semaphore_mem>>)
    %mul3A_29 = arith.constant 624 : i32
    %mul3A_30 = arith.muli %arg1, %mul3A_29 : i32
    %mul3A_31 = arith.constant 624 : i32
    %mul3A_32 = arith.muli %arg1, %mul3A_31 : i32
    "tpu.region"() ({
      %run_scoped3A = tpu.sem_alloc : memref<!tpu.dma_semaphore, #tpu.memory_space<semaphore_mem>>
      %dma_start3A_112 = arith.constant 0 : i32
      %dma_start3A_113 = tpu.memref_slice %arg14[%mul3A_32, %dma_start3A_112] : memref<10000x128xf32, #tpu.memory_space<vmem_shared>> -> memref<624x128xf32, #tpu.memory_space<vmem_shared>>
      %dma_start3A_114 = arith.constant 0 : i32
      %dma_start3A_115 = tpu.memref_slice %arg5[%mul3A_30, %dma_start3A_114] : memref<10000x128xf32, #tpu.memory_space<hbm>> -> memref<624x128xf32, #tpu.memory_space<hbm>>
      tpu.enqueue_dma source(%dma_start3A_115 : memref<624x128xf32, #tpu.memory_space<hbm>>) target(%dma_start3A_113 : memref<624x128xf32, #tpu.memory_space<vmem_shared>>) target_semaphore(%run_scoped3A : memref<!tpu.dma_semaphore, #tpu.memory_space<semaphore_mem>>)
      %dma_wait3A_116 = arith.constant 0 : i32
      %dma_wait3A_117 = tpu.memref_slice %arg14[%mul3A_32, %dma_wait3A_116] : memref<10000x128xf32, #tpu.memory_space<vmem_shared>> -> memref<624x128xf32, #tpu.memory_space<vmem_shared>>
      %dma_wait3A_118 = arith.constant 0 : i32
      %dma_wait3A_119 = tpu.memref_slice %arg5[%mul3A_30, %dma_wait3A_118] : memref<10000x128xf32, #tpu.memory_space<hbm>> -> memref<624x128xf32, #tpu.memory_space<hbm>>
      tpu.wait_dma2 semaphore(%run_scoped3A : memref<!tpu.dma_semaphore, #tpu.memory_space<semaphore_mem>>) src(%dma_wait3A_119 : memref<624x128xf32, #tpu.memory_space<hbm>>) dst(%dma_wait3A_117 : memref<624x128xf32, #tpu.memory_space<vmem_shared>>)
      tpu.yield
    }) : () -> ()
    %eq3A = arith.constant 0 : i32
    %eq3A_33 = arith.cmpi eq, %arg1, %eq3A : i32
    %convert_element_type3A = arith.extui %eq3A_33 : i1 to i32
    %cond3A = arith.constant 0 : i32
    %cond3A_34 = arith.cmpi ne, %convert_element_type3A, %cond3A : i32
    scf.if %cond3A_34 {
      "tpu.region"() ({
        %run_scoped3A = tpu.sem_alloc : memref<!tpu.dma_semaphore, #tpu.memory_space<semaphore_mem>>
        %dma_start3A_112 = arith.constant 9984 : i32
        %dma_start3A_113 = arith.constant 0 : i32
        %dma_start3A_114 = tpu.memref_slice %arg14[%dma_start3A_112, %dma_start3A_113] : memref<10000x128xf32, #tpu.memory_space<vmem_shared>> -> memref<16x128xf32, #tpu.memory_space<vmem_shared>>
        %dma_start3A_115 = arith.constant 9984 : i32
        %dma_start3A_116 = arith.constant 0 : i32
        %dma_start3A_117 = tpu.memref_slice %arg5[%dma_start3A_115, %dma_start3A_116] : memref<10000x128xf32, #tpu.memory_space<hbm>> -> memref<16x128xf32, #tpu.memory_space<hbm>>
        tpu.enqueue_dma source(%dma_start3A_117 : memref<16x128xf32, #tpu.memory_space<hbm>>) target(%dma_start3A_114 : memref<16x128xf32, #tpu.memory_space<vmem_shared>>) target_semaphore(%run_scoped3A : memref<!tpu.dma_semaphore, #tpu.memory_space<semaphore_mem>>)
        %dma_wait3A_118 = arith.constant 9984 : i32
        %dma_wait3A_119 = arith.constant 0 : i32
        %dma_wait3A_120 = tpu.memref_slice %arg14[%dma_wait3A_118, %dma_wait3A_119] : memref<10000x128xf32, #tpu.memory_space<vmem_shared>> -> memref<16x128xf32, #tpu.memory_space<vmem_shared>>
        %dma_wait3A_121 = arith.constant 9984 : i32
        %dma_wait3A_122 = arith.constant 0 : i32
        %dma_wait3A_123 = tpu.memref_slice %arg5[%dma_wait3A_121, %dma_wait3A_122] : memref<10000x128xf32, #tpu.memory_space<hbm>> -> memref<16x128xf32, #tpu.memory_space<hbm>>
        tpu.wait_dma2 semaphore(%run_scoped3A : memref<!tpu.dma_semaphore, #tpu.memory_space<semaphore_mem>>) src(%dma_wait3A_123 : memref<16x128xf32, #tpu.memory_space<hbm>>) dst(%dma_wait3A_120 : memref<16x128xf32, #tpu.memory_space<vmem_shared>>)
        tpu.yield
      }) : () -> ()
    } else {
    }
    %barrier3A = arith.constant 0 : index
    tpu.barrier barrier_id(%barrier3A)
    %scan3A = arith.constant 0 : i32
    %scan3A_35 = arith.constant 0 : i32
    %scan3A_36 = arith.constant 40 : i32
    %scan3A_37 = arith.addi %scan3A_35, %scan3A_36 : i32
    %scan3A_38 = arith.constant 1 : i32
    scf.for %scan3A_112 = %scan3A_35 to %scan3A_37 step %scan3A_38  : i32 {
      %mul3A_113 = arith.constant 3 : i32
      %mul3A_114 = arith.muli %mul3A_113, %scan3A_112 : i32
      %add3A_115 = arith.constant 0 : i32
      %add3A_116 = arith.addi %mul3A_114, %add3A_115 : i32
      %mul3A_117 = arith.constant 80 : i32
      %mul3A_118 = arith.muli %add3A_116, %mul3A_117 : i32
      %add3A_119 = arith.addi %mul3A_2, %mul3A_118 : i32
      %dma_wait3A_120 = tpu.memref_slice %arg4[%add3A_119] : memref<320000xi32, #tpu.memory_space<hbm>> -> memref<80xi32, #tpu.memory_space<hbm>>
      %dma_wait3A_121 = tpu.memref_slice %arg4[%add3A_119] : memref<320000xi32, #tpu.memory_space<hbm>> -> memref<80xi32, #tpu.memory_space<hbm>>
      tpu.wait_dma2 semaphore(%arg18 : memref<!tpu.dma_semaphore, #tpu.memory_space<semaphore_mem>>) src(%dma_wait3A_121 : memref<80xi32, #tpu.memory_space<hbm>>) dst(%arg8 : memref<80xi32, #tpu.memory_space<vmem>>)
      %mul3A_122 = arith.constant 80 : i32
      %mul3A_123 = arith.muli %add3A_116, %mul3A_122 : i32
      %dma_wait3A_124 = tpu.memref_slice %arg7[%mul3A_123] : memref<10000xi32, #tpu.memory_space<vmem>> -> memref<80xi32, #tpu.memory_space<vmem>>
      %dma_wait3A_125 = arith.constant 0 : i32
      %dma_wait3A_126 = arith.constant 0 : i32
      %dma_wait3A_127 = tpu.memref_slice %arg2[%dma_wait3A_125, %dma_wait3A_126] : memref<10000x128xf32, #tpu.memory_space<hbm>> -> memref<10000x128xf32, #tpu.memory_space<hbm>>
      tpu.wait_indirect_dma semaphore(%arg15 : memref<!tpu.dma_semaphore, #tpu.memory_space<semaphore_mem>>) src(%dma_wait3A_127 : memref<10000x128xf32, #tpu.memory_space<hbm>>) dst(%arg11 : memref<80x128xf32, #tpu.memory_space<vmem>>)
      "tpu.region"() ({
        %run_scoped3A = tpu.sem_alloc : memref<!tpu.dma_semaphore, #tpu.memory_space<semaphore_mem>>
        %dma_start3A_193 = arith.constant 0 : i32
        %dma_start3A_194 = arith.constant 0 : i32
        %dma_start3A_195 = tpu.memref_slice %arg14[%dma_start3A_193, %dma_start3A_194] : memref<10000x128xf32, #tpu.memory_space<vmem_shared>> -> memref<10000x128xf32, #tpu.memory_space<vmem_shared>>
        tpu.enqueue_indirect_dma source(%arg11 : memref<80x128xf32, #tpu.memory_space<vmem>>) target(%dma_start3A_195 : memref<10000x128xf32, #tpu.memory_space<vmem_shared>>) offsets(%arg8 : memref<80xi32, #tpu.memory_space<vmem>>) semaphore(%run_scoped3A : memref<!tpu.dma_semaphore, #tpu.memory_space<semaphore_mem>>) {add = true}
        %dma_wait3A_196 = arith.constant 0 : i32
        %dma_wait3A_197 = arith.constant 0 : i32
        %dma_wait3A_198 = tpu.memref_slice %arg14[%dma_wait3A_196, %dma_wait3A_197] : memref<10000x128xf32, #tpu.memory_space<vmem_shared>> -> memref<10000x128xf32, #tpu.memory_space<vmem_shared>>
        tpu.wait_indirect_dma semaphore(%run_scoped3A : memref<!tpu.dma_semaphore, #tpu.memory_space<semaphore_mem>>) src(%arg11 : memref<80x128xf32, #tpu.memory_space<vmem>>) dst(%dma_wait3A_198 : memref<10000x128xf32, #tpu.memory_space<vmem_shared>>)
        tpu.yield
      }) : () -> ()
      %add3A_128 = arith.constant 3 : i32
      %add3A_129 = arith.addi %add3A_116, %add3A_128 : i32
      %mul3A_130 = arith.constant 80 : i32
      %mul3A_131 = arith.muli %add3A_129, %mul3A_130 : i32
      %add3A_132 = arith.addi %mul3A_2, %mul3A_131 : i32
      %dma_start3A_133 = tpu.memref_slice %arg4[%add3A_132] : memref<320000xi32, #tpu.memory_space<hbm>> -> memref<80xi32, #tpu.memory_space<hbm>>
      %dma_start3A_134 = tpu.memref_slice %arg4[%add3A_132] : memref<320000xi32, #tpu.memory_space<hbm>> -> memref<80xi32, #tpu.memory_space<hbm>>
      tpu.enqueue_dma source(%dma_start3A_134 : memref<80xi32, #tpu.memory_space<hbm>>) target(%arg8 : memref<80xi32, #tpu.memory_space<vmem>>) target_semaphore(%arg18 : memref<!tpu.dma_semaphore, #tpu.memory_space<semaphore_mem>>)
      %mul3A_135 = arith.constant 80 : i32
      %mul3A_136 = arith.muli %add3A_129, %mul3A_135 : i32
      %dma_start3A_137 = tpu.memref_slice %arg7[%mul3A_136] : memref<10000xi32, #tpu.memory_space<vmem>> -> memref<80xi32, #tpu.memory_space<vmem>>
      %dma_start3A_138 = arith.constant 0 : i32
      %dma_start3A_139 = arith.constant 0 : i32
      %dma_start3A_140 = tpu.memref_slice %arg2[%dma_start3A_138, %dma_start3A_139] : memref<10000x128xf32, #tpu.memory_space<hbm>> -> memref<10000x128xf32, #tpu.memory_space<hbm>>
      tpu.enqueue_indirect_dma source(%dma_start3A_140 : memref<10000x128xf32, #tpu.memory_space<hbm>>) target(%arg11 : memref<80x128xf32, #tpu.memory_space<vmem>>) offsets(%dma_start3A_137 : memref<80xi32, #tpu.memory_space<vmem>>) semaphore(%arg15 : memref<!tpu.dma_semaphore, #tpu.memory_space<semaphore_mem>>)
      %add3A_141 = arith.constant 1 : i32
      %add3A_142 = arith.addi %mul3A_114, %add3A_141 : i32
      %mul3A_143 = arith.constant 80 : i32
      %mul3A_144 = arith.muli %add3A_142, %mul3A_143 : i32
      %add3A_145 = arith.addi %mul3A_2, %mul3A_144 : i32
      %dma_wait3A_146 = tpu.memref_slice %arg4[%add3A_145] : memref<320000xi32, #tpu.memory_space<hbm>> -> memref<80xi32, #tpu.memory_space<hbm>>
      %dma_wait3A_147 = tpu.memref_slice %arg4[%add3A_145] : memref<320000xi32, #tpu.memory_space<hbm>> -> memref<80xi32, #tpu.memory_space<hbm>>
      tpu.wait_dma2 semaphore(%arg19 : memref<!tpu.dma_semaphore, #tpu.memory_space<semaphore_mem>>) src(%dma_wait3A_147 : memref<80xi32, #tpu.memory_space<hbm>>) dst(%arg9 : memref<80xi32, #tpu.memory_space<vmem>>)
      %mul3A_148 = arith.constant 80 : i32
      %mul3A_149 = arith.muli %add3A_142, %mul3A_148 : i32
      %dma_wait3A_150 = tpu.memref_slice %arg7[%mul3A_149] : memref<10000xi32, #tpu.memory_space<vmem>> -> memref<80xi32, #tpu.memory_space<vmem>>
      %dma_wait3A_151 = arith.constant 0 : i32
      %dma_wait3A_152 = arith.constant 0 : i32
      %dma_wait3A_153 = tpu.memref_slice %arg2[%dma_wait3A_151, %dma_wait3A_152] : memref<10000x128xf32, #tpu.memory_space<hbm>> -> memref<10000x128xf32, #tpu.memory_space<hbm>>
      tpu.wait_indirect_dma semaphore(%arg16 : memref<!tpu.dma_semaphore, #tpu.memory_space<semaphore_mem>>) src(%dma_wait3A_153 : memref<10000x128xf32, #tpu.memory_space<hbm>>) dst(%arg12 : memref<80x128xf32, #tpu.memory_space<vmem>>)
      "tpu.region"() ({
        %run_scoped3A = tpu.sem_alloc : memref<!tpu.dma_semaphore, #tpu.memory_space<semaphore_mem>>
        %dma_start3A_193 = arith.constant 0 : i32
        %dma_start3A_194 = arith.constant 0 : i32
        %dma_start3A_195 = tpu.memref_slice %arg14[%dma_start3A_193, %dma_start3A_194] : memref<10000x128xf32, #tpu.memory_space<vmem_shared>> -> memref<10000x128xf32, #tpu.memory_space<vmem_shared>>
        tpu.enqueue_indirect_dma source(%arg12 : memref<80x128xf32, #tpu.memory_space<vmem>>) target(%dma_start3A_195 : memref<10000x128xf32, #tpu.memory_space<vmem_shared>>) offsets(%arg9 : memref<80xi32, #tpu.memory_space<vmem>>) semaphore(%run_scoped3A : memref<!tpu.dma_semaphore, #tpu.memory_space<semaphore_mem>>) {add = true}
        %dma_wait3A_196 = arith.constant 0 : i32
        %dma_wait3A_197 = arith.constant 0 : i32
        %dma_wait3A_198 = tpu.memref_slice %arg14[%dma_wait3A_196, %dma_wait3A_197] : memref<10000x128xf32, #tpu.memory_space<vmem_shared>> -> memref<10000x128xf32, #tpu.memory_space<vmem_shared>>
        tpu.wait_indirect_dma semaphore(%run_scoped3A : memref<!tpu.dma_semaphore, #tpu.memory_space<semaphore_mem>>) src(%arg12 : memref<80x128xf32, #tpu.memory_space<vmem>>) dst(%dma_wait3A_198 : memref<10000x128xf32, #tpu.memory_space<vmem_shared>>)
        tpu.yield
      }) : () -> ()
      %add3A_154 = arith.constant 3 : i32
      %add3A_155 = arith.addi %add3A_142, %add3A_154 : i32
      %mul3A_156 = arith.constant 80 : i32
      %mul3A_157 = arith.muli %add3A_155, %mul3A_156 : i32
      %add3A_158 = arith.addi %mul3A_2, %mul3A_157 : i32
      %dma_start3A_159 = tpu.memref_slice %arg4[%add3A_158] : memref<320000xi32, #tpu.memory_space<hbm>> -> memref<80xi32, #tpu.memory_space<hbm>>
      %dma_start3A_160 = tpu.memref_slice %arg4[%add3A_158] : memref<320000xi32, #tpu.memory_space<hbm>> -> memref<80xi32, #tpu.memory_space<hbm>>
      tpu.enqueue_dma source(%dma_start3A_160 : memref<80xi32, #tpu.memory_space<hbm>>) target(%arg9 : memref<80xi32, #tpu.memory_space<vmem>>) target_semaphore(%arg19 : memref<!tpu.dma_semaphore, #tpu.memory_space<semaphore_mem>>)
      %mul3A_161 = arith.constant 80 : i32
      %mul3A_162 = arith.muli %add3A_155, %mul3A_161 : i32
      %dma_start3A_163 = tpu.memref_slice %arg7[%mul3A_162] : memref<10000xi32, #tpu.memory_space<vmem>> -> memref<80xi32, #tpu.memory_space<vmem>>
      %dma_start3A_164 = arith.constant 0 : i32
      %dma_start3A_165 = arith.constant 0 : i32
      %dma_start3A_166 = tpu.memref_slice %arg2[%dma_start3A_164, %dma_start3A_165] : memref<10000x128xf32, #tpu.memory_space<hbm>> -> memref<10000x128xf32, #tpu.memory_space<hbm>>
      tpu.enqueue_indirect_dma source(%dma_start3A_166 : memref<10000x128xf32, #tpu.memory_space<hbm>>) target(%arg12 : memref<80x128xf32, #tpu.memory_space<vmem>>) offsets(%dma_start3A_163 : memref<80xi32, #tpu.memory_space<vmem>>) semaphore(%arg16 : memref<!tpu.dma_semaphore, #tpu.memory_space<semaphore_mem>>)
      %add3A_167 = arith.constant 2 : i32
      %add3A_168 = arith.addi %mul3A_114, %add3A_167 : i32
      %mul3A_169 = arith.constant 80 : i32
      %mul3A_170 = arith.muli %add3A_168, %mul3A_169 : i32
      %add3A_171 = arith.addi %mul3A_2, %mul3A_170 : i32
      %dma_wait3A_172 = tpu.memref_slice %arg4[%add3A_171] : memref<320000xi32, #tpu.memory_space<hbm>> -> memref<80xi32, #tpu.memory_space<hbm>>
      %dma_wait3A_173 = tpu.memref_slice %arg4[%add3A_171] : memref<320000xi32, #tpu.memory_space<hbm>> -> memref<80xi32, #tpu.memory_space<hbm>>
      tpu.wait_dma2 semaphore(%arg20 : memref<!tpu.dma_semaphore, #tpu.memory_space<semaphore_mem>>) src(%dma_wait3A_173 : memref<80xi32, #tpu.memory_space<hbm>>) dst(%arg10 : memref<80xi32, #tpu.memory_space<vmem>>)
      %mul3A_174 = arith.constant 80 : i32
      %mul3A_175 = arith.muli %add3A_168, %mul3A_174 : i32
      %dma_wait3A_176 = tpu.memref_slice %arg7[%mul3A_175] : memref<10000xi32, #tpu.memory_space<vmem>> -> memref<80xi32, #tpu.memory_space<vmem>>
      %dma_wait3A_177 = arith.constant 0 : i32
      %dma_wait3A_178 = arith.constant 0 : i32
      %dma_wait3A_179 = tpu.memref_slice %arg2[%dma_wait3A_177, %dma_wait3A_178] : memref<10000x128xf32, #tpu.memory_space<hbm>> -> memref<10000x128xf32, #tpu.memory_space<hbm>>
      tpu.wait_indirect_dma semaphore(%arg17 : memref<!tpu.dma_semaphore, #tpu.memory_space<semaphore_mem>>) src(%dma_wait3A_179 : memref<10000x128xf32, #tpu.memory_space<hbm>>) dst(%arg13 : memref<80x128xf32, #tpu.memory_space<vmem>>)
      "tpu.region"() ({
        %run_scoped3A = tpu.sem_alloc : memref<!tpu.dma_semaphore, #tpu.memory_space<semaphore_mem>>
        %dma_start3A_193 = arith.constant 0 : i32
        %dma_start3A_194 = arith.constant 0 : i32
        %dma_start3A_195 = tpu.memref_slice %arg14[%dma_start3A_193, %dma_start3A_194] : memref<10000x128xf32, #tpu.memory_space<vmem_shared>> -> memref<10000x128xf32, #tpu.memory_space<vmem_shared>>
        tpu.enqueue_indirect_dma source(%arg13 : memref<80x128xf32, #tpu.memory_space<vmem>>) target(%dma_start3A_195 : memref<10000x128xf32, #tpu.memory_space<vmem_shared>>) offsets(%arg10 : memref<80xi32, #tpu.memory_space<vmem>>) semaphore(%run_scoped3A : memref<!tpu.dma_semaphore, #tpu.memory_space<semaphore_mem>>) {add = true}
        %dma_wait3A_196 = arith.constant 0 : i32
        %dma_wait3A_197 = arith.constant 0 : i32
        %dma_wait3A_198 = tpu.memref_slice %arg14[%dma_wait3A_196, %dma_wait3A_197] : memref<10000x128xf32, #tpu.memory_space<vmem_shared>> -> memref<10000x128xf32, #tpu.memory_space<vmem_shared>>
        tpu.wait_indirect_dma semaphore(%run_scoped3A : memref<!tpu.dma_semaphore, #tpu.memory_space<semaphore_mem>>) src(%arg13 : memref<80x128xf32, #tpu.memory_space<vmem>>) dst(%dma_wait3A_198 : memref<10000x128xf32, #tpu.memory_space<vmem_shared>>)
        tpu.yield
      }) : () -> ()
      %add3A_180 = arith.constant 3 : i32
      %add3A_181 = arith.addi %add3A_168, %add3A_180 : i32
      %mul3A_182 = arith.constant 80 : i32
      %mul3A_183 = arith.muli %add3A_181, %mul3A_182 : i32
      %add3A_184 = arith.addi %mul3A_2, %mul3A_183 : i32
      %dma_start3A_185 = tpu.memref_slice %arg4[%add3A_184] : memref<320000xi32, #tpu.memory_space<hbm>> -> memref<80xi32, #tpu.memory_space<hbm>>
      %dma_start3A_186 = tpu.memref_slice %arg4[%add3A_184] : memref<320000xi32, #tpu.memory_space<hbm>> -> memref<80xi32, #tpu.memory_space<hbm>>
      tpu.enqueue_dma source(%dma_start3A_186 : memref<80xi32, #tpu.memory_space<hbm>>) target(%arg10 : memref<80xi32, #tpu.memory_space<vmem>>) target_semaphore(%arg20 : memref<!tpu.dma_semaphore, #tpu.memory_space<semaphore_mem>>)
      %mul3A_187 = arith.constant 80 : i32
      %mul3A_188 = arith.muli %add3A_181, %mul3A_187 : i32
      %dma_start3A_189 = tpu.memref_slice %arg7[%mul3A_188] : memref<10000xi32, #tpu.memory_space<vmem>> -> memref<80xi32, #tpu.memory_space<vmem>>
      %dma_start3A_190 = arith.constant 0 : i32
      %dma_start3A_191 = arith.constant 0 : i32
      %dma_start3A_192 = tpu.memref_slice %arg2[%dma_start3A_190, %dma_start3A_191] : memref<10000x128xf32, #tpu.memory_space<hbm>> -> memref<10000x128xf32, #tpu.memory_space<hbm>>
      tpu.enqueue_indirect_dma source(%dma_start3A_192 : memref<10000x128xf32, #tpu.memory_space<hbm>>) target(%arg13 : memref<80x128xf32, #tpu.memory_space<vmem>>) offsets(%dma_start3A_189 : memref<80xi32, #tpu.memory_space<vmem>>) semaphore(%arg17 : memref<!tpu.dma_semaphore, #tpu.memory_space<semaphore_mem>>)
    }
    %scan3A_39 = arith.constant 40 : i32
    %add3A_40 = arith.constant 9600 : i32
    %add3A_41 = arith.addi %mul3A_2, %add3A_40 : i32
    %dma_wait3A = tpu.memref_slice %arg4[%add3A_41] : memref<320000xi32, #tpu.memory_space<hbm>> -> memref<80xi32, #tpu.memory_space<hbm>>
    %dma_wait3A_42 = tpu.memref_slice %arg4[%add3A_41] : memref<320000xi32, #tpu.memory_space<hbm>> -> memref<80xi32, #tpu.memory_space<hbm>>
    tpu.wait_dma2 semaphore(%arg18 : memref<!tpu.dma_semaphore, #tpu.memory_space<semaphore_mem>>) src(%dma_wait3A_42 : memref<80xi32, #tpu.memory_space<hbm>>) dst(%arg8 : memref<80xi32, #tpu.memory_space<vmem>>)
    %dma_wait3A_43 = arith.constant 9600 : i32
    %dma_wait3A_44 = tpu.memref_slice %arg7[%dma_wait3A_43] : memref<10000xi32, #tpu.memory_space<vmem>> -> memref<80xi32, #tpu.memory_space<vmem>>
    %dma_wait3A_45 = arith.constant 0 : i32
    %dma_wait3A_46 = arith.constant 0 : i32
    %dma_wait3A_47 = tpu.memref_slice %arg2[%dma_wait3A_45, %dma_wait3A_46] : memref<10000x128xf32, #tpu.memory_space<hbm>> -> memref<10000x128xf32, #tpu.memory_space<hbm>>
    tpu.wait_indirect_dma semaphore(%arg15 : memref<!tpu.dma_semaphore, #tpu.memory_space<semaphore_mem>>) src(%dma_wait3A_47 : memref<10000x128xf32, #tpu.memory_space<hbm>>) dst(%arg11 : memref<80x128xf32, #tpu.memory_space<vmem>>)
    "tpu.region"() ({
      %run_scoped3A = tpu.sem_alloc : memref<!tpu.dma_semaphore, #tpu.memory_space<semaphore_mem>>
      %dma_start3A_112 = arith.constant 0 : i32
      %dma_start3A_113 = arith.constant 0 : i32
      %dma_start3A_114 = tpu.memref_slice %arg14[%dma_start3A_112, %dma_start3A_113] : memref<10000x128xf32, #tpu.memory_space<vmem_shared>> -> memref<10000x128xf32, #tpu.memory_space<vmem_shared>>
      tpu.enqueue_indirect_dma source(%arg11 : memref<80x128xf32, #tpu.memory_space<vmem>>) target(%dma_start3A_114 : memref<10000x128xf32, #tpu.memory_space<vmem_shared>>) offsets(%arg8 : memref<80xi32, #tpu.memory_space<vmem>>) semaphore(%run_scoped3A : memref<!tpu.dma_semaphore, #tpu.memory_space<semaphore_mem>>) {add = true}
      %dma_wait3A_115 = arith.constant 0 : i32
      %dma_wait3A_116 = arith.constant 0 : i32
      %dma_wait3A_117 = tpu.memref_slice %arg14[%dma_wait3A_115, %dma_wait3A_116] : memref<10000x128xf32, #tpu.memory_space<vmem_shared>> -> memref<10000x128xf32, #tpu.memory_space<vmem_shared>>
      tpu.wait_indirect_dma semaphore(%run_scoped3A : memref<!tpu.dma_semaphore, #tpu.memory_space<semaphore_mem>>) src(%arg11 : memref<80x128xf32, #tpu.memory_space<vmem>>) dst(%dma_wait3A_117 : memref<10000x128xf32, #tpu.memory_space<vmem_shared>>)
      tpu.yield
    }) : () -> ()
    %add3A_48 = arith.constant 9840 : i32
    %add3A_49 = arith.addi %mul3A_2, %add3A_48 : i32
    %dma_start3A_50 = tpu.memref_slice %arg4[%add3A_49] : memref<320000xi32, #tpu.memory_space<hbm>> -> memref<80xi32, #tpu.memory_space<hbm>>
    %dma_start3A_51 = tpu.memref_slice %arg4[%add3A_49] : memref<320000xi32, #tpu.memory_space<hbm>> -> memref<80xi32, #tpu.memory_space<hbm>>
    tpu.enqueue_dma source(%dma_start3A_51 : memref<80xi32, #tpu.memory_space<hbm>>) target(%arg8 : memref<80xi32, #tpu.memory_space<vmem>>) target_semaphore(%arg18 : memref<!tpu.dma_semaphore, #tpu.memory_space<semaphore_mem>>)
    %dma_start3A_52 = arith.constant 9840 : i32
    %dma_start3A_53 = tpu.memref_slice %arg7[%dma_start3A_52] : memref<10000xi32, #tpu.memory_space<vmem>> -> memref<80xi32, #tpu.memory_space<vmem>>
    %dma_start3A_54 = arith.constant 0 : i32
    %dma_start3A_55 = arith.constant 0 : i32
    %dma_start3A_56 = tpu.memref_slice %arg2[%dma_start3A_54, %dma_start3A_55] : memref<10000x128xf32, #tpu.memory_space<hbm>> -> memref<10000x128xf32, #tpu.memory_space<hbm>>
    tpu.enqueue_indirect_dma source(%dma_start3A_56 : memref<10000x128xf32, #tpu.memory_space<hbm>>) target(%arg11 : memref<80x128xf32, #tpu.memory_space<vmem>>) offsets(%dma_start3A_53 : memref<80xi32, #tpu.memory_space<vmem>>) semaphore(%arg15 : memref<!tpu.dma_semaphore, #tpu.memory_space<semaphore_mem>>)
    %add3A_57 = arith.constant 9680 : i32
    %add3A_58 = arith.addi %mul3A_2, %add3A_57 : i32
    %dma_wait3A_59 = tpu.memref_slice %arg4[%add3A_58] : memref<320000xi32, #tpu.memory_space<hbm>> -> memref<80xi32, #tpu.memory_space<hbm>>
    %dma_wait3A_60 = tpu.memref_slice %arg4[%add3A_58] : memref<320000xi32, #tpu.memory_space<hbm>> -> memref<80xi32, #tpu.memory_space<hbm>>
    tpu.wait_dma2 semaphore(%arg19 : memref<!tpu.dma_semaphore, #tpu.memory_space<semaphore_mem>>) src(%dma_wait3A_60 : memref<80xi32, #tpu.memory_space<hbm>>) dst(%arg9 : memref<80xi32, #tpu.memory_space<vmem>>)
    %dma_wait3A_61 = arith.constant 9680 : i32
    %dma_wait3A_62 = tpu.memref_slice %arg7[%dma_wait3A_61] : memref<10000xi32, #tpu.memory_space<vmem>> -> memref<80xi32, #tpu.memory_space<vmem>>
    %dma_wait3A_63 = arith.constant 0 : i32
    %dma_wait3A_64 = arith.constant 0 : i32
    %dma_wait3A_65 = tpu.memref_slice %arg2[%dma_wait3A_63, %dma_wait3A_64] : memref<10000x128xf32, #tpu.memory_space<hbm>> -> memref<10000x128xf32, #tpu.memory_space<hbm>>
    tpu.wait_indirect_dma semaphore(%arg16 : memref<!tpu.dma_semaphore, #tpu.memory_space<semaphore_mem>>) src(%dma_wait3A_65 : memref<10000x128xf32, #tpu.memory_space<hbm>>) dst(%arg12 : memref<80x128xf32, #tpu.memory_space<vmem>>)
    "tpu.region"() ({
      %run_scoped3A = tpu.sem_alloc : memref<!tpu.dma_semaphore, #tpu.memory_space<semaphore_mem>>
      %dma_start3A_112 = arith.constant 0 : i32
      %dma_start3A_113 = arith.constant 0 : i32
      %dma_start3A_114 = tpu.memref_slice %arg14[%dma_start3A_112, %dma_start3A_113] : memref<10000x128xf32, #tpu.memory_space<vmem_shared>> -> memref<10000x128xf32, #tpu.memory_space<vmem_shared>>
      tpu.enqueue_indirect_dma source(%arg12 : memref<80x128xf32, #tpu.memory_space<vmem>>) target(%dma_start3A_114 : memref<10000x128xf32, #tpu.memory_space<vmem_shared>>) offsets(%arg9 : memref<80xi32, #tpu.memory_space<vmem>>) semaphore(%run_scoped3A : memref<!tpu.dma_semaphore, #tpu.memory_space<semaphore_mem>>) {add = true}
      %dma_wait3A_115 = arith.constant 0 : i32
      %dma_wait3A_116 = arith.constant 0 : i32
      %dma_wait3A_117 = tpu.memref_slice %arg14[%dma_wait3A_115, %dma_wait3A_116] : memref<10000x128xf32, #tpu.memory_space<vmem_shared>> -> memref<10000x128xf32, #tpu.memory_space<vmem_shared>>
      tpu.wait_indirect_dma semaphore(%run_scoped3A : memref<!tpu.dma_semaphore, #tpu.memory_space<semaphore_mem>>) src(%arg12 : memref<80x128xf32, #tpu.memory_space<vmem>>) dst(%dma_wait3A_117 : memref<10000x128xf32, #tpu.memory_space<vmem_shared>>)
      tpu.yield
    }) : () -> ()
    %add3A_66 = arith.constant 9920 : i32
    %add3A_67 = arith.addi %mul3A_2, %add3A_66 : i32
    %dma_start3A_68 = tpu.memref_slice %arg4[%add3A_67] : memref<320000xi32, #tpu.memory_space<hbm>> -> memref<80xi32, #tpu.memory_space<hbm>>
    %dma_start3A_69 = tpu.memref_slice %arg4[%add3A_67] : memref<320000xi32, #tpu.memory_space<hbm>> -> memref<80xi32, #tpu.memory_space<hbm>>
    tpu.enqueue_dma source(%dma_start3A_69 : memref<80xi32, #tpu.memory_space<hbm>>) target(%arg9 : memref<80xi32, #tpu.memory_space<vmem>>) target_semaphore(%arg19 : memref<!tpu.dma_semaphore, #tpu.memory_space<semaphore_mem>>)
    %dma_start3A_70 = arith.constant 9920 : i32
    %dma_start3A_71 = tpu.memref_slice %arg7[%dma_start3A_70] : memref<10000xi32, #tpu.memory_space<vmem>> -> memref<80xi32, #tpu.memory_space<vmem>>
    %dma_start3A_72 = arith.constant 0 : i32
    %dma_start3A_73 = arith.constant 0 : i32
    %dma_start3A_74 = tpu.memref_slice %arg2[%dma_start3A_72, %dma_start3A_73] : memref<10000x128xf32, #tpu.memory_space<hbm>> -> memref<10000x128xf32, #tpu.memory_space<hbm>>
    tpu.enqueue_indirect_dma source(%dma_start3A_74 : memref<10000x128xf32, #tpu.memory_space<hbm>>) target(%arg12 : memref<80x128xf32, #tpu.memory_space<vmem>>) offsets(%dma_start3A_71 : memref<80xi32, #tpu.memory_space<vmem>>) semaphore(%arg16 : memref<!tpu.dma_semaphore, #tpu.memory_space<semaphore_mem>>)
    %add3A_75 = arith.constant 9760 : i32
    %add3A_76 = arith.addi %mul3A_2, %add3A_75 : i32
    %dma_wait3A_77 = tpu.memref_slice %arg4[%add3A_76] : memref<320000xi32, #tpu.memory_space<hbm>> -> memref<80xi32, #tpu.memory_space<hbm>>
    %dma_wait3A_78 = tpu.memref_slice %arg4[%add3A_76] : memref<320000xi32, #tpu.memory_space<hbm>> -> memref<80xi32, #tpu.memory_space<hbm>>
    tpu.wait_dma2 semaphore(%arg20 : memref<!tpu.dma_semaphore, #tpu.memory_space<semaphore_mem>>) src(%dma_wait3A_78 : memref<80xi32, #tpu.memory_space<hbm>>) dst(%arg10 : memref<80xi32, #tpu.memory_space<vmem>>)
    %dma_wait3A_79 = arith.constant 9760 : i32
    %dma_wait3A_80 = tpu.memref_slice %arg7[%dma_wait3A_79] : memref<10000xi32, #tpu.memory_space<vmem>> -> memref<80xi32, #tpu.memory_space<vmem>>
    %dma_wait3A_81 = arith.constant 0 : i32
    %dma_wait3A_82 = arith.constant 0 : i32
    %dma_wait3A_83 = tpu.memref_slice %arg2[%dma_wait3A_81, %dma_wait3A_82] : memref<10000x128xf32, #tpu.memory_space<hbm>> -> memref<10000x128xf32, #tpu.memory_space<hbm>>
    tpu.wait_indirect_dma semaphore(%arg17 : memref<!tpu.dma_semaphore, #tpu.memory_space<semaphore_mem>>) src(%dma_wait3A_83 : memref<10000x128xf32, #tpu.memory_space<hbm>>) dst(%arg13 : memref<80x128xf32, #tpu.memory_space<vmem>>)
    "tpu.region"() ({
      %run_scoped3A = tpu.sem_alloc : memref<!tpu.dma_semaphore, #tpu.memory_space<semaphore_mem>>
      %dma_start3A_112 = arith.constant 0 : i32
      %dma_start3A_113 = arith.constant 0 : i32
      %dma_start3A_114 = tpu.memref_slice %arg14[%dma_start3A_112, %dma_start3A_113] : memref<10000x128xf32, #tpu.memory_space<vmem_shared>> -> memref<10000x128xf32, #tpu.memory_space<vmem_shared>>
      tpu.enqueue_indirect_dma source(%arg13 : memref<80x128xf32, #tpu.memory_space<vmem>>) target(%dma_start3A_114 : memref<10000x128xf32, #tpu.memory_space<vmem_shared>>) offsets(%arg10 : memref<80xi32, #tpu.memory_space<vmem>>) semaphore(%run_scoped3A : memref<!tpu.dma_semaphore, #tpu.memory_space<semaphore_mem>>) {add = true}
      %dma_wait3A_115 = arith.constant 0 : i32
      %dma_wait3A_116 = arith.constant 0 : i32
      %dma_wait3A_117 = tpu.memref_slice %arg14[%dma_wait3A_115, %dma_wait3A_116] : memref<10000x128xf32, #tpu.memory_space<vmem_shared>> -> memref<10000x128xf32, #tpu.memory_space<vmem_shared>>
      tpu.wait_indirect_dma semaphore(%run_scoped3A : memref<!tpu.dma_semaphore, #tpu.memory_space<semaphore_mem>>) src(%arg13 : memref<80x128xf32, #tpu.memory_space<vmem>>) dst(%dma_wait3A_117 : memref<10000x128xf32, #tpu.memory_space<vmem_shared>>)
      tpu.yield
    }) : () -> ()
    %add3A_84 = arith.constant 9840 : i32
    %add3A_85 = arith.addi %mul3A_2, %add3A_84 : i32
    %dma_wait3A_86 = tpu.memref_slice %arg4[%add3A_85] : memref<320000xi32, #tpu.memory_space<hbm>> -> memref<80xi32, #tpu.memory_space<hbm>>
    %dma_wait3A_87 = tpu.memref_slice %arg4[%add3A_85] : memref<320000xi32, #tpu.memory_space<hbm>> -> memref<80xi32, #tpu.memory_space<hbm>>
    tpu.wait_dma2 semaphore(%arg18 : memref<!tpu.dma_semaphore, #tpu.memory_space<semaphore_mem>>) src(%dma_wait3A_87 : memref<80xi32, #tpu.memory_space<hbm>>) dst(%arg8 : memref<80xi32, #tpu.memory_space<vmem>>)
    %dma_wait3A_88 = arith.constant 9840 : i32
    %dma_wait3A_89 = tpu.memref_slice %arg7[%dma_wait3A_88] : memref<10000xi32, #tpu.memory_space<vmem>> -> memref<80xi32, #tpu.memory_space<vmem>>
    %dma_wait3A_90 = arith.constant 0 : i32
    %dma_wait3A_91 = arith.constant 0 : i32
    %dma_wait3A_92 = tpu.memref_slice %arg2[%dma_wait3A_90, %dma_wait3A_91] : memref<10000x128xf32, #tpu.memory_space<hbm>> -> memref<10000x128xf32, #tpu.memory_space<hbm>>
    tpu.wait_indirect_dma semaphore(%arg15 : memref<!tpu.dma_semaphore, #tpu.memory_space<semaphore_mem>>) src(%dma_wait3A_92 : memref<10000x128xf32, #tpu.memory_space<hbm>>) dst(%arg11 : memref<80x128xf32, #tpu.memory_space<vmem>>)
    "tpu.region"() ({
      %run_scoped3A = tpu.sem_alloc : memref<!tpu.dma_semaphore, #tpu.memory_space<semaphore_mem>>
      %dma_start3A_112 = arith.constant 0 : i32
      %dma_start3A_113 = arith.constant 0 : i32
      %dma_start3A_114 = tpu.memref_slice %arg14[%dma_start3A_112, %dma_start3A_113] : memref<10000x128xf32, #tpu.memory_space<vmem_shared>> -> memref<10000x128xf32, #tpu.memory_space<vmem_shared>>
      tpu.enqueue_indirect_dma source(%arg11 : memref<80x128xf32, #tpu.memory_space<vmem>>) target(%dma_start3A_114 : memref<10000x128xf32, #tpu.memory_space<vmem_shared>>) offsets(%arg8 : memref<80xi32, #tpu.memory_space<vmem>>) semaphore(%run_scoped3A : memref<!tpu.dma_semaphore, #tpu.memory_space<semaphore_mem>>) {add = true}
      %dma_wait3A_115 = arith.constant 0 : i32
      %dma_wait3A_116 = arith.constant 0 : i32
      %dma_wait3A_117 = tpu.memref_slice %arg14[%dma_wait3A_115, %dma_wait3A_116] : memref<10000x128xf32, #tpu.memory_space<vmem_shared>> -> memref<10000x128xf32, #tpu.memory_space<vmem_shared>>
      tpu.wait_indirect_dma semaphore(%run_scoped3A : memref<!tpu.dma_semaphore, #tpu.memory_space<semaphore_mem>>) src(%arg11 : memref<80x128xf32, #tpu.memory_space<vmem>>) dst(%dma_wait3A_117 : memref<10000x128xf32, #tpu.memory_space<vmem_shared>>)
      tpu.yield
    }) : () -> ()
    %add3A_93 = arith.constant 9920 : i32
    %add3A_94 = arith.addi %mul3A_2, %add3A_93 : i32
    %dma_wait3A_95 = tpu.memref_slice %arg4[%add3A_94] : memref<320000xi32, #tpu.memory_space<hbm>> -> memref<80xi32, #tpu.memory_space<hbm>>
    %dma_wait3A_96 = tpu.memref_slice %arg4[%add3A_94] : memref<320000xi32, #tpu.memory_space<hbm>> -> memref<80xi32, #tpu.memory_space<hbm>>
    tpu.wait_dma2 semaphore(%arg19 : memref<!tpu.dma_semaphore, #tpu.memory_space<semaphore_mem>>) src(%dma_wait3A_96 : memref<80xi32, #tpu.memory_space<hbm>>) dst(%arg9 : memref<80xi32, #tpu.memory_space<vmem>>)
    %dma_wait3A_97 = arith.constant 9920 : i32
    %dma_wait3A_98 = tpu.memref_slice %arg7[%dma_wait3A_97] : memref<10000xi32, #tpu.memory_space<vmem>> -> memref<80xi32, #tpu.memory_space<vmem>>
    %dma_wait3A_99 = arith.constant 0 : i32
    %dma_wait3A_100 = arith.constant 0 : i32
    %dma_wait3A_101 = tpu.memref_slice %arg2[%dma_wait3A_99, %dma_wait3A_100] : memref<10000x128xf32, #tpu.memory_space<hbm>> -> memref<10000x128xf32, #tpu.memory_space<hbm>>
    tpu.wait_indirect_dma semaphore(%arg16 : memref<!tpu.dma_semaphore, #tpu.memory_space<semaphore_mem>>) src(%dma_wait3A_101 : memref<10000x128xf32, #tpu.memory_space<hbm>>) dst(%arg12 : memref<80x128xf32, #tpu.memory_space<vmem>>)
    "tpu.region"() ({
      %run_scoped3A = tpu.sem_alloc : memref<!tpu.dma_semaphore, #tpu.memory_space<semaphore_mem>>
      %dma_start3A_112 = arith.constant 0 : i32
      %dma_start3A_113 = arith.constant 0 : i32
      %dma_start3A_114 = tpu.memref_slice %arg14[%dma_start3A_112, %dma_start3A_113] : memref<10000x128xf32, #tpu.memory_space<vmem_shared>> -> memref<10000x128xf32, #tpu.memory_space<vmem_shared>>
      tpu.enqueue_indirect_dma source(%arg12 : memref<80x128xf32, #tpu.memory_space<vmem>>) target(%dma_start3A_114 : memref<10000x128xf32, #tpu.memory_space<vmem_shared>>) offsets(%arg9 : memref<80xi32, #tpu.memory_space<vmem>>) semaphore(%run_scoped3A : memref<!tpu.dma_semaphore, #tpu.memory_space<semaphore_mem>>) {add = true}
      %dma_wait3A_115 = arith.constant 0 : i32
      %dma_wait3A_116 = arith.constant 0 : i32
      %dma_wait3A_117 = tpu.memref_slice %arg14[%dma_wait3A_115, %dma_wait3A_116] : memref<10000x128xf32, #tpu.memory_space<vmem_shared>> -> memref<10000x128xf32, #tpu.memory_space<vmem_shared>>
      tpu.wait_indirect_dma semaphore(%run_scoped3A : memref<!tpu.dma_semaphore, #tpu.memory_space<semaphore_mem>>) src(%arg12 : memref<80x128xf32, #tpu.memory_space<vmem>>) dst(%dma_wait3A_117 : memref<10000x128xf32, #tpu.memory_space<vmem_shared>>)
      tpu.yield
    }) : () -> ()
    %barrier3A_102 = arith.constant 0 : index
    tpu.barrier barrier_id(%barrier3A_102)
    %mul3A_103 = arith.constant 624 : i32
    %mul3A_104 = arith.muli %arg1, %mul3A_103 : i32
    %mul3A_105 = arith.constant 624 : i32
    %mul3A_106 = arith.muli %arg1, %mul3A_105 : i32
    "tpu.region"() ({
      %run_scoped3A = tpu.sem_alloc : memref<!tpu.dma_semaphore, #tpu.memory_space<semaphore_mem>>
      %dma_start3A_112 = arith.constant 0 : i32
      %dma_start3A_113 = tpu.memref_slice %arg6[%arg0, %mul3A_106, %dma_start3A_112] : memref<2x10000x128xf32, #tpu.memory_space<hbm>> -> memref<1x624x128xf32, #tpu.memory_space<hbm>>
      %dma_start3A_114 = tpu.memref_squeeze %dma_start3A_113 : memref<1x624x128xf32, #tpu.memory_space<hbm>> -> memref<624x128xf32, #tpu.memory_space<hbm>>
      %dma_start3A_115 = arith.constant 0 : i32
      %dma_start3A_116 = tpu.memref_slice %arg14[%mul3A_104, %dma_start3A_115] : memref<10000x128xf32, #tpu.memory_space<vmem_shared>> -> memref<624x128xf32, #tpu.memory_space<vmem_shared>>
      tpu.enqueue_dma source(%dma_start3A_116 : memref<624x128xf32, #tpu.memory_space<vmem_shared>>) target(%dma_start3A_114 : memref<624x128xf32, #tpu.memory_space<hbm>>) target_semaphore(%run_scoped3A : memref<!tpu.dma_semaphore, #tpu.memory_space<semaphore_mem>>)
      %dma_wait3A_117 = arith.constant 0 : i32
      %dma_wait3A_118 = tpu.memref_slice %arg6[%arg0, %mul3A_106, %dma_wait3A_117] : memref<2x10000x128xf32, #tpu.memory_space<hbm>> -> memref<1x624x128xf32, #tpu.memory_space<hbm>>
      %dma_wait3A_119 = tpu.memref_squeeze %dma_wait3A_118 : memref<1x624x128xf32, #tpu.memory_space<hbm>> -> memref<624x128xf32, #tpu.memory_space<hbm>>
      %dma_wait3A_120 = arith.constant 0 : i32
      %dma_wait3A_121 = tpu.memref_slice %arg14[%mul3A_104, %dma_wait3A_120] : memref<10000x128xf32, #tpu.memory_space<vmem_shared>> -> memref<624x128xf32, #tpu.memory_space<vmem_shared>>
      tpu.wait_dma2 semaphore(%run_scoped3A : memref<!tpu.dma_semaphore, #tpu.memory_space<semaphore_mem>>) src(%dma_wait3A_121 : memref<624x128xf32, #tpu.memory_space<vmem_shared>>) dst(%dma_wait3A_119 : memref<624x128xf32, #tpu.memory_space<hbm>>)
      tpu.yield
    }) : () -> ()
    %eq3A_107 = arith.constant 0 : i32
    %eq3A_108 = arith.cmpi eq, %arg1, %eq3A_107 : i32
    %convert_element_type3A_109 = arith.extui %eq3A_108 : i1 to i32
    %cond3A_110 = arith.constant 0 : i32
    %cond3A_111 = arith.cmpi ne, %convert_element_type3A_109, %cond3A_110 : i32
    scf.if %cond3A_111 {
      "tpu.region"() ({
        %run_scoped3A = tpu.sem_alloc : memref<!tpu.dma_semaphore, #tpu.memory_space<semaphore_mem>>
        %dma_start3A_112 = arith.constant 9984 : i32
        %dma_start3A_113 = arith.constant 0 : i32
        %dma_start3A_114 = tpu.memref_slice %arg6[%arg0, %dma_start3A_112, %dma_start3A_113] : memref<2x10000x128xf32, #tpu.memory_space<hbm>> -> memref<1x16x128xf32, #tpu.memory_space<hbm>>
        %dma_start3A_115 = tpu.memref_squeeze %dma_start3A_114 : memref<1x16x128xf32, #tpu.memory_space<hbm>> -> memref<16x128xf32, #tpu.memory_space<hbm>>
        %dma_start3A_116 = arith.constant 9984 : i32
        %dma_start3A_117 = arith.constant 0 : i32
        %dma_start3A_118 = tpu.memref_slice %arg14[%dma_start3A_116, %dma_start3A_117] : memref<10000x128xf32, #tpu.memory_space<vmem_shared>> -> memref<16x128xf32, #tpu.memory_space<vmem_shared>>
        tpu.enqueue_dma source(%dma_start3A_118 : memref<16x128xf32, #tpu.memory_space<vmem_shared>>) target(%dma_start3A_115 : memref<16x128xf32, #tpu.memory_space<hbm>>) target_semaphore(%run_scoped3A : memref<!tpu.dma_semaphore, #tpu.memory_space<semaphore_mem>>)
        %dma_wait3A_119 = arith.constant 9984 : i32
        %dma_wait3A_120 = arith.constant 0 : i32
        %dma_wait3A_121 = tpu.memref_slice %arg6[%arg0, %dma_wait3A_119, %dma_wait3A_120] : memref<2x10000x128xf32, #tpu.memory_space<hbm>> -> memref<1x16x128xf32, #tpu.memory_space<hbm>>
        %dma_wait3A_122 = tpu.memref_squeeze %dma_wait3A_121 : memref<1x16x128xf32, #tpu.memory_space<hbm>> -> memref<16x128xf32, #tpu.memory_space<hbm>>
        %dma_wait3A_123 = arith.constant 9984 : i32
        %dma_wait3A_124 = arith.constant 0 : i32
        %dma_wait3A_125 = tpu.memref_slice %arg14[%dma_wait3A_123, %dma_wait3A_124] : memref<10000x128xf32, #tpu.memory_space<vmem_shared>> -> memref<16x128xf32, #tpu.memory_space<vmem_shared>>
        tpu.wait_dma2 semaphore(%run_scoped3A : memref<!tpu.dma_semaphore, #tpu.memory_space<semaphore_mem>>) src(%dma_wait3A_125 : memref<16x128xf32, #tpu.memory_space<vmem_shared>>) dst(%dma_wait3A_122 : memref<16x128xf32, #tpu.memory_space<hbm>>)
        tpu.yield
      }) : () -> ()
    } else {
    }
    return
  }
}

#map = affine_map<(d0, d1) -> (0, 0)>
#map1 = affine_map<(d0, d1) -> (0)>
#map2 = affine_map<(d0, d1) -> (0, 0, 0)>
module attributes {stable_mosaic.version = 14 : i64} {
  func.func @_hop_kernel(%arg0: i32, %arg1: i32, %arg2: memref<10000x128xf32, #tpu.memory_space<hbm>>, %arg3: memref<320000xi32, #tpu.memory_space<hbm>>, %arg4: memref<320000xi32, #tpu.memory_space<hbm>>, %arg5: memref<10000x128xf32, #tpu.memory_space<hbm>>, %arg6: memref<2x10000x128xf32, #tpu.memory_space<hbm>>, %arg7: memref<10000xi32, #tpu.memory_space<vmem>>, %arg8: memref<80xi32, #tpu.memory_space<vmem>>, %arg9: memref<80xi32, #tpu.memory_space<vmem>>, %arg10: memref<80xi32, #tpu.memory_space<vmem>>, %arg11: memref<80x128xf32, #tpu.memory_space<vmem>>, %arg12: memref<80x128xf32, #tpu.memory_space<vmem>>, %arg13: memref<80x128xf32, #tpu.memory_space<vmem>>, %arg14: memref<10000x128xf32, #tpu.memory_space<vmem_shared>>, %arg15: memref<!tpu.dma_semaphore, #tpu.memory_space<semaphore_mem>>, %arg16: memref<!tpu.dma_semaphore, #tpu.memory_space<semaphore_mem>>, %arg17: memref<!tpu.dma_semaphore, #tpu.memory_space<semaphore_mem>>, %arg18: memref<!tpu.dma_semaphore, #tpu.memory_space<semaphore_mem>>, %arg19: memref<!tpu.dma_semaphore, #tpu.memory_space<semaphore_mem>>, %arg20: memref<!tpu.dma_semaphore, #tpu.memory_space<semaphore_mem>>) attributes {dimension_semantics = [#tpu.dimension_semantics<core_parallel>, #tpu.dimension_semantics<subcore_parallel>], iteration_bounds = array<i64: 2, 16>, scalar_prefetch = 0 : i64, scratch_operands = 14 : i64, tpu.core_type = #tpu.core_type<sc_vector_subcore>, window_params = [{transform_indices = #map}, {transform_indices = #map1}, {transform_indices = #map1}, {transform_indices = #map}, {transform_indices = #map2}]} {
    %mul3A = arith.constant 2 : i32
    %mul3A_0 = arith.muli %arg1, %mul3A : i32
    %add3A = arith.addi %mul3A_0, %arg0 : i32
    %mul3A_1 = arith.constant 10000 : i32
    %mul3A_2 = arith.muli %add3A, %mul3A_1 : i32
    "tpu.region"() ({
      %run_scoped3A = tpu.sem_alloc : memref<!tpu.dma_semaphore, #tpu.memory_space<semaphore_mem>>
      %dma_start3A_112 = tpu.memref_slice %arg3[%mul3A_2] : memref<320000xi32, #tpu.memory_space<hbm>> -> memref<10000xi32, #tpu.memory_space<hbm>>
      %dma_start3A_113 = tpu.memref_slice %arg3[%mul3A_2] : memref<320000xi32, #tpu.memory_space<hbm>> -> memref<10000xi32, #tpu.memory_space<hbm>>
      tpu.enqueue_dma source(%dma_start3A_113 : memref<10000xi32, #tpu.memory_space<hbm>>) target(%arg7 : memref<10000xi32, #tpu.memory_space<vmem>>) target_semaphore(%run_scoped3A : memref<!tpu.dma_semaphore, #tpu.memory_space<semaphore_mem>>)
      %dma_wait3A_114 = tpu.memref_slice %arg3[%mul3A_2] : memref<320000xi32, #tpu.memory_space<hbm>> -> memref<10000xi32, #tpu.memory_space<hbm>>
      %dma_wait3A_115 = tpu.memref_slice %arg3[%mul3A_2] : memref<320000xi32, #tpu.memory_space<hbm>> -> memref<10000xi32, #tpu.memory_space<hbm>>
      tpu.wait_dma2 semaphore(%run_scoped3A : memref<!tpu.dma_semaphore, #tpu.memory_space<semaphore_mem>>) src(%dma_wait3A_115 : memref<10000xi32, #tpu.memory_space<hbm>>) dst(%arg7 : memref<10000xi32, #tpu.memory_space<vmem>>)
      tpu.yield
    }) : () -> ()
    %add3A_3 = arith.constant 0 : i32
    %add3A_4 = arith.addi %mul3A_2, %add3A_3 : i32
    %dma_start3A = tpu.memref_slice %arg4[%add3A_4] : memref<320000xi32, #tpu.memory_space<hbm>> -> memref<80xi32, #tpu.memory_space<hbm>>
    %dma_start3A_5 = tpu.memref_slice %arg4[%add3A_4] : memref<320000xi32, #tpu.memory_space<hbm>> -> memref<80xi32, #tpu.memory_space<hbm>>
    tpu.enqueue_dma source(%dma_start3A_5 : memref<80xi32, #tpu.memory_space<hbm>>) target(%arg8 : memref<80xi32, #tpu.memory_space<vmem>>) target_semaphore(%arg18 : memref<!tpu.dma_semaphore, #tpu.memory_space<semaphore_mem>>)
    %dma_start3A_6 = arith.constant 0 : i32
    %dma_start3A_7 = tpu.memref_slice %arg7[%dma_start3A_6] : memref<10000xi32, #tpu.memory_space<vmem>> -> memref<80xi32, #tpu.memory_space<vmem>>
    %dma_start3A_8 = arith.constant 0 : i32
    %dma_start3A_9 = arith.constant 0 : i32
    %dma_start3A_10 = tpu.memref_slice %arg2[%dma_start3A_8, %dma_start3A_9] : memref<10000x128xf32, #tpu.memory_space<hbm>> -> memref<10000x128xf32, #tpu.memory_space<hbm>>
    tpu.enqueue_indirect_dma source(%dma_start3A_10 : memref<10000x128xf32, #tpu.memory_space<hbm>>) target(%arg11 : memref<80x128xf32, #tpu.memory_space<vmem>>) offsets(%dma_start3A_7 : memref<80xi32, #tpu.memory_space<vmem>>) semaphore(%arg15 : memref<!tpu.dma_semaphore, #tpu.memory_space<semaphore_mem>>)
    %add3A_11 = arith.constant 80 : i32
    %add3A_12 = arith.addi %mul3A_2, %add3A_11 : i32
    %dma_start3A_13 = tpu.memref_slice %arg4[%add3A_12] : memref<320000xi32, #tpu.memory_space<hbm>> -> memref<80xi32, #tpu.memory_space<hbm>>
    %dma_start3A_14 = tpu.memref_slice %arg4[%add3A_12] : memref<320000xi32, #tpu.memory_space<hbm>> -> memref<80xi32, #tpu.memory_space<hbm>>
    tpu.enqueue_dma source(%dma_start3A_14 : memref<80xi32, #tpu.memory_space<hbm>>) target(%arg9 : memref<80xi32, #tpu.memory_space<vmem>>) target_semaphore(%arg19 : memref<!tpu.dma_semaphore, #tpu.memory_space<semaphore_mem>>)
    %dma_start3A_15 = arith.constant 80 : i32
    %dma_start3A_16 = tpu.memref_slice %arg7[%dma_start3A_15] : memref<10000xi32, #tpu.memory_space<vmem>> -> memref<80xi32, #tpu.memory_space<vmem>>
    %dma_start3A_17 = arith.constant 0 : i32
    %dma_start3A_18 = arith.constant 0 : i32
    %dma_start3A_19 = tpu.memref_slice %arg2[%dma_start3A_17, %dma_start3A_18] : memref<10000x128xf32, #tpu.memory_space<hbm>> -> memref<10000x128xf32, #tpu.memory_space<hbm>>
    tpu.enqueue_indirect_dma source(%dma_start3A_19 : memref<10000x128xf32, #tpu.memory_space<hbm>>) target(%arg12 : memref<80x128xf32, #tpu.memory_space<vmem>>) offsets(%dma_start3A_16 : memref<80xi32, #tpu.memory_space<vmem>>) semaphore(%arg16 : memref<!tpu.dma_semaphore, #tpu.memory_space<semaphore_mem>>)
    %add3A_20 = arith.constant 160 : i32
    %add3A_21 = arith.addi %mul3A_2, %add3A_20 : i32
    %dma_start3A_22 = tpu.memref_slice %arg4[%add3A_21] : memref<320000xi32, #tpu.memory_space<hbm>> -> memref<80xi32, #tpu.memory_space<hbm>>
    %dma_start3A_23 = tpu.memref_slice %arg4[%add3A_21] : memref<320000xi32, #tpu.memory_space<hbm>> -> memref<80xi32, #tpu.memory_space<hbm>>
    tpu.enqueue_dma source(%dma_start3A_23 : memref<80xi32, #tpu.memory_space<hbm>>) target(%arg10 : memref<80xi32, #tpu.memory_space<vmem>>) target_semaphore(%arg20 : memref<!tpu.dma_semaphore, #tpu.memory_space<semaphore_mem>>)
    %dma_start3A_24 = arith.constant 160 : i32
    %dma_start3A_25 = tpu.memref_slice %arg7[%dma_start3A_24] : memref<10000xi32, #tpu.memory_space<vmem>> -> memref<80xi32, #tpu.memory_space<vmem>>
    %dma_start3A_26 = arith.constant 0 : i32
    %dma_start3A_27 = arith.constant 0 : i32
    %dma_start3A_28 = tpu.memref_slice %arg2[%dma_start3A_26, %dma_start3A_27] : memref<10000x128xf32, #tpu.memory_space<hbm>> -> memref<10000x128xf32, #tpu.memory_space<hbm>>
    tpu.enqueue_indirect_dma source(%dma_start3A_28 : memref<10000x128xf32, #tpu.memory_space<hbm>>) target(%arg13 : memref<80x128xf32, #tpu.memory_space<vmem>>) offsets(%dma_start3A_25 : memref<80xi32, #tpu.memory_space<vmem>>) semaphore(%arg17 : memref<!tpu.dma_semaphore, #tpu.memory_space<semaphore_mem>>)
    %mul3A_29 = arith.constant 624 : i32
    %mul3A_30 = arith.muli %arg1, %mul3A_29 : i32
    %mul3A_31 = arith.constant 624 : i32
    %mul3A_32 = arith.muli %arg1, %mul3A_31 : i32
    "tpu.region"() ({
      %run_scoped3A = tpu.sem_alloc : memref<!tpu.dma_semaphore, #tpu.memory_space<semaphore_mem>>
      %dma_start3A_112 = arith.constant 0 : i32
      %dma_start3A_113 = tpu.memref_slice %arg14[%mul3A_32, %dma_start3A_112] : memref<10000x128xf32, #tpu.memory_space<vmem_shared>> -> memref<624x128xf32, #tpu.memory_space<vmem_shared>>
      %dma_start3A_114 = arith.constant 0 : i32
      %dma_start3A_115 = tpu.memref_slice %arg5[%mul3A_30, %dma_start3A_114] : memref<10000x128xf32, #tpu.memory_space<hbm>> -> memref<624x128xf32, #tpu.memory_space<hbm>>
      tpu.enqueue_dma source(%dma_start3A_115 : memref<624x128xf32, #tpu.memory_space<hbm>>) target(%dma_start3A_113 : memref<624x128xf32, #tpu.memory_space<vmem_shared>>) target_semaphore(%run_scoped3A : memref<!tpu.dma_semaphore, #tpu.memory_space<semaphore_mem>>)
      %dma_wait3A_116 = arith.constant 0 : i32
      %dma_wait3A_117 = tpu.memref_slice %arg14[%mul3A_32, %dma_wait3A_116] : memref<10000x128xf32, #tpu.memory_space<vmem_shared>> -> memref<624x128xf32, #tpu.memory_space<vmem_shared>>
      %dma_wait3A_118 = arith.constant 0 : i32
      %dma_wait3A_119 = tpu.memref_slice %arg5[%mul3A_30, %dma_wait3A_118] : memref<10000x128xf32, #tpu.memory_space<hbm>> -> memref<624x128xf32, #tpu.memory_space<hbm>>
      tpu.wait_dma2 semaphore(%run_scoped3A : memref<!tpu.dma_semaphore, #tpu.memory_space<semaphore_mem>>) src(%dma_wait3A_119 : memref<624x128xf32, #tpu.memory_space<hbm>>) dst(%dma_wait3A_117 : memref<624x128xf32, #tpu.memory_space<vmem_shared>>)
      tpu.yield
    }) : () -> ()
    %eq3A = arith.constant 0 : i32
    %eq3A_33 = arith.cmpi eq, %arg1, %eq3A : i32
    %convert_element_type3A = arith.extui %eq3A_33 : i1 to i32
    %cond3A = arith.constant 0 : i32
    %cond3A_34 = arith.cmpi ne, %convert_element_type3A, %cond3A : i32
    scf.if %cond3A_34 {
      "tpu.region"() ({
        %run_scoped3A = tpu.sem_alloc : memref<!tpu.dma_semaphore, #tpu.memory_space<semaphore_mem>>
        %dma_start3A_112 = arith.constant 9984 : i32
        %dma_start3A_113 = arith.constant 0 : i32
        %dma_start3A_114 = tpu.memref_slice %arg14[%dma_start3A_112, %dma_start3A_113] : memref<10000x128xf32, #tpu.memory_space<vmem_shared>> -> memref<16x128xf32, #tpu.memory_space<vmem_shared>>
        %dma_start3A_115 = arith.constant 9984 : i32
        %dma_start3A_116 = arith.constant 0 : i32
        %dma_start3A_117 = tpu.memref_slice %arg5[%dma_start3A_115, %dma_start3A_116] : memref<10000x128xf32, #tpu.memory_space<hbm>> -> memref<16x128xf32, #tpu.memory_space<hbm>>
        tpu.enqueue_dma source(%dma_start3A_117 : memref<16x128xf32, #tpu.memory_space<hbm>>) target(%dma_start3A_114 : memref<16x128xf32, #tpu.memory_space<vmem_shared>>) target_semaphore(%run_scoped3A : memref<!tpu.dma_semaphore, #tpu.memory_space<semaphore_mem>>)
        %dma_wait3A_118 = arith.constant 9984 : i32
        %dma_wait3A_119 = arith.constant 0 : i32
        %dma_wait3A_120 = tpu.memref_slice %arg14[%dma_wait3A_118, %dma_wait3A_119] : memref<10000x128xf32, #tpu.memory_space<vmem_shared>> -> memref<16x128xf32, #tpu.memory_space<vmem_shared>>
        %dma_wait3A_121 = arith.constant 9984 : i32
        %dma_wait3A_122 = arith.constant 0 : i32
        %dma_wait3A_123 = tpu.memref_slice %arg5[%dma_wait3A_121, %dma_wait3A_122] : memref<10000x128xf32, #tpu.memory_space<hbm>> -> memref<16x128xf32, #tpu.memory_space<hbm>>
        tpu.wait_dma2 semaphore(%run_scoped3A : memref<!tpu.dma_semaphore, #tpu.memory_space<semaphore_mem>>) src(%dma_wait3A_123 : memref<16x128xf32, #tpu.memory_space<hbm>>) dst(%dma_wait3A_120 : memref<16x128xf32, #tpu.memory_space<vmem_shared>>)
        tpu.yield
      }) : () -> ()
    } else {
    }
    %barrier3A = arith.constant 0 : index
    tpu.barrier barrier_id(%barrier3A)
    %scan3A = arith.constant 0 : i32
    %scan3A_35 = arith.constant 0 : i32
    %scan3A_36 = arith.constant 40 : i32
    %scan3A_37 = arith.addi %scan3A_35, %scan3A_36 : i32
    %scan3A_38 = arith.constant 1 : i32
    scf.for %scan3A_112 = %scan3A_35 to %scan3A_37 step %scan3A_38  : i32 {
      %mul3A_113 = arith.constant 3 : i32
      %mul3A_114 = arith.muli %mul3A_113, %scan3A_112 : i32
      %add3A_115 = arith.constant 0 : i32
      %add3A_116 = arith.addi %mul3A_114, %add3A_115 : i32
      %mul3A_117 = arith.constant 80 : i32
      %mul3A_118 = arith.muli %add3A_116, %mul3A_117 : i32
      %add3A_119 = arith.addi %mul3A_2, %mul3A_118 : i32
      %dma_wait3A_120 = tpu.memref_slice %arg4[%add3A_119] : memref<320000xi32, #tpu.memory_space<hbm>> -> memref<80xi32, #tpu.memory_space<hbm>>
      %dma_wait3A_121 = tpu.memref_slice %arg4[%add3A_119] : memref<320000xi32, #tpu.memory_space<hbm>> -> memref<80xi32, #tpu.memory_space<hbm>>
      tpu.wait_dma2 semaphore(%arg18 : memref<!tpu.dma_semaphore, #tpu.memory_space<semaphore_mem>>) src(%dma_wait3A_121 : memref<80xi32, #tpu.memory_space<hbm>>) dst(%arg8 : memref<80xi32, #tpu.memory_space<vmem>>)
      %mul3A_122 = arith.constant 80 : i32
      %mul3A_123 = arith.muli %add3A_116, %mul3A_122 : i32
      %dma_wait3A_124 = tpu.memref_slice %arg7[%mul3A_123] : memref<10000xi32, #tpu.memory_space<vmem>> -> memref<80xi32, #tpu.memory_space<vmem>>
      %dma_wait3A_125 = arith.constant 0 : i32
      %dma_wait3A_126 = arith.constant 0 : i32
      %dma_wait3A_127 = tpu.memref_slice %arg2[%dma_wait3A_125, %dma_wait3A_126] : memref<10000x128xf32, #tpu.memory_space<hbm>> -> memref<10000x128xf32, #tpu.memory_space<hbm>>
      tpu.wait_indirect_dma semaphore(%arg15 : memref<!tpu.dma_semaphore, #tpu.memory_space<semaphore_mem>>) src(%dma_wait3A_127 : memref<10000x128xf32, #tpu.memory_space<hbm>>) dst(%arg11 : memref<80x128xf32, #tpu.memory_space<vmem>>)
      "tpu.region"() ({
        %run_scoped3A = tpu.sem_alloc : memref<!tpu.dma_semaphore, #tpu.memory_space<semaphore_mem>>
        %dma_start3A_193 = arith.constant 0 : i32
        %dma_start3A_194 = arith.constant 0 : i32
        %dma_start3A_195 = tpu.memref_slice %arg14[%dma_start3A_193, %dma_start3A_194] : memref<10000x128xf32, #tpu.memory_space<vmem_shared>> -> memref<10000x128xf32, #tpu.memory_space<vmem_shared>>
        tpu.enqueue_indirect_dma source(%arg11 : memref<80x128xf32, #tpu.memory_space<vmem>>) target(%dma_start3A_195 : memref<10000x128xf32, #tpu.memory_space<vmem_shared>>) offsets(%arg8 : memref<80xi32, #tpu.memory_space<vmem>>) semaphore(%run_scoped3A : memref<!tpu.dma_semaphore, #tpu.memory_space<semaphore_mem>>) {add = true}
        %dma_wait3A_196 = arith.constant 0 : i32
        %dma_wait3A_197 = arith.constant 0 : i32
        %dma_wait3A_198 = tpu.memref_slice %arg14[%dma_wait3A_196, %dma_wait3A_197] : memref<10000x128xf32, #tpu.memory_space<vmem_shared>> -> memref<10000x128xf32, #tpu.memory_space<vmem_shared>>
        tpu.wait_indirect_dma semaphore(%run_scoped3A : memref<!tpu.dma_semaphore, #tpu.memory_space<semaphore_mem>>) src(%arg11 : memref<80x128xf32, #tpu.memory_space<vmem>>) dst(%dma_wait3A_198 : memref<10000x128xf32, #tpu.memory_space<vmem_shared>>)
        tpu.yield
      }) : () -> ()
      %add3A_128 = arith.constant 3 : i32
      %add3A_129 = arith.addi %add3A_116, %add3A_128 : i32
      %mul3A_130 = arith.constant 80 : i32
      %mul3A_131 = arith.muli %add3A_129, %mul3A_130 : i32
      %add3A_132 = arith.addi %mul3A_2, %mul3A_131 : i32
      %dma_start3A_133 = tpu.memref_slice %arg4[%add3A_132] : memref<320000xi32, #tpu.memory_space<hbm>> -> memref<80xi32, #tpu.memory_space<hbm>>
      %dma_start3A_134 = tpu.memref_slice %arg4[%add3A_132] : memref<320000xi32, #tpu.memory_space<hbm>> -> memref<80xi32, #tpu.memory_space<hbm>>
      tpu.enqueue_dma source(%dma_start3A_134 : memref<80xi32, #tpu.memory_space<hbm>>) target(%arg8 : memref<80xi32, #tpu.memory_space<vmem>>) target_semaphore(%arg18 : memref<!tpu.dma_semaphore, #tpu.memory_space<semaphore_mem>>)
      %mul3A_135 = arith.constant 80 : i32
      %mul3A_136 = arith.muli %add3A_129, %mul3A_135 : i32
      %dma_start3A_137 = tpu.memref_slice %arg7[%mul3A_136] : memref<10000xi32, #tpu.memory_space<vmem>> -> memref<80xi32, #tpu.memory_space<vmem>>
      %dma_start3A_138 = arith.constant 0 : i32
      %dma_start3A_139 = arith.constant 0 : i32
      %dma_start3A_140 = tpu.memref_slice %arg2[%dma_start3A_138, %dma_start3A_139] : memref<10000x128xf32, #tpu.memory_space<hbm>> -> memref<10000x128xf32, #tpu.memory_space<hbm>>
      tpu.enqueue_indirect_dma source(%dma_start3A_140 : memref<10000x128xf32, #tpu.memory_space<hbm>>) target(%arg11 : memref<80x128xf32, #tpu.memory_space<vmem>>) offsets(%dma_start3A_137 : memref<80xi32, #tpu.memory_space<vmem>>) semaphore(%arg15 : memref<!tpu.dma_semaphore, #tpu.memory_space<semaphore_mem>>)
      %add3A_141 = arith.constant 1 : i32
      %add3A_142 = arith.addi %mul3A_114, %add3A_141 : i32
      %mul3A_143 = arith.constant 80 : i32
      %mul3A_144 = arith.muli %add3A_142, %mul3A_143 : i32
      %add3A_145 = arith.addi %mul3A_2, %mul3A_144 : i32
      %dma_wait3A_146 = tpu.memref_slice %arg4[%add3A_145] : memref<320000xi32, #tpu.memory_space<hbm>> -> memref<80xi32, #tpu.memory_space<hbm>>
      %dma_wait3A_147 = tpu.memref_slice %arg4[%add3A_145] : memref<320000xi32, #tpu.memory_space<hbm>> -> memref<80xi32, #tpu.memory_space<hbm>>
      tpu.wait_dma2 semaphore(%arg19 : memref<!tpu.dma_semaphore, #tpu.memory_space<semaphore_mem>>) src(%dma_wait3A_147 : memref<80xi32, #tpu.memory_space<hbm>>) dst(%arg9 : memref<80xi32, #tpu.memory_space<vmem>>)
      %mul3A_148 = arith.constant 80 : i32
      %mul3A_149 = arith.muli %add3A_142, %mul3A_148 : i32
      %dma_wait3A_150 = tpu.memref_slice %arg7[%mul3A_149] : memref<10000xi32, #tpu.memory_space<vmem>> -> memref<80xi32, #tpu.memory_space<vmem>>
      %dma_wait3A_151 = arith.constant 0 : i32
      %dma_wait3A_152 = arith.constant 0 : i32
      %dma_wait3A_153 = tpu.memref_slice %arg2[%dma_wait3A_151, %dma_wait3A_152] : memref<10000x128xf32, #tpu.memory_space<hbm>> -> memref<10000x128xf32, #tpu.memory_space<hbm>>
      tpu.wait_indirect_dma semaphore(%arg16 : memref<!tpu.dma_semaphore, #tpu.memory_space<semaphore_mem>>) src(%dma_wait3A_153 : memref<10000x128xf32, #tpu.memory_space<hbm>>) dst(%arg12 : memref<80x128xf32, #tpu.memory_space<vmem>>)
      "tpu.region"() ({
        %run_scoped3A = tpu.sem_alloc : memref<!tpu.dma_semaphore, #tpu.memory_space<semaphore_mem>>
        %dma_start3A_193 = arith.constant 0 : i32
        %dma_start3A_194 = arith.constant 0 : i32
        %dma_start3A_195 = tpu.memref_slice %arg14[%dma_start3A_193, %dma_start3A_194] : memref<10000x128xf32, #tpu.memory_space<vmem_shared>> -> memref<10000x128xf32, #tpu.memory_space<vmem_shared>>
        tpu.enqueue_indirect_dma source(%arg12 : memref<80x128xf32, #tpu.memory_space<vmem>>) target(%dma_start3A_195 : memref<10000x128xf32, #tpu.memory_space<vmem_shared>>) offsets(%arg9 : memref<80xi32, #tpu.memory_space<vmem>>) semaphore(%run_scoped3A : memref<!tpu.dma_semaphore, #tpu.memory_space<semaphore_mem>>) {add = true}
        %dma_wait3A_196 = arith.constant 0 : i32
        %dma_wait3A_197 = arith.constant 0 : i32
        %dma_wait3A_198 = tpu.memref_slice %arg14[%dma_wait3A_196, %dma_wait3A_197] : memref<10000x128xf32, #tpu.memory_space<vmem_shared>> -> memref<10000x128xf32, #tpu.memory_space<vmem_shared>>
        tpu.wait_indirect_dma semaphore(%run_scoped3A : memref<!tpu.dma_semaphore, #tpu.memory_space<semaphore_mem>>) src(%arg12 : memref<80x128xf32, #tpu.memory_space<vmem>>) dst(%dma_wait3A_198 : memref<10000x128xf32, #tpu.memory_space<vmem_shared>>)
        tpu.yield
      }) : () -> ()
      %add3A_154 = arith.constant 3 : i32
      %add3A_155 = arith.addi %add3A_142, %add3A_154 : i32
      %mul3A_156 = arith.constant 80 : i32
      %mul3A_157 = arith.muli %add3A_155, %mul3A_156 : i32
      %add3A_158 = arith.addi %mul3A_2, %mul3A_157 : i32
      %dma_start3A_159 = tpu.memref_slice %arg4[%add3A_158] : memref<320000xi32, #tpu.memory_space<hbm>> -> memref<80xi32, #tpu.memory_space<hbm>>
      %dma_start3A_160 = tpu.memref_slice %arg4[%add3A_158] : memref<320000xi32, #tpu.memory_space<hbm>> -> memref<80xi32, #tpu.memory_space<hbm>>
      tpu.enqueue_dma source(%dma_start3A_160 : memref<80xi32, #tpu.memory_space<hbm>>) target(%arg9 : memref<80xi32, #tpu.memory_space<vmem>>) target_semaphore(%arg19 : memref<!tpu.dma_semaphore, #tpu.memory_space<semaphore_mem>>)
      %mul3A_161 = arith.constant 80 : i32
      %mul3A_162 = arith.muli %add3A_155, %mul3A_161 : i32
      %dma_start3A_163 = tpu.memref_slice %arg7[%mul3A_162] : memref<10000xi32, #tpu.memory_space<vmem>> -> memref<80xi32, #tpu.memory_space<vmem>>
      %dma_start3A_164 = arith.constant 0 : i32
      %dma_start3A_165 = arith.constant 0 : i32
      %dma_start3A_166 = tpu.memref_slice %arg2[%dma_start3A_164, %dma_start3A_165] : memref<10000x128xf32, #tpu.memory_space<hbm>> -> memref<10000x128xf32, #tpu.memory_space<hbm>>
      tpu.enqueue_indirect_dma source(%dma_start3A_166 : memref<10000x128xf32, #tpu.memory_space<hbm>>) target(%arg12 : memref<80x128xf32, #tpu.memory_space<vmem>>) offsets(%dma_start3A_163 : memref<80xi32, #tpu.memory_space<vmem>>) semaphore(%arg16 : memref<!tpu.dma_semaphore, #tpu.memory_space<semaphore_mem>>)
      %add3A_167 = arith.constant 2 : i32
      %add3A_168 = arith.addi %mul3A_114, %add3A_167 : i32
      %mul3A_169 = arith.constant 80 : i32
      %mul3A_170 = arith.muli %add3A_168, %mul3A_169 : i32
      %add3A_171 = arith.addi %mul3A_2, %mul3A_170 : i32
      %dma_wait3A_172 = tpu.memref_slice %arg4[%add3A_171] : memref<320000xi32, #tpu.memory_space<hbm>> -> memref<80xi32, #tpu.memory_space<hbm>>
      %dma_wait3A_173 = tpu.memref_slice %arg4[%add3A_171] : memref<320000xi32, #tpu.memory_space<hbm>> -> memref<80xi32, #tpu.memory_space<hbm>>
      tpu.wait_dma2 semaphore(%arg20 : memref<!tpu.dma_semaphore, #tpu.memory_space<semaphore_mem>>) src(%dma_wait3A_173 : memref<80xi32, #tpu.memory_space<hbm>>) dst(%arg10 : memref<80xi32, #tpu.memory_space<vmem>>)
      %mul3A_174 = arith.constant 80 : i32
      %mul3A_175 = arith.muli %add3A_168, %mul3A_174 : i32
      %dma_wait3A_176 = tpu.memref_slice %arg7[%mul3A_175] : memref<10000xi32, #tpu.memory_space<vmem>> -> memref<80xi32, #tpu.memory_space<vmem>>
      %dma_wait3A_177 = arith.constant 0 : i32
      %dma_wait3A_178 = arith.constant 0 : i32
      %dma_wait3A_179 = tpu.memref_slice %arg2[%dma_wait3A_177, %dma_wait3A_178] : memref<10000x128xf32, #tpu.memory_space<hbm>> -> memref<10000x128xf32, #tpu.memory_space<hbm>>
      tpu.wait_indirect_dma semaphore(%arg17 : memref<!tpu.dma_semaphore, #tpu.memory_space<semaphore_mem>>) src(%dma_wait3A_179 : memref<10000x128xf32, #tpu.memory_space<hbm>>) dst(%arg13 : memref<80x128xf32, #tpu.memory_space<vmem>>)
      "tpu.region"() ({
        %run_scoped3A = tpu.sem_alloc : memref<!tpu.dma_semaphore, #tpu.memory_space<semaphore_mem>>
        %dma_start3A_193 = arith.constant 0 : i32
        %dma_start3A_194 = arith.constant 0 : i32
        %dma_start3A_195 = tpu.memref_slice %arg14[%dma_start3A_193, %dma_start3A_194] : memref<10000x128xf32, #tpu.memory_space<vmem_shared>> -> memref<10000x128xf32, #tpu.memory_space<vmem_shared>>
        tpu.enqueue_indirect_dma source(%arg13 : memref<80x128xf32, #tpu.memory_space<vmem>>) target(%dma_start3A_195 : memref<10000x128xf32, #tpu.memory_space<vmem_shared>>) offsets(%arg10 : memref<80xi32, #tpu.memory_space<vmem>>) semaphore(%run_scoped3A : memref<!tpu.dma_semaphore, #tpu.memory_space<semaphore_mem>>) {add = true}
        %dma_wait3A_196 = arith.constant 0 : i32
        %dma_wait3A_197 = arith.constant 0 : i32
        %dma_wait3A_198 = tpu.memref_slice %arg14[%dma_wait3A_196, %dma_wait3A_197] : memref<10000x128xf32, #tpu.memory_space<vmem_shared>> -> memref<10000x128xf32, #tpu.memory_space<vmem_shared>>
        tpu.wait_indirect_dma semaphore(%run_scoped3A : memref<!tpu.dma_semaphore, #tpu.memory_space<semaphore_mem>>) src(%arg13 : memref<80x128xf32, #tpu.memory_space<vmem>>) dst(%dma_wait3A_198 : memref<10000x128xf32, #tpu.memory_space<vmem_shared>>)
        tpu.yield
      }) : () -> ()
      %add3A_180 = arith.constant 3 : i32
      %add3A_181 = arith.addi %add3A_168, %add3A_180 : i32
      %mul3A_182 = arith.constant 80 : i32
      %mul3A_183 = arith.muli %add3A_181, %mul3A_182 : i32
      %add3A_184 = arith.addi %mul3A_2, %mul3A_183 : i32
      %dma_start3A_185 = tpu.memref_slice %arg4[%add3A_184] : memref<320000xi32, #tpu.memory_space<hbm>> -> memref<80xi32, #tpu.memory_space<hbm>>
      %dma_start3A_186 = tpu.memref_slice %arg4[%add3A_184] : memref<320000xi32, #tpu.memory_space<hbm>> -> memref<80xi32, #tpu.memory_space<hbm>>
      tpu.enqueue_dma source(%dma_start3A_186 : memref<80xi32, #tpu.memory_space<hbm>>) target(%arg10 : memref<80xi32, #tpu.memory_space<vmem>>) target_semaphore(%arg20 : memref<!tpu.dma_semaphore, #tpu.memory_space<semaphore_mem>>)
      %mul3A_187 = arith.constant 80 : i32
      %mul3A_188 = arith.muli %add3A_181, %mul3A_187 : i32
      %dma_start3A_189 = tpu.memref_slice %arg7[%mul3A_188] : memref<10000xi32, #tpu.memory_space<vmem>> -> memref<80xi32, #tpu.memory_space<vmem>>
      %dma_start3A_190 = arith.constant 0 : i32
      %dma_start3A_191 = arith.constant 0 : i32
      %dma_start3A_192 = tpu.memref_slice %arg2[%dma_start3A_190, %dma_start3A_191] : memref<10000x128xf32, #tpu.memory_space<hbm>> -> memref<10000x128xf32, #tpu.memory_space<hbm>>
      tpu.enqueue_indirect_dma source(%dma_start3A_192 : memref<10000x128xf32, #tpu.memory_space<hbm>>) target(%arg13 : memref<80x128xf32, #tpu.memory_space<vmem>>) offsets(%dma_start3A_189 : memref<80xi32, #tpu.memory_space<vmem>>) semaphore(%arg17 : memref<!tpu.dma_semaphore, #tpu.memory_space<semaphore_mem>>)
    }
    %scan3A_39 = arith.constant 40 : i32
    %add3A_40 = arith.constant 9600 : i32
    %add3A_41 = arith.addi %mul3A_2, %add3A_40 : i32
    %dma_wait3A = tpu.memref_slice %arg4[%add3A_41] : memref<320000xi32, #tpu.memory_space<hbm>> -> memref<80xi32, #tpu.memory_space<hbm>>
    %dma_wait3A_42 = tpu.memref_slice %arg4[%add3A_41] : memref<320000xi32, #tpu.memory_space<hbm>> -> memref<80xi32, #tpu.memory_space<hbm>>
    tpu.wait_dma2 semaphore(%arg18 : memref<!tpu.dma_semaphore, #tpu.memory_space<semaphore_mem>>) src(%dma_wait3A_42 : memref<80xi32, #tpu.memory_space<hbm>>) dst(%arg8 : memref<80xi32, #tpu.memory_space<vmem>>)
    %dma_wait3A_43 = arith.constant 9600 : i32
    %dma_wait3A_44 = tpu.memref_slice %arg7[%dma_wait3A_43] : memref<10000xi32, #tpu.memory_space<vmem>> -> memref<80xi32, #tpu.memory_space<vmem>>
    %dma_wait3A_45 = arith.constant 0 : i32
    %dma_wait3A_46 = arith.constant 0 : i32
    %dma_wait3A_47 = tpu.memref_slice %arg2[%dma_wait3A_45, %dma_wait3A_46] : memref<10000x128xf32, #tpu.memory_space<hbm>> -> memref<10000x128xf32, #tpu.memory_space<hbm>>
    tpu.wait_indirect_dma semaphore(%arg15 : memref<!tpu.dma_semaphore, #tpu.memory_space<semaphore_mem>>) src(%dma_wait3A_47 : memref<10000x128xf32, #tpu.memory_space<hbm>>) dst(%arg11 : memref<80x128xf32, #tpu.memory_space<vmem>>)
    "tpu.region"() ({
      %run_scoped3A = tpu.sem_alloc : memref<!tpu.dma_semaphore, #tpu.memory_space<semaphore_mem>>
      %dma_start3A_112 = arith.constant 0 : i32
      %dma_start3A_113 = arith.constant 0 : i32
      %dma_start3A_114 = tpu.memref_slice %arg14[%dma_start3A_112, %dma_start3A_113] : memref<10000x128xf32, #tpu.memory_space<vmem_shared>> -> memref<10000x128xf32, #tpu.memory_space<vmem_shared>>
      tpu.enqueue_indirect_dma source(%arg11 : memref<80x128xf32, #tpu.memory_space<vmem>>) target(%dma_start3A_114 : memref<10000x128xf32, #tpu.memory_space<vmem_shared>>) offsets(%arg8 : memref<80xi32, #tpu.memory_space<vmem>>) semaphore(%run_scoped3A : memref<!tpu.dma_semaphore, #tpu.memory_space<semaphore_mem>>) {add = true}
      %dma_wait3A_115 = arith.constant 0 : i32
      %dma_wait3A_116 = arith.constant 0 : i32
      %dma_wait3A_117 = tpu.memref_slice %arg14[%dma_wait3A_115, %dma_wait3A_116] : memref<10000x128xf32, #tpu.memory_space<vmem_shared>> -> memref<10000x128xf32, #tpu.memory_space<vmem_shared>>
      tpu.wait_indirect_dma semaphore(%run_scoped3A : memref<!tpu.dma_semaphore, #tpu.memory_space<semaphore_mem>>) src(%arg11 : memref<80x128xf32, #tpu.memory_space<vmem>>) dst(%dma_wait3A_117 : memref<10000x128xf32, #tpu.memory_space<vmem_shared>>)
      tpu.yield
    }) : () -> ()
    %add3A_48 = arith.constant 9840 : i32
    %add3A_49 = arith.addi %mul3A_2, %add3A_48 : i32
    %dma_start3A_50 = tpu.memref_slice %arg4[%add3A_49] : memref<320000xi32, #tpu.memory_space<hbm>> -> memref<80xi32, #tpu.memory_space<hbm>>
    %dma_start3A_51 = tpu.memref_slice %arg4[%add3A_49] : memref<320000xi32, #tpu.memory_space<hbm>> -> memref<80xi32, #tpu.memory_space<hbm>>
    tpu.enqueue_dma source(%dma_start3A_51 : memref<80xi32, #tpu.memory_space<hbm>>) target(%arg8 : memref<80xi32, #tpu.memory_space<vmem>>) target_semaphore(%arg18 : memref<!tpu.dma_semaphore, #tpu.memory_space<semaphore_mem>>)
    %dma_start3A_52 = arith.constant 9840 : i32
    %dma_start3A_53 = tpu.memref_slice %arg7[%dma_start3A_52] : memref<10000xi32, #tpu.memory_space<vmem>> -> memref<80xi32, #tpu.memory_space<vmem>>
    %dma_start3A_54 = arith.constant 0 : i32
    %dma_start3A_55 = arith.constant 0 : i32
    %dma_start3A_56 = tpu.memref_slice %arg2[%dma_start3A_54, %dma_start3A_55] : memref<10000x128xf32, #tpu.memory_space<hbm>> -> memref<10000x128xf32, #tpu.memory_space<hbm>>
    tpu.enqueue_indirect_dma source(%dma_start3A_56 : memref<10000x128xf32, #tpu.memory_space<hbm>>) target(%arg11 : memref<80x128xf32, #tpu.memory_space<vmem>>) offsets(%dma_start3A_53 : memref<80xi32, #tpu.memory_space<vmem>>) semaphore(%arg15 : memref<!tpu.dma_semaphore, #tpu.memory_space<semaphore_mem>>)
    %add3A_57 = arith.constant 9680 : i32
    %add3A_58 = arith.addi %mul3A_2, %add3A_57 : i32
    %dma_wait3A_59 = tpu.memref_slice %arg4[%add3A_58] : memref<320000xi32, #tpu.memory_space<hbm>> -> memref<80xi32, #tpu.memory_space<hbm>>
    %dma_wait3A_60 = tpu.memref_slice %arg4[%add3A_58] : memref<320000xi32, #tpu.memory_space<hbm>> -> memref<80xi32, #tpu.memory_space<hbm>>
    tpu.wait_dma2 semaphore(%arg19 : memref<!tpu.dma_semaphore, #tpu.memory_space<semaphore_mem>>) src(%dma_wait3A_60 : memref<80xi32, #tpu.memory_space<hbm>>) dst(%arg9 : memref<80xi32, #tpu.memory_space<vmem>>)
    %dma_wait3A_61 = arith.constant 9680 : i32
    %dma_wait3A_62 = tpu.memref_slice %arg7[%dma_wait3A_61] : memref<10000xi32, #tpu.memory_space<vmem>> -> memref<80xi32, #tpu.memory_space<vmem>>
    %dma_wait3A_63 = arith.constant 0 : i32
    %dma_wait3A_64 = arith.constant 0 : i32
    %dma_wait3A_65 = tpu.memref_slice %arg2[%dma_wait3A_63, %dma_wait3A_64] : memref<10000x128xf32, #tpu.memory_space<hbm>> -> memref<10000x128xf32, #tpu.memory_space<hbm>>
    tpu.wait_indirect_dma semaphore(%arg16 : memref<!tpu.dma_semaphore, #tpu.memory_space<semaphore_mem>>) src(%dma_wait3A_65 : memref<10000x128xf32, #tpu.memory_space<hbm>>) dst(%arg12 : memref<80x128xf32, #tpu.memory_space<vmem>>)
    "tpu.region"() ({
      %run_scoped3A = tpu.sem_alloc : memref<!tpu.dma_semaphore, #tpu.memory_space<semaphore_mem>>
      %dma_start3A_112 = arith.constant 0 : i32
      %dma_start3A_113 = arith.constant 0 : i32
      %dma_start3A_114 = tpu.memref_slice %arg14[%dma_start3A_112, %dma_start3A_113] : memref<10000x128xf32, #tpu.memory_space<vmem_shared>> -> memref<10000x128xf32, #tpu.memory_space<vmem_shared>>
      tpu.enqueue_indirect_dma source(%arg12 : memref<80x128xf32, #tpu.memory_space<vmem>>) target(%dma_start3A_114 : memref<10000x128xf32, #tpu.memory_space<vmem_shared>>) offsets(%arg9 : memref<80xi32, #tpu.memory_space<vmem>>) semaphore(%run_scoped3A : memref<!tpu.dma_semaphore, #tpu.memory_space<semaphore_mem>>) {add = true}
      %dma_wait3A_115 = arith.constant 0 : i32
      %dma_wait3A_116 = arith.constant 0 : i32
      %dma_wait3A_117 = tpu.memref_slice %arg14[%dma_wait3A_115, %dma_wait3A_116] : memref<10000x128xf32, #tpu.memory_space<vmem_shared>> -> memref<10000x128xf32, #tpu.memory_space<vmem_shared>>
      tpu.wait_indirect_dma semaphore(%run_scoped3A : memref<!tpu.dma_semaphore, #tpu.memory_space<semaphore_mem>>) src(%arg12 : memref<80x128xf32, #tpu.memory_space<vmem>>) dst(%dma_wait3A_117 : memref<10000x128xf32, #tpu.memory_space<vmem_shared>>)
      tpu.yield
    }) : () -> ()
    %add3A_66 = arith.constant 9920 : i32
    %add3A_67 = arith.addi %mul3A_2, %add3A_66 : i32
    %dma_start3A_68 = tpu.memref_slice %arg4[%add3A_67] : memref<320000xi32, #tpu.memory_space<hbm>> -> memref<80xi32, #tpu.memory_space<hbm>>
    %dma_start3A_69 = tpu.memref_slice %arg4[%add3A_67] : memref<320000xi32, #tpu.memory_space<hbm>> -> memref<80xi32, #tpu.memory_space<hbm>>
    tpu.enqueue_dma source(%dma_start3A_69 : memref<80xi32, #tpu.memory_space<hbm>>) target(%arg9 : memref<80xi32, #tpu.memory_space<vmem>>) target_semaphore(%arg19 : memref<!tpu.dma_semaphore, #tpu.memory_space<semaphore_mem>>)
    %dma_start3A_70 = arith.constant 9920 : i32
    %dma_start3A_71 = tpu.memref_slice %arg7[%dma_start3A_70] : memref<10000xi32, #tpu.memory_space<vmem>> -> memref<80xi32, #tpu.memory_space<vmem>>
    %dma_start3A_72 = arith.constant 0 : i32
    %dma_start3A_73 = arith.constant 0 : i32
    %dma_start3A_74 = tpu.memref_slice %arg2[%dma_start3A_72, %dma_start3A_73] : memref<10000x128xf32, #tpu.memory_space<hbm>> -> memref<10000x128xf32, #tpu.memory_space<hbm>>
    tpu.enqueue_indirect_dma source(%dma_start3A_74 : memref<10000x128xf32, #tpu.memory_space<hbm>>) target(%arg12 : memref<80x128xf32, #tpu.memory_space<vmem>>) offsets(%dma_start3A_71 : memref<80xi32, #tpu.memory_space<vmem>>) semaphore(%arg16 : memref<!tpu.dma_semaphore, #tpu.memory_space<semaphore_mem>>)
    %add3A_75 = arith.constant 9760 : i32
    %add3A_76 = arith.addi %mul3A_2, %add3A_75 : i32
    %dma_wait3A_77 = tpu.memref_slice %arg4[%add3A_76] : memref<320000xi32, #tpu.memory_space<hbm>> -> memref<80xi32, #tpu.memory_space<hbm>>
    %dma_wait3A_78 = tpu.memref_slice %arg4[%add3A_76] : memref<320000xi32, #tpu.memory_space<hbm>> -> memref<80xi32, #tpu.memory_space<hbm>>
    tpu.wait_dma2 semaphore(%arg20 : memref<!tpu.dma_semaphore, #tpu.memory_space<semaphore_mem>>) src(%dma_wait3A_78 : memref<80xi32, #tpu.memory_space<hbm>>) dst(%arg10 : memref<80xi32, #tpu.memory_space<vmem>>)
    %dma_wait3A_79 = arith.constant 9760 : i32
    %dma_wait3A_80 = tpu.memref_slice %arg7[%dma_wait3A_79] : memref<10000xi32, #tpu.memory_space<vmem>> -> memref<80xi32, #tpu.memory_space<vmem>>
    %dma_wait3A_81 = arith.constant 0 : i32
    %dma_wait3A_82 = arith.constant 0 : i32
    %dma_wait3A_83 = tpu.memref_slice %arg2[%dma_wait3A_81, %dma_wait3A_82] : memref<10000x128xf32, #tpu.memory_space<hbm>> -> memref<10000x128xf32, #tpu.memory_space<hbm>>
    tpu.wait_indirect_dma semaphore(%arg17 : memref<!tpu.dma_semaphore, #tpu.memory_space<semaphore_mem>>) src(%dma_wait3A_83 : memref<10000x128xf32, #tpu.memory_space<hbm>>) dst(%arg13 : memref<80x128xf32, #tpu.memory_space<vmem>>)
    "tpu.region"() ({
      %run_scoped3A = tpu.sem_alloc : memref<!tpu.dma_semaphore, #tpu.memory_space<semaphore_mem>>
      %dma_start3A_112 = arith.constant 0 : i32
      %dma_start3A_113 = arith.constant 0 : i32
      %dma_start3A_114 = tpu.memref_slice %arg14[%dma_start3A_112, %dma_start3A_113] : memref<10000x128xf32, #tpu.memory_space<vmem_shared>> -> memref<10000x128xf32, #tpu.memory_space<vmem_shared>>
      tpu.enqueue_indirect_dma source(%arg13 : memref<80x128xf32, #tpu.memory_space<vmem>>) target(%dma_start3A_114 : memref<10000x128xf32, #tpu.memory_space<vmem_shared>>) offsets(%arg10 : memref<80xi32, #tpu.memory_space<vmem>>) semaphore(%run_scoped3A : memref<!tpu.dma_semaphore, #tpu.memory_space<semaphore_mem>>) {add = true}
      %dma_wait3A_115 = arith.constant 0 : i32
      %dma_wait3A_116 = arith.constant 0 : i32
      %dma_wait3A_117 = tpu.memref_slice %arg14[%dma_wait3A_115, %dma_wait3A_116] : memref<10000x128xf32, #tpu.memory_space<vmem_shared>> -> memref<10000x128xf32, #tpu.memory_space<vmem_shared>>
      tpu.wait_indirect_dma semaphore(%run_scoped3A : memref<!tpu.dma_semaphore, #tpu.memory_space<semaphore_mem>>) src(%arg13 : memref<80x128xf32, #tpu.memory_space<vmem>>) dst(%dma_wait3A_117 : memref<10000x128xf32, #tpu.memory_space<vmem_shared>>)
      tpu.yield
    }) : () -> ()
    %add3A_84 = arith.constant 9840 : i32
    %add3A_85 = arith.addi %mul3A_2, %add3A_84 : i32
    %dma_wait3A_86 = tpu.memref_slice %arg4[%add3A_85] : memref<320000xi32, #tpu.memory_space<hbm>> -> memref<80xi32, #tpu.memory_space<hbm>>
    %dma_wait3A_87 = tpu.memref_slice %arg4[%add3A_85] : memref<320000xi32, #tpu.memory_space<hbm>> -> memref<80xi32, #tpu.memory_space<hbm>>
    tpu.wait_dma2 semaphore(%arg18 : memref<!tpu.dma_semaphore, #tpu.memory_space<semaphore_mem>>) src(%dma_wait3A_87 : memref<80xi32, #tpu.memory_space<hbm>>) dst(%arg8 : memref<80xi32, #tpu.memory_space<vmem>>)
    %dma_wait3A_88 = arith.constant 9840 : i32
    %dma_wait3A_89 = tpu.memref_slice %arg7[%dma_wait3A_88] : memref<10000xi32, #tpu.memory_space<vmem>> -> memref<80xi32, #tpu.memory_space<vmem>>
    %dma_wait3A_90 = arith.constant 0 : i32
    %dma_wait3A_91 = arith.constant 0 : i32
    %dma_wait3A_92 = tpu.memref_slice %arg2[%dma_wait3A_90, %dma_wait3A_91] : memref<10000x128xf32, #tpu.memory_space<hbm>> -> memref<10000x128xf32, #tpu.memory_space<hbm>>
    tpu.wait_indirect_dma semaphore(%arg15 : memref<!tpu.dma_semaphore, #tpu.memory_space<semaphore_mem>>) src(%dma_wait3A_92 : memref<10000x128xf32, #tpu.memory_space<hbm>>) dst(%arg11 : memref<80x128xf32, #tpu.memory_space<vmem>>)
    "tpu.region"() ({
      %run_scoped3A = tpu.sem_alloc : memref<!tpu.dma_semaphore, #tpu.memory_space<semaphore_mem>>
      %dma_start3A_112 = arith.constant 0 : i32
      %dma_start3A_113 = arith.constant 0 : i32
      %dma_start3A_114 = tpu.memref_slice %arg14[%dma_start3A_112, %dma_start3A_113] : memref<10000x128xf32, #tpu.memory_space<vmem_shared>> -> memref<10000x128xf32, #tpu.memory_space<vmem_shared>>
      tpu.enqueue_indirect_dma source(%arg11 : memref<80x128xf32, #tpu.memory_space<vmem>>) target(%dma_start3A_114 : memref<10000x128xf32, #tpu.memory_space<vmem_shared>>) offsets(%arg8 : memref<80xi32, #tpu.memory_space<vmem>>) semaphore(%run_scoped3A : memref<!tpu.dma_semaphore, #tpu.memory_space<semaphore_mem>>) {add = true}
      %dma_wait3A_115 = arith.constant 0 : i32
      %dma_wait3A_116 = arith.constant 0 : i32
      %dma_wait3A_117 = tpu.memref_slice %arg14[%dma_wait3A_115, %dma_wait3A_116] : memref<10000x128xf32, #tpu.memory_space<vmem_shared>> -> memref<10000x128xf32, #tpu.memory_space<vmem_shared>>
      tpu.wait_indirect_dma semaphore(%run_scoped3A : memref<!tpu.dma_semaphore, #tpu.memory_space<semaphore_mem>>) src(%arg11 : memref<80x128xf32, #tpu.memory_space<vmem>>) dst(%dma_wait3A_117 : memref<10000x128xf32, #tpu.memory_space<vmem_shared>>)
      tpu.yield
    }) : () -> ()
    %add3A_93 = arith.constant 9920 : i32
    %add3A_94 = arith.addi %mul3A_2, %add3A_93 : i32
    %dma_wait3A_95 = tpu.memref_slice %arg4[%add3A_94] : memref<320000xi32, #tpu.memory_space<hbm>> -> memref<80xi32, #tpu.memory_space<hbm>>
    %dma_wait3A_96 = tpu.memref_slice %arg4[%add3A_94] : memref<320000xi32, #tpu.memory_space<hbm>> -> memref<80xi32, #tpu.memory_space<hbm>>
    tpu.wait_dma2 semaphore(%arg19 : memref<!tpu.dma_semaphore, #tpu.memory_space<semaphore_mem>>) src(%dma_wait3A_96 : memref<80xi32, #tpu.memory_space<hbm>>) dst(%arg9 : memref<80xi32, #tpu.memory_space<vmem>>)
    %dma_wait3A_97 = arith.constant 9920 : i32
    %dma_wait3A_98 = tpu.memref_slice %arg7[%dma_wait3A_97] : memref<10000xi32, #tpu.memory_space<vmem>> -> memref<80xi32, #tpu.memory_space<vmem>>
    %dma_wait3A_99 = arith.constant 0 : i32
    %dma_wait3A_100 = arith.constant 0 : i32
    %dma_wait3A_101 = tpu.memref_slice %arg2[%dma_wait3A_99, %dma_wait3A_100] : memref<10000x128xf32, #tpu.memory_space<hbm>> -> memref<10000x128xf32, #tpu.memory_space<hbm>>
    tpu.wait_indirect_dma semaphore(%arg16 : memref<!tpu.dma_semaphore, #tpu.memory_space<semaphore_mem>>) src(%dma_wait3A_101 : memref<10000x128xf32, #tpu.memory_space<hbm>>) dst(%arg12 : memref<80x128xf32, #tpu.memory_space<vmem>>)
    "tpu.region"() ({
      %run_scoped3A = tpu.sem_alloc : memref<!tpu.dma_semaphore, #tpu.memory_space<semaphore_mem>>
      %dma_start3A_112 = arith.constant 0 : i32
      %dma_start3A_113 = arith.constant 0 : i32
      %dma_start3A_114 = tpu.memref_slice %arg14[%dma_start3A_112, %dma_start3A_113] : memref<10000x128xf32, #tpu.memory_space<vmem_shared>> -> memref<10000x128xf32, #tpu.memory_space<vmem_shared>>
      tpu.enqueue_indirect_dma source(%arg12 : memref<80x128xf32, #tpu.memory_space<vmem>>) target(%dma_start3A_114 : memref<10000x128xf32, #tpu.memory_space<vmem_shared>>) offsets(%arg9 : memref<80xi32, #tpu.memory_space<vmem>>) semaphore(%run_scoped3A : memref<!tpu.dma_semaphore, #tpu.memory_space<semaphore_mem>>) {add = true}
      %dma_wait3A_115 = arith.constant 0 : i32
      %dma_wait3A_116 = arith.constant 0 : i32
      %dma_wait3A_117 = tpu.memref_slice %arg14[%dma_wait3A_115, %dma_wait3A_116] : memref<10000x128xf32, #tpu.memory_space<vmem_shared>> -> memref<10000x128xf32, #tpu.memory_space<vmem_shared>>
      tpu.wait_indirect_dma semaphore(%run_scoped3A : memref<!tpu.dma_semaphore, #tpu.memory_space<semaphore_mem>>) src(%arg12 : memref<80x128xf32, #tpu.memory_space<vmem>>) dst(%dma_wait3A_117 : memref<10000x128xf32, #tpu.memory_space<vmem_shared>>)
      tpu.yield
    }) : () -> ()
    %barrier3A_102 = arith.constant 0 : index
    tpu.barrier barrier_id(%barrier3A_102)
    %mul3A_103 = arith.constant 624 : i32
    %mul3A_104 = arith.muli %arg1, %mul3A_103 : i32
    %mul3A_105 = arith.constant 624 : i32
    %mul3A_106 = arith.muli %arg1, %mul3A_105 : i32
    "tpu.region"() ({
      %run_scoped3A = tpu.sem_alloc : memref<!tpu.dma_semaphore, #tpu.memory_space<semaphore_mem>>
      %dma_start3A_112 = arith.constant 0 : i32
      %dma_start3A_113 = tpu.memref_slice %arg6[%arg0, %mul3A_106, %dma_start3A_112] : memref<2x10000x128xf32, #tpu.memory_space<hbm>> -> memref<1x624x128xf32, #tpu.memory_space<hbm>>
      %dma_start3A_114 = tpu.memref_squeeze %dma_start3A_113 : memref<1x624x128xf32, #tpu.memory_space<hbm>> -> memref<624x128xf32, #tpu.memory_space<hbm>>
      %dma_start3A_115 = arith.constant 0 : i32
      %dma_start3A_116 = tpu.memref_slice %arg14[%mul3A_104, %dma_start3A_115] : memref<10000x128xf32, #tpu.memory_space<vmem_shared>> -> memref<624x128xf32, #tpu.memory_space<vmem_shared>>
      tpu.enqueue_dma source(%dma_start3A_116 : memref<624x128xf32, #tpu.memory_space<vmem_shared>>) target(%dma_start3A_114 : memref<624x128xf32, #tpu.memory_space<hbm>>) target_semaphore(%run_scoped3A : memref<!tpu.dma_semaphore, #tpu.memory_space<semaphore_mem>>)
      %dma_wait3A_117 = arith.constant 0 : i32
      %dma_wait3A_118 = tpu.memref_slice %arg6[%arg0, %mul3A_106, %dma_wait3A_117] : memref<2x10000x128xf32, #tpu.memory_space<hbm>> -> memref<1x624x128xf32, #tpu.memory_space<hbm>>
      %dma_wait3A_119 = tpu.memref_squeeze %dma_wait3A_118 : memref<1x624x128xf32, #tpu.memory_space<hbm>> -> memref<624x128xf32, #tpu.memory_space<hbm>>
      %dma_wait3A_120 = arith.constant 0 : i32
      %dma_wait3A_121 = tpu.memref_slice %arg14[%mul3A_104, %dma_wait3A_120] : memref<10000x128xf32, #tpu.memory_space<vmem_shared>> -> memref<624x128xf32, #tpu.memory_space<vmem_shared>>
      tpu.wait_dma2 semaphore(%run_scoped3A : memref<!tpu.dma_semaphore, #tpu.memory_space<semaphore_mem>>) src(%dma_wait3A_121 : memref<624x128xf32, #tpu.memory_space<vmem_shared>>) dst(%dma_wait3A_119 : memref<624x128xf32, #tpu.memory_space<hbm>>)
      tpu.yield
    }) : () -> ()
    %eq3A_107 = arith.constant 0 : i32
    %eq3A_108 = arith.cmpi eq, %arg1, %eq3A_107 : i32
    %convert_element_type3A_109 = arith.extui %eq3A_108 : i1 to i32
    %cond3A_110 = arith.constant 0 : i32
    %cond3A_111 = arith.cmpi ne, %convert_element_type3A_109, %cond3A_110 : i32
    scf.if %cond3A_111 {
      "tpu.region"() ({
        %run_scoped3A = tpu.sem_alloc : memref<!tpu.dma_semaphore, #tpu.memory_space<semaphore_mem>>
        %dma_start3A_112 = arith.constant 9984 : i32
        %dma_start3A_113 = arith.constant 0 : i32
        %dma_start3A_114 = tpu.memref_slice %arg6[%arg0, %dma_start3A_112, %dma_start3A_113] : memref<2x10000x128xf32, #tpu.memory_space<hbm>> -> memref<1x16x128xf32, #tpu.memory_space<hbm>>
        %dma_start3A_115 = tpu.memref_squeeze %dma_start3A_114 : memref<1x16x128xf32, #tpu.memory_space<hbm>> -> memref<16x128xf32, #tpu.memory_space<hbm>>
        %dma_start3A_116 = arith.constant 9984 : i32
        %dma_start3A_117 = arith.constant 0 : i32
        %dma_start3A_118 = tpu.memref_slice %arg14[%dma_start3A_116, %dma_start3A_117] : memref<10000x128xf32, #tpu.memory_space<vmem_shared>> -> memref<16x128xf32, #tpu.memory_space<vmem_shared>>
        tpu.enqueue_dma source(%dma_start3A_118 : memref<16x128xf32, #tpu.memory_space<vmem_shared>>) target(%dma_start3A_115 : memref<16x128xf32, #tpu.memory_space<hbm>>) target_semaphore(%run_scoped3A : memref<!tpu.dma_semaphore, #tpu.memory_space<semaphore_mem>>)
        %dma_wait3A_119 = arith.constant 9984 : i32
        %dma_wait3A_120 = arith.constant 0 : i32
        %dma_wait3A_121 = tpu.memref_slice %arg6[%arg0, %dma_wait3A_119, %dma_wait3A_120] : memref<2x10000x128xf32, #tpu.memory_space<hbm>> -> memref<1x16x128xf32, #tpu.memory_space<hbm>>
        %dma_wait3A_122 = tpu.memref_squeeze %dma_wait3A_121 : memref<1x16x128xf32, #tpu.memory_space<hbm>> -> memref<16x128xf32, #tpu.memory_space<hbm>>
        %dma_wait3A_123 = arith.constant 9984 : i32
        %dma_wait3A_124 = arith.constant 0 : i32
        %dma_wait3A_125 = tpu.memref_slice %arg14[%dma_wait3A_123, %dma_wait3A_124] : memref<10000x128xf32, #tpu.memory_space<vmem_shared>> -> memref<16x128xf32, #tpu.memory_space<vmem_shared>>
        tpu.wait_dma2 semaphore(%run_scoped3A : memref<!tpu.dma_semaphore, #tpu.memory_space<semaphore_mem>>) src(%dma_wait3A_125 : memref<16x128xf32, #tpu.memory_space<vmem_shared>>) dst(%dma_wait3A_122 : memref<16x128xf32, #tpu.memory_space<hbm>>)
        tpu.yield
      }) : () -> ()
    } else {
    }
    return
  }
}

module attributes {stable_mosaic.version = 14 : i64} {
  func.func @_mid_body(%arg0: i32, %arg1: memref<2x2000x128xf32, #tpu.memory_space<vmem>>, %arg2: memref<2000x1xf32, #tpu.memory_space<vmem>>, %arg3: memref<2000x128xf32, #tpu.memory_space<vmem>>) attributes {dimension_semantics = [#tpu.dimension_semantics<arbitrary>], iteration_bounds = array<i64: 5>, scalar_prefetch = 0 : i64, scratch_operands = 0 : i64, tpu.core_type = #tpu.core_type<tc>, window_params = [{transform_indices = @transform_0, window_bounds = array<i64: 2, 2000, 128>}, {transform_indices = @transform_1, window_bounds = array<i64: 2000, 1>}, {transform_indices = @transform_2, window_bounds = array<i64: 2000, 128>}]} {
    %get3A = arith.constant 0 : index
    %get3A_0 = arith.constant 0 : index
    %get3A_1 = vector.load %arg2[%get3A, %get3A_0] : memref<2000x1xf32, #tpu.memory_space<vmem>>, vector<2000x1xf32>
    %get3A_2 = arith.constant 0 : index
    %get3A_3 = arith.constant 0 : index
    %get3A_4 = arith.constant 0 : index
    %get3A_5 = vector.load %arg1[%get3A_2, %get3A_3, %get3A_4] : memref<2x2000x128xf32, #tpu.memory_space<vmem>>, vector<1x2000x128xf32>
    %get3A_6 = vector.shape_cast %get3A_5 : vector<1x2000x128xf32> to vector<2000x128xf32>
    %get3A_7 = arith.constant 1 : index
    %get3A_8 = arith.constant 0 : index
    %get3A_9 = arith.constant 0 : index
    %get3A_10 = vector.load %arg1[%get3A_7, %get3A_8, %get3A_9] : memref<2x2000x128xf32, #tpu.memory_space<vmem>>, vector<1x2000x128xf32>
    %get3A_11 = vector.shape_cast %get3A_10 : vector<1x2000x128xf32> to vector<2000x128xf32>
    %add3A = arith.addf %get3A_6, %get3A_11 : vector<2000x128xf32>
    %mul3A = arith.mulf %get3A_1, %get3A_1 : vector<2000x1xf32>
    %mul3A_12 = vector.broadcast %mul3A : vector<2000x1xf32> to vector<2000x128xf32>
    %mul3A_13 = arith.mulf %add3A, %mul3A_12 : vector<2000x128xf32>
    %swap3A = arith.constant 0 : index
    %swap3A_14 = arith.constant 0 : index
    %swap3A_15 = vector.load %arg3[%swap3A, %swap3A_14] : memref<2000x128xf32, #tpu.memory_space<vmem>>, vector<2000x128xf32>
    tpu.vector_store %arg3[%swap3A, %swap3A_14], %mul3A_13 {strides = array<i32>} : memref<2000x128xf32, #tpu.memory_space<vmem>>, vector<2000x128xf32>,
    return
  }
  func.func @transform_0(%arg0: i32) -> (i32, i32, i32) {
    %c0_i32 = arith.constant 0 : i32
    %c0_i32_0 = arith.constant 0 : i32
    %c0_i32_1 = arith.constant 0 : i32
    return %c0_i32, %arg0, %c0_i32_0 : i32, i32, i32
  }
  func.func @transform_1(%arg0: i32) -> (i32, i32) {
    %c0_i32 = arith.constant 0 : i32
    %c0_i32_0 = arith.constant 0 : i32
    return %arg0, %c0_i32 : i32, i32
  }
  func.func @transform_2(%arg0: i32) -> (i32, i32) {
    %c0_i32 = arith.constant 0 : i32
    %c0_i32_0 = arith.constant 0 : i32
    return %arg0, %c0_i32 : i32, i32
  }
}

module attributes {stable_mosaic.version = 14 : i64} {
  func.func @_norm_body(%arg0: i32, %arg1: memref<2x2000x128xf32, #tpu.memory_space<vmem>>, %arg2: memref<2000x128xf32, #tpu.memory_space<vmem>>, %arg3: memref<2000x128xf32, #tpu.memory_space<vmem>>, %arg4: memref<2000x1xf32, #tpu.memory_space<vmem>>) attributes {dimension_semantics = [#tpu.dimension_semantics<arbitrary>], iteration_bounds = array<i64: 5>, scalar_prefetch = 0 : i64, scratch_operands = 0 : i64, tpu.core_type = #tpu.core_type<tc>, window_params = [{transform_indices = @transform_0, window_bounds = array<i64: 2, 2000, 128>}, {transform_indices = @transform_1, window_bounds = array<i64: 2000, 128>}, {transform_indices = @transform_2, window_bounds = array<i64: 2000, 128>}, {transform_indices = @transform_3, window_bounds = array<i64: 2000, 1>}]} {
    %get3A = arith.constant 0 : index
    %get3A_0 = arith.constant 0 : index
    %get3A_1 = arith.constant 0 : index
    %get3A_2 = vector.load %arg1[%get3A, %get3A_0, %get3A_1] : memref<2x2000x128xf32, #tpu.memory_space<vmem>>, vector<1x2000x1xf32>
    %get3A_3 = vector.shape_cast %get3A_2 : vector<1x2000x1xf32> to vector<2000x1xf32>
    %get3A_4 = arith.constant 1 : index
    %get3A_5 = arith.constant 0 : index
    %get3A_6 = arith.constant 0 : index
    %get3A_7 = vector.load %arg1[%get3A_4, %get3A_5, %get3A_6] : memref<2x2000x128xf32, #tpu.memory_space<vmem>>, vector<1x2000x1xf32>
    %get3A_8 = vector.shape_cast %get3A_7 : vector<1x2000x1xf32> to vector<2000x1xf32>
    %add3A = arith.addf %get3A_3, %get3A_8 : vector<2000x1xf32>
    %max3A = arith.constant 1.000000e+00 : f32
    %max3A_9 = vector.broadcast %max3A : f32 to vector<2000x1xf32>
    %max3A_10 = arith.maximumf %add3A, %max3A_9 : vector<2000x1xf32>
    %rsqrt3A = math.rsqrt %max3A_10 : vector<2000x1xf32>
    %swap3A = arith.constant 0 : index
    %swap3A_11 = arith.constant 0 : index
    %swap3A_12 = vector.load %arg4[%swap3A, %swap3A_11] : memref<2000x1xf32, #tpu.memory_space<vmem>>, vector<2000x1xf32>
    tpu.vector_store %arg4[%swap3A, %swap3A_11], %rsqrt3A {strides = array<i32>} : memref<2000x1xf32, #tpu.memory_space<vmem>>, vector<2000x1xf32>,
    %get3A_13 = arith.constant 0 : index
    %get3A_14 = arith.constant 0 : index
    %get3A_15 = vector.load %arg2[%get3A_13, %get3A_14] : memref<2000x128xf32, #tpu.memory_space<vmem>>, vector<2000x128xf32>
    %mul3A = vector.broadcast %rsqrt3A : vector<2000x1xf32> to vector<2000x128xf32>
    %mul3A_16 = arith.mulf %get3A_15, %mul3A : vector<2000x128xf32>
    %swap3A_17 = arith.constant 0 : index
    %swap3A_18 = arith.constant 0 : index
    %swap3A_19 = vector.load %arg3[%swap3A_17, %swap3A_18] : memref<2000x128xf32, #tpu.memory_space<vmem>>, vector<2000x128xf32>
    tpu.vector_store %arg3[%swap3A_17, %swap3A_18], %mul3A_16 {strides = array<i32>} : memref<2000x128xf32, #tpu.memory_space<vmem>>, vector<2000x128xf32>,
    return
  }
  func.func @transform_0(%arg0: i32) -> (i32, i32, i32) {
    %c0_i32 = arith.constant 0 : i32
    %c0_i32_0 = arith.constant 0 : i32
    %c0_i32_1 = arith.constant 0 : i32
    return %c0_i32, %arg0, %c0_i32_0 : i32, i32, i32
  }
  func.func @transform_1(%arg0: i32) -> (i32, i32) {
    %c0_i32 = arith.constant 0 : i32
    %c0_i32_0 = arith.constant 0 : i32
    return %arg0, %c0_i32 : i32, i32
  }
  func.func @transform_2(%arg0: i32) -> (i32, i32) {
    %c0_i32 = arith.constant 0 : i32
    %c0_i32_0 = arith.constant 0 : i32
    return %arg0, %c0_i32 : i32, i32
  }
  func.func @transform_3(%arg0: i32) -> (i32, i32) {
    %c0_i32 = arith.constant 0 : i32
    %c0_i32_0 = arith.constant 0 : i32
    return %arg0, %c0_i32 : i32, i32
  }
}

module attributes {stable_mosaic.version = 14 : i64} {
  func.func @_fin_body(%arg0: i32, %arg1: memref<2x2000x128xf32, #tpu.memory_space<vmem>>, %arg2: memref<2000x1xf32, #tpu.memory_space<vmem>>, %arg3: memref<128x128xf32, #tpu.memory_space<vmem>>, %arg4: memref<1x128xf32, #tpu.memory_space<vmem>>, %arg5: memref<2000x128xf32, #tpu.memory_space<vmem>>) attributes {dimension_semantics = [#tpu.dimension_semantics<arbitrary>], iteration_bounds = array<i64: 5>, scalar_prefetch = 0 : i64, scratch_operands = 0 : i64, tpu.core_type = #tpu.core_type<tc>, window_params = [{transform_indices = @transform_0, window_bounds = array<i64: 2, 2000, 128>}, {transform_indices = @transform_1, window_bounds = array<i64: 2000, 1>}, {pipeline_mode = #tpu.pipeline_mode<synchronous>, transform_indices = @transform_2, window_bounds = array<i64: 128, 128>}, {pipeline_mode = #tpu.pipeline_mode<synchronous>, transform_indices = @transform_3, window_bounds = array<i64: 1, 128>}, {transform_indices = @transform_4, window_bounds = array<i64: 2000, 128>}]} {
    %get3A = arith.constant 0 : index
    %get3A_0 = arith.constant 0 : index
    %get3A_1 = arith.constant 0 : index
    %get3A_2 = vector.load %arg1[%get3A, %get3A_0, %get3A_1] : memref<2x2000x128xf32, #tpu.memory_space<vmem>>, vector<1x2000x128xf32>
    %get3A_3 = vector.shape_cast %get3A_2 : vector<1x2000x128xf32> to vector<2000x128xf32>
    %get3A_4 = arith.constant 1 : index
    %get3A_5 = arith.constant 0 : index
    %get3A_6 = arith.constant 0 : index
    %get3A_7 = vector.load %arg1[%get3A_4, %get3A_5, %get3A_6] : memref<2x2000x128xf32, #tpu.memory_space<vmem>>, vector<1x2000x128xf32>
    %get3A_8 = vector.shape_cast %get3A_7 : vector<1x2000x128xf32> to vector<2000x128xf32>
    %add3A = arith.addf %get3A_3, %get3A_8 : vector<2000x128xf32>
    %get3A_9 = arith.constant 0 : index
    %get3A_10 = arith.constant 0 : index
    %get3A_11 = vector.load %arg2[%get3A_9, %get3A_10] : memref<2000x1xf32, #tpu.memory_space<vmem>>, vector<2000x1xf32>
    %mul3A = vector.broadcast %get3A_11 : vector<2000x1xf32> to vector<2000x128xf32>
    %mul3A_12 = arith.mulf %add3A, %mul3A : vector<2000x128xf32>
    %get3A_13 = arith.constant 0 : index
    %get3A_14 = arith.constant 0 : index
    %get3A_15 = vector.load %arg3[%get3A_13, %get3A_14] : memref<128x128xf32, #tpu.memory_space<vmem>>, vector<128x128xf32>
    %dot_general3A = arith.constant dense<0.000000e+00> : vector<2000x128xf32>
    %dot_general3A_16 = tpu.matmul %mul3A_12, %get3A_15, %dot_general3A {dimension_numbers = #tpu.dot_dimension_numbers<[1], [0], [0], [1], [0, 0, 1, 1], [], []>, transpose_lhs_hint = false} : vector<2000x128xf32>, vector<128x128xf32>, vector<2000x128xf32> -> vector<2000x128xf32>
    %get3A_17 = arith.constant 0 : index
    %get3A_18 = arith.constant 0 : index
    %get3A_19 = vector.load %arg4[%get3A_17, %get3A_18] : memref<1x128xf32, #tpu.memory_space<vmem>>, vector<1x128xf32>
    %add3A_20 = vector.broadcast %get3A_19 : vector<1x128xf32> to vector<2000x128xf32>
    %add3A_21 = arith.addf %dot_general3A_16, %add3A_20 : vector<2000x128xf32>
    %swap3A = arith.constant 0 : index
    %swap3A_22 = arith.constant 0 : index
    %swap3A_23 = vector.load %arg5[%swap3A, %swap3A_22] : memref<2000x128xf32, #tpu.memory_space<vmem>>, vector<2000x128xf32>
    tpu.vector_store %arg5[%swap3A, %swap3A_22], %add3A_21 {strides = array<i32>} : memref<2000x128xf32, #tpu.memory_space<vmem>>, vector<2000x128xf32>,
    return
  }
  func.func @transform_0(%arg0: i32) -> (i32, i32, i32) {
    %c0_i32 = arith.constant 0 : i32
    %c0_i32_0 = arith.constant 0 : i32
    %c0_i32_1 = arith.constant 0 : i32
    return %c0_i32, %arg0, %c0_i32_0 : i32, i32, i32
  }
  func.func @transform_1(%arg0: i32) -> (i32, i32) {
    %c0_i32 = arith.constant 0 : i32
    %c0_i32_0 = arith.constant 0 : i32
    return %arg0, %c0_i32 : i32, i32
  }
  func.func @transform_2(%arg0: i32) -> (i32, i32) {
    %c0_i32 = arith.constant 0 : i32
    %c0_i32_0 = arith.constant 0 : i32
    %c0_i32_1 = arith.constant 0 : i32
    return %c0_i32, %c0_i32_0 : i32, i32
  }
  func.func @transform_3(%arg0: i32) -> (i32, i32) {
    %c0_i32 = arith.constant 0 : i32
    %c0_i32_0 = arith.constant 0 : i32
    %c0_i32_1 = arith.constant 0 : i32
    return %c0_i32, %c0_i32_0 : i32, i32
  }
  func.func @transform_4(%arg0: i32) -> (i32, i32) {
    %c0_i32 = arith.constant 0 : i32
    %c0_i32_0 = arith.constant 0 : i32
    return %arg0, %c0_i32 : i32, i32
  }
}

</mosaic_0001>

<sc_bundles>
// kernel: kernel.11.cloned.1.call-start
scs
__scs_entry_jumppad:
0x0: {  	(pc) =	sbr.rel $0x88, $3  }
0x1: {  	(tag) =	ssettag $0x0;
	lr =	simm.s32 $0x1  }
0x2: {  	[smem:$0x3F9D] =	sst lr;
	_ =	strace $0xD0000000  }
0x3: {  	_ = 	snop  }
0x4: {  	_ = 	snop  }
0x5: {  	_ = 	snop  }
0x6: {  	_ = 	snop  }
0x7: {  	_ = 	snop  }
__scs_overlays_trampoline_lowered:
0x8: {  	[smem:$0x3FAC] =	sst s0  }
0x9: {  	[smem:$0x3FAD] =	sst s1  }
0xa: {  	[smem:$0x3FAE] =	sst s2  }
0xb: {  	[smem:$0x3FAF] =	sst s3  }
0xc: {  	[smem:$0x3FB0] =	sst s4  }
0xd: {  	[smem:$0x3FB1] =	sst s5  }
0xe: {  	[smem:$0x3FB2] =	sst s6  }
0xf: {  	[smem:$0x3FB3] =	sst s7  }
0x10: {  	[smem:$0x3FB4] =	sst s8  }
0x11: {  	[smem:$0x3FB5] =	sst s9;
	s0 =	simm.s32 @!p0 $0x0  }
0x12: {  	s1 =	sld [smem:$0x3F9B];
	s0 =	simm.s32 @p0 $0x1  }
0x13: {  	[smem:$0x3FB6] =	sst s0;
	s0 =	simm.s32 @!p1 $0x0  }
0x14: {  	s2 =	sld [smem:$0x3F9A];
	s0 =	simm.s32 @p1 $0x1  }
0x15: {  	[smem:$0x3FB7] =	sst s0;
	s0 =	simm.s32 @!p2 $0x0  }
0x16: {  	s3 =	sld [smem:$0x3FDB];
	s0 =	simm.s32 @p2 $0x1  }
0x17: {  	s4 =	simm.s32 $0x1BF5;
	[smem:$0x3FB9] =	sst s0  }
0x18: {  	s0 =	sld [smem:$0x3F9C];
	_ =	swait.ge [sflag:s4], $0x0  }
0x19: {  	s7 =	sld [smem:$0x3F9D]  }
0x1a: {  	s8 =	sadd.s32 $0xFFFFE003, lr  }
0x1b: {  	s9 =	sadd.s32 $0xFFFFFEF7, lr;
	s5 =	simm.s32 $0xFFFFFFFF;
	p2 =	slt.u32 s8, $0xFFFFF086  }
0x1c: {  	p1 =	slt.u32 s9, $0xF7A;
	s5 =	simm.s32 @!p2 $0x0  }
0x1d: {  	s5 =	simm.s32 @p1 $0x1;
	p0 =	seq.s32 s7, s2  }
0x1e: {  	s7 =	smul.u32 @!p0 $0xF7A, s2;
	p2 =	seq.s32 @!p0 s5, $0x0  }
0x1f: {  	s9 =	smul.u32 $0xF7A, s1;
	s8 =	simm.s32 @!p0 $0x1BF5;
	p2 =	por !p2, p0  }
0x20: {  	[sflag:s8] =	ssyncset.s32 @!p0 $0xFFFFF086;
	s6 =	sadd.s32 @!p0 s3, s7;
	s7 =	simm.s32 @!p0 $0x108  }
0x21: {  	s3 =	sadd.s32 s3, s9;
	s6 =	sadd.s32 @!p0 $0x88, s6;
	s7 =	simm.s32 @p2 $0x1082  }
0x22: {  	[simem:s7], [sflag:s8] =	dma.local @!p0 [hbm:s6], $0xF7A  }
0x23: {  	s9 =	sor.u32 $0xD0000000, s2;
	s6 =	simm.s32 $0x108;
	_ =	swait.ge @!p0 [sflag:s8], $0x0  }
0x24: {  	s3 =	sadd.s32 $0x88, s3;
	s6 =	simm.s32 @!p1 $0x1082;
	[sflag:s4] =	ssyncset.s32 $0xFFFFF086  }
0x25: {  	[simem:s6], [sflag:s4] =	dma.local [hbm:s3], $0xF7A  }
0x26: {  	[smem:$0x3F9D] =	sst s1;
	(tag) =	ssettag s2;
	_ =	strace s9  }
0x27: {  	s1 =	sld [smem:$0x3FAD]  }
0x28: {  	s2 =	sld [smem:$0x3FAE]  }
0x29: {  	s4 =	sld [smem:$0x3FB0]  }
0x2a: {  	p0 =	seq.s32 s5, $0x0;
	s5 =	sld [smem:$0x3FB1]  }
0x2b: {  	s6 =	sld [smem:$0x3FB2]  }
0x2c: {  	s7 =	sld [smem:$0x3FB3]  }
0x2d: {  	s3 =	simm.s32 $0x108;
	s8 =	sld [smem:$0x3FB4]  }
0x2e: {  	s3 =	simm.s32 @!p0 $0x1082;
	s9 =	sld [smem:$0x3FB5]  }
0x2f: {  	lr =	sadd.s32 s0, s3;
	s0 =	sld [smem:$0x3FAC]  }
0x30: {  	s3 =	sld [smem:$0x3FAF]  }
0x31: {  	[smem:$0x3FB8] =	sst s10  }
0x32: {  	s10 =	sld [smem:$0x3FB6];
	_ =	sdelay $0x3  }
0x33: {  	p0 =	seq.s32 s10, $0x1;
	s10 =	sld [smem:$0x3FB8];
	_ =	sdelay $0x3  }
0x34: {  	[smem:$0x3FB8] =	sst s10  }
0x35: {  	s10 =	sld [smem:$0x3FB7];
	_ =	sdelay $0x3  }
0x36: {  	p1 =	seq.s32 s10, $0x1;
	s10 =	sld [smem:$0x3FB8];
	_ =	sdelay $0x3  }
0x37: {  	[smem:$0x3FB8] =	sst s10  }
0x38: {  	s10 =	sld [smem:$0x3FB9]  }
0x39: {  	_ = 	snop;
	(pc) =	sbr.ind lr, $3  }
0x3a: {  	_ = 	snop  }
0x3b: {  	_ = 	snop  }
0x3c: {  	p2 =	seq.s32 s10, $0x1;
	s10 =	sld [smem:$0x3FB8]  }
0x3d: {  	_ =	shalt  }
0x3e: {  	_ =	shalt  }
0x3f: {  	_ =	shalt  }
0x40: {  	_ =	shalt  }
0x41: {  	_ =	shalt  }
0x42: {  	_ =	shalt  }
0x43: {  	_ =	shalt  }
0x44: {  	_ =	shalt  }
0x45: {  	_ =	shalt  }
0x46: {  	_ =	shalt  }
0x47: {  	_ =	shalt  }
0x48: {  	_ =	shalt  }
0x49: {  	_ =	shalt  }
0x4a: {  	_ =	shalt  }
0x4b: {  	_ =	shalt  }
0x4c: {  	_ =	shalt  }
0x4d: {  	_ =	shalt  }
0x4e: {  	_ =	shalt  }
0x4f: {  	_ =	shalt  }
0x50: {  	_ =	shalt  }
0x51: {  	_ =	shalt  }
0x52: {  	_ =	shalt  }
0x53: {  	_ =	shalt  }
0x54: {  	_ =	shalt  }
0x55: {  	_ =	shalt  }
0x56: {  	_ =	shalt  }
0x57: {  	_ =	shalt  }
0x58: {  	_ =	shalt  }
0x59: {  	_ =	shalt  }
0x5a: {  	_ =	shalt  }
0x5b: {  	_ =	shalt  }
0x5c: {  	_ =	shalt  }
0x5d: {  	_ =	shalt  }
0x5e: {  	_ =	shalt  }
0x5f: {  	_ =	shalt  }
0x60: {  	_ =	shalt  }
0x61: {  	_ =	shalt  }
0x62: {  	_ =	shalt  }
0x63: {  	_ =	shalt  }
0x64: {  	_ =	shalt  }
0x65: {  	_ =	shalt  }
0x66: {  	_ =	shalt  }
0x67: {  	_ =	shalt  }
0x68: {  	_ =	shalt  }
0x69: {  	_ =	shalt  }
0x6a: {  	_ =	shalt  }
0x6b: {  	_ =	shalt  }
0x6c: {  	_ =	shalt  }
0x6d: {  	_ =	shalt  }
0x6e: {  	_ =	shalt  }
0x6f: {  	_ =	shalt  }
0x70: {  	_ =	shalt  }
0x71: {  	_ =	shalt  }
0x72: {  	_ =	shalt  }
0x73: {  	_ =	shalt  }
0x74: {  	_ =	shalt  }
0x75: {  	_ =	shalt  }
0x76: {  	_ =	shalt  }
0x77: {  	_ =	shalt  }
0x78: {  	_ =	shalt  }
0x79: {  	_ =	shalt  }
0x7a: {  	_ =	shalt  }
0x7b: {  	_ =	shalt  }
0x7c: {  	_ =	shalt  }
0x7d: {  	_ =	shalt  }
0x7e: {  	_ =	shalt  }
0x7f: {  	_ =	shalt  }
0x80: {  	_ =	shalt  }
0x81: {  	_ =	shalt  }
0x82: {  	_ =	shalt  }
0x83: {  	_ =	shalt  }
0x84: {  	_ =	shalt  }
0x85: {  	_ =	shalt  }
0x86: {  	_ =	shalt  }
0x87: {  	_ =	shalt  }
.Lfunc_end0:
.L_simem_size_0:
called_computation.1_lowered:
.L_overlay_start_0:
0x88: {  	s2 =	sld [smem:$0x3FD9]  }
0x89: {  	s3 =	sld [smem:$0x3FFE];
	_ =	sdelay $0x1  }
0x8a: {  	s1 =	srdreg.scid  }
0x8b: {  	s0 =	sand.u32 $0x1, s1  }
0x8c: {  	s17 =	sshll.u32 s0, $0xA;
	s2 =	sadd.s32 s3, s2  }
0x8d: {  	s2 =	sadd.s32 s2, s17  }
0x8e: {  	[smem:$0x3FC4] =	sst s2  }
0x8f: {  	_ = 	snop  }
0x90: {  	s2 =	sld [smem:$0x3FD0];
	(tm) =	ssettm $0x1  }
0x91: {  	s18 =	sld [smem:$0x3FFB];
	_ =	sdelay $0x3  }
0x92: {  	_ =	strace s18  }
0x93: {  	s3 =	sld [smem:$0x3FFC];
	_ =	sdelay $0x3  }
0x94: {  	_ =	strace s3  }
0x95: {  	s3 =	sld [smem:$0x3FFD];
	_ =	sdelay $0x3  }
0x96: {  	_ =	strace s3  }
0x97: {  	_ =	strace $0x8FFFFFFF  }
0x98: {  	s19 =	sld [smem:$0x3FDB];
	_ =	sdelay $0x1  }
0x99: {  	s4 =	simm.s32 $_scs_section_size  }
0x9a: {  	s5 =	simm.s32 $_size__tile_overlayer_lowered;
	s6 =	simm.s32 $_tile_overlayer_lowered  }
0x9b: {  	s22 =	simm.s32 $0x1BFF;
	s21 =	sshll.u32 s6, $0x1;
	s3 =	sadd.s32 s4, s19  }
0x9c: {  	s7 =	simm.s32 $0x0;
	s20 =	sshll.u32 s5, $0x1;
	s5 =	sadd.s32 s21, s3  }
0x9d: {  	[timem:s7], [sflag:s22] =	dma.local [hbm:s5], s20  }
0x9e: {  	_ =	swait.ge [sflag:s22], s20  }
0x9f: {  	s4 =	ssub.s32 $0x0, s20;
	[sflag:s22] =	ssyncset.done $0x0  }
0xa0: {  	[sflag:s22] =	ssyncadd.s32 s4;
	_ =	sdelay $0x1  }
0xa1: {  	s23 =	simm.s32 $0x1B8B  }
0xa2: {  	_ =	swait.ge [sflag:s23], $0x1  }
0xa3: {  	[sflag:s23] =	ssyncset.done $0x0  }
0xa4: {  	s25 =	simm.s32 $0x1B8E;
	s24 =	sld [smem:$0x3FFE];
	[sflag:s23] =	ssyncadd.s32 $0xFFFFFFFF  }
0xa5: {  	s26 =	simm.s32 $execute0_lowered;
	[smem:$0x3FD2] =	sst s25  }
0xa6: {  	s5 =	sshll.u32 s26, $0x1;
	_ =	strace $0x80000049;
	[dreg:$0x1] =	wrdreg $0xFFFFFFFF  }
0xa7: {  	s28 =	simm.s32 $_size_execute0_lowered;
	s3 =	sadd.s32 s3, s5;
	[dreg:$0x0] =	wrdreg $0x0  }
0xa8: {  	s5 =	sshll.u32 s28, $0x1;
	[dreg:$0x2] =	wrdreg s3  }
0xa9: {  	[dreg:$0x3] =	wrdreg s5  }
0xaa: {  	[dreg:$0x4] =	wrdreg $0xC0  }
0xab: {  	_ =	task [dreg:s7], $0x5FFFF  }
0xac: {  	[dreg:$0x1] =	wrdreg $0xFFFFFFFF  }
0xad: {  	[dreg:$0x0] =	wrdreg $0x60  }
0xae: {  	[dreg:$0x2] =	wrdreg s24  }
0xaf: {  	[dreg:$0x3] =	wrdreg s2  }
0xb0: {  	[dreg:$0x4] =	wrdreg $0xA1000  }
0xb1: {  	[dreg:$0x5] =	wrdreg $0x9  }
0xb2: {  	_ =	task.clear_ibuf [dreg:s7], $0x6FFFF;
	_ =	strace $0x90000049  }
0xb3: {  	s29 =	simm.s32 $0x9;
	_ =	strace $0x8000004B  }
0xb4: {  	_ =	swait.ge [sflag:s29], $0x1  }
0xb5: {  	[sflag:s29] =	ssyncadd.s32 $0xFFFFFFFF  }
0xb6: {  	_ =	strace $0x9000004B  }
0xb7: {  	_ =	sfence  }
0xb8: {  	s30 =	sld [smem:$0x0];
	_ =	sdelay $0x2  }
0xb9: {  	s31 =	sshll.u32 s1, $0xD;
	s1 =	sshrl.u32 s1, $0x2  }
0xba: {  	s3 =	sand.u32 $0x4000, s31;
	s1 =	sadd.s32 s1, s30  }
0xbb: {  	s0 =	sor.u32 s3, s0;
	s1 =	sshll.u32 s1, $0x11  }
0xbc: {  	s0 =	sor.u32 s1, s0  }
0xbd: {  	s0 =	sadd.s32 $0x8F2B, s0  }
0xbe: {  	[sflag:s0] =	ssyncadd.remote.s32 $0x1  }
0xbf: {  	_ =	sfence.sel $0xFFFF  }
0xc0: {  	[dreg:$0x0] =	wrdreg $0xFFFFFFFF;
	(pc) =	sbr.abs _section_cstart, $3  }
0xc1: {  	[dreg:$0x1] =	wrdreg $0xFFFFFFFF  }
0xc2: {  	_ =	task.clear_ibuf [dreg:s7], $0x2FFFF;
	_ =	strace $0x9FFFFFFF  }
0xc3: {  	(tm) =	ssettm $0x7FFFFFFF  }
tec
execute0_lowered:
.L_overlay_start_1:
0x0: {  	(tag) =	ssettag $0x1  }
0x1: {  	s0 =	rddreg [dreg:$0x0]  }
0x2: {  	s1 =	srdreg.scid;
	s7 =	rddreg [dreg:$0x1]  }
0x3: {  	s13 =	stileid.u32;
	s2 =	rddreg [dreg:$0x2];
	s28 =	simm.s32 $0x5100  }
0x4: {  	s29 =	simm.s32 $0x2880;
	s31 =	simm.s32 $0x7900;
	s11 =	smul.u32 $0x4E000, s13  }
0x5: {  	s30 =	simm.s32 $0x5;
	s1 =	sand.u32 $0x1, s1;
	s24 =	smul.u32 $0x13800, s13  }
0x6: {  	s3 =	sshll.u32 s13, $0x1;
	s16 =	smul.u32 $0x4E20, s13;
	s17 =	sadd.s32 $0x138000, s2  }
0x7: {  	p0 =	sne.s32 s13, $0x0;
	s4 =	sor.u32 s1, s3;
	s12 =	smul.u32 $0x138800, s1  }
0x8: {  	s3 =	simm.s32 $0x0;
	s9 =	ssub.s32 $0x2, s1;
	s1 =	smul.u32 $0x2710, s1  }
0x9: {  	s5 =	smul.u32 $0x2710, s4;
	[smem:$0x7FF] =	sst s3;
	s4 =	sadd.s32 $0x15600, s0  }
0xa: {  	s10 =	sshrl.u32 s9, $0x1;
	s11 =	sshrl.u32 s11, $0x2;
	s14 =	sshrl.u32 s24, $0x3  }
0xb: {  	_ =	strace $0x8000004A;
	s9 =	ssub.s32 s9, s10;
	s15 =	sadd.s32 s7, s14  }
0xc: {  	[dreg:$0xa] =	wrdreg s17;
	s7 =	sadd.s32 $0x27000, s7;
	s19 =	sadd.s32 s24, s12  }
0xd: {  	s20 =	sshrl.u32 s12, $0x3;
	s1 =	sadd.s32 s1, s16;
	s10 =	simm.s32 $0x0  }
0xe: {  	s6 =	sshrl.u32 s5, $0x3;
	s5 =	sadd.s32 $0xB800, s0;
	[dreg:$0x9] =	wrdreg s15  }
0xf: {  	[dreg:$0xb] =	wrdreg s7;
	s7 =	sshrl.u32 s19, $0x3;
	s22 =	sadd.s32 $0x190, s1  }
0x10: {  	s24 =	sadd.s32 $0x140, s1;
	s8 =	sadd.s32 s6, s0;
	s6 =	sadd.s32 s5, s6  }
0x11: {  	s0 =	sadd.s32 $0x3C800, s0;
	s8 =	sadd.s32 $0x1A00, s8;
	[dreg:$0x4] =	wrdreg s6  }
0x12: {  	s23 =	sshrl.u32 s22, $0x3;
	s25 =	sadd.s32 $0xA, s6;
	[dreg:$0x5] =	wrdreg s8  }
0x13: {  	s22 =	simm.s32 $0x7;
	s26 =	sadd.s32 $0x14, s6;
	[dreg:$0x6] =	wrdreg s25  }
0x14: {  	s18 =	sadd.s32 $0x4CE, s6;
	s6 =	sadd.s32 $0x4D8, s6;
	[dreg:$0x7] =	wrdreg s26  }
0x15: {  	s21 =	sadd.s32 s0, s7;
	s0 =	sadd.s32 s0, s20;
	[dreg:$0xc] =	wrdreg s18  }
0x16: {  	s19 =	sadd.s32 s23, s5;
	s23 =	simm.s32 $0x2780;
	[dreg:$0xd] =	wrdreg s6  }
0x17: {  	s7 =	simm.s32 $0x2;
	s8 =	sadd.s32 s11, s2;
	[dreg:$0xe] =	wrdreg s21  }
0x18: {  	s0 =	sadd.s32 $0x27000, s0;
	s25 =	smax.u32 s9, $0x1;
	s26 =	sshrl.u32 s24, $0x3  }
0x19: {  	s21 =	sadd.s32 $0xF0, s1;
	s24 =	simm.s32 $0x50;
	[dreg:$0x8] =	wrdreg s8  }
0x1a: {  	s1 =	simm.s32 $0x4;
	s9 =	simm.s32 $0x3;
	[dreg:$0xf] =	wrdreg s0  }
0x1b: {  	[dreg:$0x10] =	wrdreg s25;
	s20 =	sadd.s32 s26, s5;
	s25 =	simm.s32 $0x2900  }
0x1c: {  	s26 =	simm.s32 $0x2800;
	s0 =	simm.s32 $0x1;
	s8 =	simm.s32 $0x6  }
.LBB2_1:
0x1d: {  	s6 =	rddreg [dreg:$0x5]  }
0x1e: {  	[tilespmem:s3], [sflag:$0x7] =	stream.linear.gather [hbm4b:s6+s3], $0x2710, $0x38;
	[tilespmem:$0x1D980] =	vst v63  }
0x1f: {  	_ =	swait.ge [sflag:s22], $0x2710  }
0x20: {  	[sflag:s22] =	ssyncset.done $0x0  }
0x21: {  	s17 =	rddreg [dreg:$0x4];
	[sflag:s22] =	ssyncadd.s32 $0xFFFFD8F0  }
0x22: {  	[tilespmem:s23], [sflag:$0x4] =	stream.linear.gather [hbm4b:s17+s3], $0x50, $0x38;
	[tilespmem:$0x1D980] =	vst v63  }
0x23: {  	_ = 	snop  }
0x24: {  	[tilespmem:s25], [sflag:$0x1] =	stream.indirect.gather [hbm4b:s4+s24], $0x80, s3, s24, $0xb8;
	[tilespmem:$0x1D980] =	vst v63  }
0x25: {  	s18 =	rddreg [dreg:$0x6]  }
0x26: {  	[tilespmem:s26], [sflag:$0x5] =	stream.linear.gather [hbm4b:s18+s3], $0x50, $0x38;
	[tilespmem:$0x1D980] =	vst v63  }
0x27: {  	_ = 	snop  }
0x28: {  	[tilespmem:s28], [sflag:$0x2] =	stream.indirect.gather [hbm4b:s4+s24], $0x80, s24, s24, $0xb8;
	[tilespmem:$0x1D980] =	vst v63  }
0x29: {  	s13 =	stileid.u32;
	s11 =	rddreg [dreg:$0x7]  }
0x2a: {  	[tilespmem:s29], [sflag:$0x6] =	stream.linear.gather [hbm4b:s11+s3], $0x50, $0x38;
	[tilespmem:$0x1D980] =	vst v63  }
0x2b: {  	s12 =	simm.s32 $0xA0;
	s14 =	rddreg [dreg:$0x8];
	s11 =	sshll.u32 s13, $0x6  }
0x2c: {  	[tilespmem:s31], [sflag:$0x3] =	stream.indirect.gather [hbm4b:s4+s24], $0x80, s12, s24, $0xb8;
	[tilespmem:$0x1D980] =	vst v63  }
0x2d: {  	s15 =	rddreg [dreg:$0x9];
	s11 =	sor.u32 $0x1C07, s11;
	s12 =	sshrl.u32 s14, $0x3  }
0x2e: {  	[spmem:s12], [sflag:s11] =	dma.local [hbm:s15], $0x2700  }
0x2f: {  	_ =	swait.ge [sflag:s22], $0x2700  }
0x30: {  	s14 =	simm.s32 @!p0 $0x7;
	[sflag:s22] =	ssyncset.done $0x0;
	s6 =	rddreg [dreg:$0xa]  }
0x31: {  	[sflag:s22] =	ssyncadd.s32 $0xFFFFD900;
	s13 =	sshrl.u32 @!p0 s6, $0x3;
	s6 =	rddreg [dreg:$0xb]  }
0x32: {  	[spmem:s13], [sflag:s11] =	dma.local @!p0 [hbm:s6], $0x100  }
0x33: {  	_ =	swait.ge @!p0 [sflag:s14], $0x100  }
0x34: {  	[sflag:s14] =	ssyncset.done @!p0 $0x0  }
0x35: {  	[sflag:s14] =	ssyncadd.s32 @!p0 $0xFFFFFF00  }
0x36: {  	[bflag:$0x0] =	sbarrier.arrive $0xFFFF  }
0x37: {  	_ =	swait.ge [sflag:s1], $0x50  }
0x38: {  	[sflag:s1] =	ssyncset.done $0x0  }
0x39: {  	[sflag:s1] =	ssyncadd.s32 $0xFFFFFFB0  }
0x3a: {  	_ =	swait.ge [sflag:s0], $0x2800  }
0x3b: {  	[sflag:s0] =	ssyncset.done $0x0  }
0x3c: {  	[sflag:s0] =	ssyncadd.s32 $0xFFFFD800  }
0x3d: {  	[spmem:s2] =	stream.indirect.scatter.add.f32 [tilespmem:s25], [sflag:$0x7], $0x80, s23, s24, $0xb8;
	[tilespmem:$0x1D980] =	vst v63  }
0x3e: {  	_ =	swait.ge [sflag:s22], $0x2800  }
0x3f: {  	s16 =	sshrl.u32 s21, $0x3;
	[sflag:s22] =	ssyncset.done $0x0  }
0x40: {  	s14 =	sadd.s32 s5, s16;
	[sflag:s22] =	ssyncadd.s32 $0xFFFFD800  }
0x41: {  	[tilespmem:s23], [sflag:$0x4] =	stream.linear.gather [hbm4b:s14+s3], $0x50, $0x38;
	[tilespmem:$0x1D980] =	vst v63  }
0x42: {  	s17 =	simm.s32 $0xF0  }
0x43: {  	[tilespmem:s25], [sflag:$0x1] =	stream.indirect.gather [hbm4b:s4+s24], $0x80, s17, s24, $0xb8;
	[tilespmem:$0x1D980] =	vst v63  }
0x44: {  	_ =	swait.ge [sflag:s30], $0x50  }
0x45: {  	[sflag:s30] =	ssyncset.done $0x0  }
0x46: {  	[sflag:s30] =	ssyncadd.s32 $0xFFFFFFB0  }
0x47: {  	_ =	swait.ge [sflag:s7], $0x2800  }
0x48: {  	[sflag:s7] =	ssyncset.done $0x0  }
0x49: {  	[sflag:s7] =	ssyncadd.s32 $0xFFFFD800  }
0x4a: {  	[spmem:s2] =	stream.indirect.scatter.add.f32 [tilespmem:s28], [sflag:$0x7], $0x80, s26, s24, $0xb8;
	[tilespmem:$0x1D980] =	vst v63  }
0x4b: {  	_ =	swait.ge [sflag:s22], $0x2800  }
0x4c: {  	[sflag:s22] =	ssyncset.done $0x0  }
0x4d: {  	[sflag:s22] =	ssyncadd.s32 $0xFFFFD800  }
0x4e: {  	[tilespmem:s26], [sflag:$0x5] =	stream.linear.gather [hbm4b:s20+s3], $0x50, $0x38;
	[tilespmem:$0x1D980] =	vst v63  }
0x4f: {  	s18 =	simm.s32 $0x140  }
0x50: {  	[tilespmem:s28], [sflag:$0x2] =	stream.indirect.gather [hbm4b:s4+s24], $0x80, s18, s24, $0xb8;
	[tilespmem:$0x1D980] =	vst v63  }
0x51: {  	_ =	swait.ge [sflag:s8], $0x50  }
0x52: {  	[sflag:s8] =	ssyncset.done $0x0  }
0x53: {  	[sflag:s8] =	ssyncadd.s32 $0xFFFFFFB0  }
0x54: {  	_ =	swait.ge [sflag:s9], $0x2800  }
0x55: {  	[sflag:s9] =	ssyncset.done $0x0  }
0x56: {  	[sflag:s9] =	ssyncadd.s32 $0xFFFFD800  }
0x57: {  	[spmem:s2] =	stream.indirect.scatter.add.f32 [tilespmem:s31], [sflag:$0x7], $0x80, s29, s24, $0xb8;
	[tilespmem:$0x1D980] =	vst v63  }
0x58: {  	s15 =	sadd.s32 $0xF0, s21;
	_ =	swait.ge [sflag:s22], $0x2800  }
0x59: {  	s16 =	sadd.s32 $0x1E, s19;
	s14 =	simm.s32 $0x3C0;
	[sflag:s22] =	ssyncset.done $0x0  }
0x5a: {  	s17 =	sadd.s32 $0x1E, s20;
	s18 =	simm.s32 $0x190;
	[sflag:s22] =	ssyncadd.s32 $0xFFFFD800  }
0x5b: {  	[tilespmem:s29], [sflag:$0x6] =	stream.linear.gather [hbm4b:s19+s3], $0x50, $0x38;
	[tilespmem:$0x1D980] =	vst v63  }
.LBB2_2:
0x5c: {  	[tilespmem:s31], [sflag:$0x3] =	stream.indirect.gather [hbm4b:s4+s24], $0x80, s18, s24, $0xb8;
	[tilespmem:$0x1D980] =	vst v63  }
0x5d: {  	s18 =	smov.u32 s14  }
0x5e: {  	p1 =	sne.s32 s14, $0x9240;
	s14 =	sadd.s32 $0x3C0, s14;
	_ =	swait.ge [sflag:s1], $0x50  }
0x5f: {  	[sflag:s1] =	ssyncset.done $0x0  }
0x60: {  	[sflag:s1] =	ssyncadd.s32 $0xFFFFFFB0  }
0x61: {  	_ =	swait.ge [sflag:s0], $0x2800  }
0x62: {  	[sflag:s0] =	ssyncset.done $0x0  }
0x63: {  	[sflag:s0] =	ssyncadd.s32 $0xFFFFD800  }
0x64: {  	[spmem:s2] =	stream.indirect.scatter.add.f32 [tilespmem:s25], [sflag:$0x7], $0x80, s23, s24, $0xb8;
	[tilespmem:$0x1D980] =	vst v63  }
0x65: {  	_ =	swait.ge [sflag:s22], $0x2800  }
0x66: {  	s6 =	sshrl.u32 s15, $0x3;
	[sflag:s22] =	ssyncset.done $0x0  }
0x67: {  	s6 =	sadd.s32 s5, s6;
	s18 =	sshra.s32 s18, $0x2;
	[sflag:s22] =	ssyncadd.s32 $0xFFFFD800  }
0x68: {  	[tilespmem:s23], [sflag:$0x4] =	stream.linear.gather [hbm4b:s6+s3], $0x50, $0x38;
	[tilespmem:$0x1D980] =	vst v63  }
0x69: {  	s6 =	sadd.s32 $0xF0, s18  }
0x6a: {  	[tilespmem:s25], [sflag:$0x1] =	stream.indirect.gather [hbm4b:s4+s24], $0x80, s6, s24, $0xb8;
	[tilespmem:$0x1D980] =	vst v63  }
0x6b: {  	_ =	swait.ge [sflag:s30], $0x50  }
0x6c: {  	[sflag:s30] =	ssyncset.done $0x0  }
0x6d: {  	[sflag:s30] =	ssyncadd.s32 $0xFFFFFFB0  }
0x6e: {  	_ =	swait.ge [sflag:s7], $0x2800  }
0x6f: {  	[sflag:s7] =	ssyncset.done $0x0  }
0x70: {  	[sflag:s7] =	ssyncadd.s32 $0xFFFFD800  }
0x71: {  	[spmem:s2] =	stream.indirect.scatter.add.f32 [tilespmem:s28], [sflag:$0x7], $0x80, s26, s24, $0xb8;
	[tilespmem:$0x1D980] =	vst v63  }
0x72: {  	_ =	swait.ge [sflag:s22], $0x2800  }
0x73: {  	[sflag:s22] =	ssyncset.done $0x0  }
0x74: {  	[sflag:s22] =	ssyncadd.s32 $0xFFFFD800  }
0x75: {  	[tilespmem:s26], [sflag:$0x5] =	stream.linear.gather [hbm4b:s17+s3], $0x50, $0x38;
	[tilespmem:$0x1D980] =	vst v63  }
0x76: {  	s6 =	sadd.s32 $0x140, s18  }
0x77: {  	[tilespmem:s28], [sflag:$0x2] =	stream.indirect.gather [hbm4b:s4+s24], $0x80, s6, s24, $0xb8;
	[tilespmem:$0x1D980] =	vst v63  }
0x78: {  	_ =	swait.ge [sflag:s8], $0x50  }
0x79: {  	[sflag:s8] =	ssyncset.done $0x0  }
0x7a: {  	[sflag:s8] =	ssyncadd.s32 $0xFFFFFFB0  }
0x7b: {  	_ =	swait.ge [sflag:s9], $0x2800  }
0x7c: {  	[sflag:s9] =	ssyncset.done $0x0  }
0x7d: {  	[sflag:s9] =	ssyncadd.s32 $0xFFFFD800  }
0x7e: {  	[spmem:s2] =	stream.indirect.scatter.add.f32 [tilespmem:s31], [sflag:$0x7], $0x80, s29, s24, $0xb8;
	[tilespmem:$0x1D980] =	vst v63  }
.Ltmp0:
0x7f: {  	_ =	swait.ge [sflag:s22], $0x2800;
	(pc) =	sbr.rel @p1 .LBB2_2-.Ltmp0, $4  }
0x80: {  	[sflag:s22] =	ssyncset.done $0x0  }
0x81: {  	s15 =	sadd.s32 $0xF0, s15;
	[sflag:s22] =	ssyncadd.s32 $0xFFFFD800  }
0x82: {  	[tilespmem:s29], [sflag:$0x6] =	stream.linear.gather [hbm4b:s16+s3], $0x50, $0x38;
	[tilespmem:$0x1D980] =	vst v63  }
0x83: {  	s18 =	sadd.s32 $0x190, s18;
	s17 =	sadd.s32 $0x1E, s17;
	s16 =	sadd.s32 $0x1E, s16  }
0x84: {  	[tilespmem:s31], [sflag:$0x3] =	stream.indirect.gather [hbm4b:s4+s24], $0x80, s18, s24, $0xb8;
	[tilespmem:$0x1D980] =	vst v63  }
0x85: {  	_ =	swait.ge [sflag:s1], $0x50  }
0x86: {  	[sflag:s1] =	ssyncset.done $0x0  }
0x87: {  	[sflag:s1] =	ssyncadd.s32 $0xFFFFFFB0  }
0x88: {  	_ =	swait.ge [sflag:s0], $0x2800  }
0x89: {  	[sflag:s0] =	ssyncset.done $0x0  }
0x8a: {  	[sflag:s0] =	ssyncadd.s32 $0xFFFFD800  }
0x8b: {  	[spmem:s2] =	stream.indirect.scatter.add.f32 [tilespmem:s25], [sflag:$0x7], $0x80, s23, s24, $0xb8;
	[tilespmem:$0x1D980] =	vst v63  }
0x8c: {  	_ =	swait.ge [sflag:s22], $0x2800  }
0x8d: {  	[sflag:s22] =	ssyncset.done $0x0  }
0x8e: {  	s6 =	rddreg [dreg:$0xc];
	[sflag:s22] =	ssyncadd.s32 $0xFFFFD800  }
0x8f: {  	[tilespmem:s23], [sflag:$0x4] =	stream.linear.gather [hbm4b:s6+s3], $0x50, $0x38;
	[tilespmem:$0x1D980] =	vst v63  }
0x90: {  	s14 =	simm.s32 $0x2670  }
0x91: {  	[tilespmem:s25], [sflag:$0x1] =	stream.indirect.gather [hbm4b:s4+s24], $0x80, s14, s24, $0xb8;
	[tilespmem:$0x1D980] =	vst v63  }
0x92: {  	_ =	swait.ge [sflag:s30], $0x50  }
0x93: {  	[sflag:s30] =	ssyncset.done $0x0  }
0x94: {  	[sflag:s30] =	ssyncadd.s32 $0xFFFFFFB0  }
0x95: {  	_ =	swait.ge [sflag:s7], $0x2800  }
0x96: {  	[sflag:s7] =	ssyncset.done $0x0  }
0x97: {  	[sflag:s7] =	ssyncadd.s32 $0xFFFFD800  }
0x98: {  	[spmem:s2] =	stream.indirect.scatter.add.f32 [tilespmem:s28], [sflag:$0x7], $0x80, s26, s24, $0xb8;
	[tilespmem:$0x1D980] =	vst v63  }
0x99: {  	_ =	swait.ge [sflag:s22], $0x2800  }
0x9a: {  	[sflag:s22] =	ssyncset.done $0x0  }
0x9b: {  	s15 =	rddreg [dreg:$0xd];
	[sflag:s22] =	ssyncadd.s32 $0xFFFFD800  }
0x9c: {  	[tilespmem:s26], [sflag:$0x5] =	stream.linear.gather [hbm4b:s15+s3], $0x50, $0x38;
	[tilespmem:$0x1D980] =	vst v63  }
0x9d: {  	s16 =	simm.s32 $0x26C0  }
0x9e: {  	[tilespmem:s28], [sflag:$0x2] =	stream.indirect.gather [hbm4b:s4+s24], $0x80, s16, s24, $0xb8;
	[tilespmem:$0x1D980] =	vst v63  }
0x9f: {  	_ =	swait.ge [sflag:s8], $0x50  }
0xa0: {  	[sflag:s8] =	ssyncset.done $0x0  }
0xa1: {  	[sflag:s8] =	ssyncadd.s32 $0xFFFFFFB0  }
0xa2: {  	_ =	swait.ge [sflag:s9], $0x2800  }
0xa3: {  	[sflag:s9] =	ssyncset.done $0x0  }
0xa4: {  	[sflag:s9] =	ssyncadd.s32 $0xFFFFD800  }
0xa5: {  	[spmem:s2] =	stream.indirect.scatter.add.f32 [tilespmem:s31], [sflag:$0x7], $0x80, s29, s24, $0xb8;
	[tilespmem:$0x1D980] =	vst v63  }
0xa6: {  	_ =	swait.ge [sflag:s22], $0x2800  }
0xa7: {  	[sflag:s22] =	ssyncset.done $0x0  }
0xa8: {  	[sflag:s22] =	ssyncadd.s32 $0xFFFFD800  }
0xa9: {  	_ =	swait.ge [sflag:s1], $0x50  }
0xaa: {  	[sflag:s1] =	ssyncset.done $0x0  }
0xab: {  	[sflag:s1] =	ssyncadd.s32 $0xFFFFFFB0  }
0xac: {  	_ =	swait.ge [sflag:s0], $0x2800  }
0xad: {  	[sflag:s0] =	ssyncset.done $0x0  }
0xae: {  	[sflag:s0] =	ssyncadd.s32 $0xFFFFD800  }
0xaf: {  	[spmem:s2] =	stream.indirect.scatter.add.f32 [tilespmem:s25], [sflag:$0x7], $0x80, s23, s24, $0xb8;
	[tilespmem:$0x1D980] =	vst v63  }
0xb0: {  	_ =	swait.ge [sflag:s22], $0x2800  }
0xb1: {  	[sflag:s22] =	ssyncset.done $0x0  }
0xb2: {  	[sflag:s22] =	ssyncadd.s32 $0xFFFFD800  }
0xb3: {  	_ =	swait.ge [sflag:s30], $0x50  }
0xb4: {  	[sflag:s30] =	ssyncset.done $0x0  }
0xb5: {  	[sflag:s30] =	ssyncadd.s32 $0xFFFFFFB0  }
0xb6: {  	_ =	swait.ge [sflag:s7], $0x2800  }
0xb7: {  	[sflag:s7] =	ssyncset.done $0x0  }
0xb8: {  	[sflag:s7] =	ssyncadd.s32 $0xFFFFD800  }
0xb9: {  	[spmem:s2] =	stream.indirect.scatter.add.f32 [tilespmem:s28], [sflag:$0x7], $0x80, s26, s24, $0xb8;
	[tilespmem:$0x1D980] =	vst v63  }
0xba: {  	_ =	swait.ge [sflag:s22], $0x2800  }
0xbb: {  	[sflag:s22] =	ssyncset.done $0x0  }
0xbc: {  	[sflag:s22] =	ssyncadd.s32 $0xFFFFD800  }
0xbd: {  	[bflag:$0x0] =	sbarrier.arrive $0xFFFF  }
0xbe: {  	s17 =	rddreg [dreg:$0xe]  }
0xbf: {  	[hbm:s17], [sflag:s11] =	dma.local [spmem:s12], $0x2700  }
0xc0: {  	_ =	swait.ge [sflag:s22], $0x2700  }
0xc1: {  	[sflag:s22] =	ssyncset.done $0x0  }
0xc2: {  	s6 =	rddreg [dreg:$0xf];
	[sflag:s22] =	ssyncadd.s32 $0xFFFFD900  }
0xc3: {  	[hbm:s6], [sflag:s11] =	dma.local @!p0 [spmem:s13], $0x100  }
0xc4: {  	s6 =	simm.s32 @!p0 $0x7  }
0xc5: {  	_ =	swait.ge @!p0 [sflag:s6], $0x100  }
0xc6: {  	s10 =	sadd.s32 $0x1, s10;
	s18 =	rddreg [dreg:$0x10]  }
0xc7: {  	p1 =	sne.s32 s10, s18  }
.Ltmp1:
0xc8: {  	_ = 	snop;
	(pc) =	sbr.rel @p1 .LBB2_1-.Ltmp1, $3  }
0xc9: {  	_ =	sdelay $0x1  }
0xca: {  	[sflag:s6] =	ssyncset.done @!p0 $0x0  }
0xcb: {  	[sflag:s6] =	ssyncadd.s32 @!p0 $0xFFFFFF00  }
0xcc: {  	_ =	sfence.sel $0x180000  }
0xcd: {  	[bflag:$0x0] =	sbarrier.arrive $0xFFFF  }
0xce: {  	_ =	strace $0x9000004A  }
0xcf: {  	[bflag:$0x2] =	sbarrier.arrive $0xFFFF  }
0xd0: {  	s0 =	rddreg [dreg:$0x3]  }
0xd1: {  	s0 =	sadd.s32 @!p0 $0x100000, s0  }
0xd2: {  	[sflag:s0] =	ssyncadd.tile.s32 @!p0 $0x1;
	_ =	shalt  }
.Lfunc_end2:
_tile_overlayer_lowered:
.L_overlay_start_2:
0xd3: {  	(tag) =	ssettag $0x2  }
0xd4: {  	s0 =	rddreg [dreg:$0x0];
	s2 =	stileid.u32  }
0xd5: {  	s1 =	rddreg [dreg:$0x1];
	p0 =	sne.s32 s2, $0x0  }
0xd6: {  	s3 =	rddreg [dreg:$0x2];
	[bflag:$0x3] =	sbarrier.arrive $0xFFFF;
	s2 =	simm.s32 @!p0 $0x1C07  }
0xd7: {  	[timem:s3], [sflag:s2] =	dma.local @!p0 [hbm:s0], s1  }
0xd8: {  	s0 =	simm.s32 @!p0 $0x7  }
0xd9: {  	_ =	swait.ge @!p0 [sflag:s0], s1  }
0xda: {  	s1 =	ssub.s32 @!p0 $0x0, s1;
	[sflag:s0] =	ssyncset.done @!p0 $0x0  }
0xdb: {  	[sflag:s0] =	ssyncadd.s32 @!p0 s1  }
0xdc: {  	[bflag:$0x3] =	sbarrier.arrive $0xFFFF  }
0xdd: {  	_ =	shalt  }

// kernel: kernel.14.cloned.1.call-start
scs
__scs_entry_jumppad:
0x0: {  	(pc) =	sbr.rel $0x88, $3  }
0x1: {  	(tag) =	ssettag $0x0;
	lr =	simm.s32 $0x1  }
0x2: {  	[smem:$0x3F9D] =	sst lr;
	_ =	strace $0xD0000000  }
0x3: {  	_ = 	snop  }
0x4: {  	_ = 	snop  }
0x5: {  	_ = 	snop  }
0x6: {  	_ = 	snop  }
0x7: {  	_ = 	snop  }
__scs_overlays_trampoline_lowered:
0x8: {  	[smem:$0x3FAC] =	sst s0  }
0x9: {  	[smem:$0x3FAD] =	sst s1  }
0xa: {  	[smem:$0x3FAE] =	sst s2  }
0xb: {  	[smem:$0x3FAF] =	sst s3  }
0xc: {  	[smem:$0x3FB0] =	sst s4  }
0xd: {  	[smem:$0x3FB1] =	sst s5  }
0xe: {  	[smem:$0x3FB2] =	sst s6  }
0xf: {  	[smem:$0x3FB3] =	sst s7  }
0x10: {  	[smem:$0x3FB4] =	sst s8  }
0x11: {  	[smem:$0x3FB5] =	sst s9;
	s0 =	simm.s32 @!p0 $0x0  }
0x12: {  	s1 =	sld [smem:$0x3F9B];
	s0 =	simm.s32 @p0 $0x1  }
0x13: {  	[smem:$0x3FB6] =	sst s0;
	s0 =	simm.s32 @!p1 $0x0  }
0x14: {  	s2 =	sld [smem:$0x3F9A];
	s0 =	simm.s32 @p1 $0x1  }
0x15: {  	[smem:$0x3FB7] =	sst s0;
	s0 =	simm.s32 @!p2 $0x0  }
0x16: {  	s3 =	sld [smem:$0x3FDB];
	s0 =	simm.s32 @p2 $0x1  }
0x17: {  	s4 =	simm.s32 $0x1BF5;
	[smem:$0x3FB9] =	sst s0  }
0x18: {  	s0 =	sld [smem:$0x3F9C];
	_ =	swait.ge [sflag:s4], $0x0  }
0x19: {  	s7 =	sld [smem:$0x3F9D]  }
0x1a: {  	s8 =	sadd.s32 $0xFFFFE003, lr  }
0x1b: {  	s9 =	sadd.s32 $0xFFFFFEF7, lr;
	s5 =	simm.s32 $0xFFFFFFFF;
	p2 =	slt.u32 s8, $0xFFFFF086  }
0x1c: {  	p1 =	slt.u32 s9, $0xF7A;
	s5 =	simm.s32 @!p2 $0x0  }
0x1d: {  	s5 =	simm.s32 @p1 $0x1;
	p0 =	seq.s32 s7, s2  }
0x1e: {  	s7 =	smul.u32 @!p0 $0xF7A, s2;
	p2 =	seq.s32 @!p0 s5, $0x0  }
0x1f: {  	s9 =	smul.u32 $0xF7A, s1;
	s8 =	simm.s32 @!p0 $0x1BF5;
	p2 =	por !p2, p0  }
0x20: {  	[sflag:s8] =	ssyncset.s32 @!p0 $0xFFFFF086;
	s6 =	sadd.s32 @!p0 s3, s7;
	s7 =	simm.s32 @!p0 $0x108  }
0x21: {  	s3 =	sadd.s32 s3, s9;
	s6 =	sadd.s32 @!p0 $0x88, s6;
	s7 =	simm.s32 @p2 $0x1082  }
0x22: {  	[simem:s7], [sflag:s8] =	dma.local @!p0 [hbm:s6], $0xF7A  }
0x23: {  	s9 =	sor.u32 $0xD0000000, s2;
	s6 =	simm.s32 $0x108;
	_ =	swait.ge @!p0 [sflag:s8], $0x0  }
0x24: {  	s3 =	sadd.s32 $0x88, s3;
	s6 =	simm.s32 @!p1 $0x1082;
	[sflag:s4] =	ssyncset.s32 $0xFFFFF086  }
0x25: {  	[simem:s6], [sflag:s4] =	dma.local [hbm:s3], $0xF7A  }
0x26: {  	[smem:$0x3F9D] =	sst s1;
	(tag) =	ssettag s2;
	_ =	strace s9  }
0x27: {  	s1 =	sld [smem:$0x3FAD]  }
0x28: {  	s2 =	sld [smem:$0x3FAE]  }
0x29: {  	s4 =	sld [smem:$0x3FB0]  }
0x2a: {  	p0 =	seq.s32 s5, $0x0;
	s5 =	sld [smem:$0x3FB1]  }
0x2b: {  	s6 =	sld [smem:$0x3FB2]  }
0x2c: {  	s7 =	sld [smem:$0x3FB3]  }
0x2d: {  	s3 =	simm.s32 $0x108;
	s8 =	sld [smem:$0x3FB4]  }
0x2e: {  	s3 =	simm.s32 @!p0 $0x1082;
	s9 =	sld [smem:$0x3FB5]  }
0x2f: {  	lr =	sadd.s32 s0, s3;
	s0 =	sld [smem:$0x3FAC]  }
0x30: {  	s3 =	sld [smem:$0x3FAF]  }
0x31: {  	[smem:$0x3FB8] =	sst s10  }
0x32: {  	s10 =	sld [smem:$0x3FB6];
	_ =	sdelay $0x3  }
0x33: {  	p0 =	seq.s32 s10, $0x1;
	s10 =	sld [smem:$0x3FB8];
	_ =	sdelay $0x3  }
0x34: {  	[smem:$0x3FB8] =	sst s10  }
0x35: {  	s10 =	sld [smem:$0x3FB7];
	_ =	sdelay $0x3  }
0x36: {  	p1 =	seq.s32 s10, $0x1;
	s10 =	sld [smem:$0x3FB8];
	_ =	sdelay $0x3  }
0x37: {  	[smem:$0x3FB8] =	sst s10  }
0x38: {  	s10 =	sld [smem:$0x3FB9]  }
0x39: {  	_ = 	snop;
	(pc) =	sbr.ind lr, $3  }
0x3a: {  	_ = 	snop  }
0x3b: {  	_ = 	snop  }
0x3c: {  	p2 =	seq.s32 s10, $0x1;
	s10 =	sld [smem:$0x3FB8]  }
0x3d: {  	_ =	shalt  }
0x3e: {  	_ =	shalt  }
0x3f: {  	_ =	shalt  }
0x40: {  	_ =	shalt  }
0x41: {  	_ =	shalt  }
0x42: {  	_ =	shalt  }
0x43: {  	_ =	shalt  }
0x44: {  	_ =	shalt  }
0x45: {  	_ =	shalt  }
0x46: {  	_ =	shalt  }
0x47: {  	_ =	shalt  }
0x48: {  	_ =	shalt  }
0x49: {  	_ =	shalt  }
0x4a: {  	_ =	shalt  }
0x4b: {  	_ =	shalt  }
0x4c: {  	_ =	shalt  }
0x4d: {  	_ =	shalt  }
0x4e: {  	_ =	shalt  }
0x4f: {  	_ =	shalt  }
0x50: {  	_ =	shalt  }
0x51: {  	_ =	shalt  }
0x52: {  	_ =	shalt  }
0x53: {  	_ =	shalt  }
0x54: {  	_ =	shalt  }
0x55: {  	_ =	shalt  }
0x56: {  	_ =	shalt  }
0x57: {  	_ =	shalt  }
0x58: {  	_ =	shalt  }
0x59: {  	_ =	shalt  }
0x5a: {  	_ =	shalt  }
0x5b: {  	_ =	shalt  }
0x5c: {  	_ =	shalt  }
0x5d: {  	_ =	shalt  }
0x5e: {  	_ =	shalt  }
0x5f: {  	_ =	shalt  }
0x60: {  	_ =	shalt  }
0x61: {  	_ =	shalt  }
0x62: {  	_ =	shalt  }
0x63: {  	_ =	shalt  }
0x64: {  	_ =	shalt  }
0x65: {  	_ =	shalt  }
0x66: {  	_ =	shalt  }
0x67: {  	_ =	shalt  }
0x68: {  	_ =	shalt  }
0x69: {  	_ =	shalt  }
0x6a: {  	_ =	shalt  }
0x6b: {  	_ =	shalt  }
0x6c: {  	_ =	shalt  }
0x6d: {  	_ =	shalt  }
0x6e: {  	_ =	shalt  }
0x6f: {  	_ =	shalt  }
0x70: {  	_ =	shalt  }
0x71: {  	_ =	shalt  }
0x72: {  	_ =	shalt  }
0x73: {  	_ =	shalt  }
0x74: {  	_ =	shalt  }
0x75: {  	_ =	shalt  }
0x76: {  	_ =	shalt  }
0x77: {  	_ =	shalt  }
0x78: {  	_ =	shalt  }
0x79: {  	_ =	shalt  }
0x7a: {  	_ =	shalt  }
0x7b: {  	_ =	shalt  }
0x7c: {  	_ =	shalt  }
0x7d: {  	_ =	shalt  }
0x7e: {  	_ =	shalt  }
0x7f: {  	_ =	shalt  }
0x80: {  	_ =	shalt  }
0x81: {  	_ =	shalt  }
0x82: {  	_ =	shalt  }
0x83: {  	_ =	shalt  }
0x84: {  	_ =	shalt  }
0x85: {  	_ =	shalt  }
0x86: {  	_ =	shalt  }
0x87: {  	_ =	shalt  }
.Lfunc_end0:
.L_simem_size_0:
called_computation.2_lowered:
.L_overlay_start_0:
0x88: {  	s2 =	sld [smem:$0x3FD9]  }
0x89: {  	s3 =	sld [smem:$0x3FFE];
	_ =	sdelay $0x1  }
0x8a: {  	s1 =	srdreg.scid  }
0x8b: {  	s0 =	sand.u32 $0x1, s1  }
0x8c: {  	s17 =	sshll.u32 s0, $0xA;
	s2 =	sadd.s32 s3, s2  }
0x8d: {  	s2 =	sadd.s32 s2, s17  }
0x8e: {  	[smem:$0x3FC4] =	sst s2  }
0x8f: {  	_ = 	snop  }
0x90: {  	s2 =	sld [smem:$0x3FD0];
	(tm) =	ssettm $0x1  }
0x91: {  	s18 =	sld [smem:$0x3FFB];
	_ =	sdelay $0x3  }
0x92: {  	_ =	strace s18  }
0x93: {  	s3 =	sld [smem:$0x3FFC];
	_ =	sdelay $0x3  }
0x94: {  	_ =	strace s3  }
0x95: {  	s3 =	sld [smem:$0x3FFD];
	_ =	sdelay $0x3  }
0x96: {  	_ =	strace s3  }
0x97: {  	_ =	strace $0x8FFFFFFF  }
0x98: {  	s19 =	sld [smem:$0x3FDB];
	_ =	sdelay $0x1  }
0x99: {  	s4 =	simm.s32 $_scs_section_size  }
0x9a: {  	s5 =	simm.s32 $_size__tile_overlayer_lowered;
	s6 =	simm.s32 $_tile_overlayer_lowered  }
0x9b: {  	s22 =	simm.s32 $0x1BFF;
	s21 =	sshll.u32 s6, $0x1;
	s3 =	sadd.s32 s4, s19  }
0x9c: {  	s7 =	simm.s32 $0x0;
	s20 =	sshll.u32 s5, $0x1;
	s5 =	sadd.s32 s21, s3  }
0x9d: {  	[timem:s7], [sflag:s22] =	dma.local [hbm:s5], s20  }
0x9e: {  	_ =	swait.ge [sflag:s22], s20  }
0x9f: {  	s4 =	ssub.s32 $0x0, s20;
	[sflag:s22] =	ssyncset.done $0x0  }
0xa0: {  	[sflag:s22] =	ssyncadd.s32 s4;
	_ =	sdelay $0x1  }
0xa1: {  	s23 =	simm.s32 $0x1B8B  }
0xa2: {  	_ =	swait.ge [sflag:s23], $0x1  }
0xa3: {  	[sflag:s23] =	ssyncset.done $0x0  }
0xa4: {  	s25 =	simm.s32 $0x1B8E;
	s24 =	sld [smem:$0x3FFE];
	[sflag:s23] =	ssyncadd.s32 $0xFFFFFFFF  }
0xa5: {  	s26 =	simm.s32 $execute0_lowered;
	[smem:$0x3FD2] =	sst s25  }
0xa6: {  	s5 =	sshll.u32 s26, $0x1;
	_ =	strace $0x8000004C;
	[dreg:$0x1] =	wrdreg $0xFFFFFFFF  }
0xa7: {  	s28 =	simm.s32 $_size_execute0_lowered;
	s3 =	sadd.s32 s3, s5;
	[dreg:$0x0] =	wrdreg $0x0  }
0xa8: {  	s5 =	sshll.u32 s28, $0x1;
	[dreg:$0x2] =	wrdreg s3  }
0xa9: {  	[dreg:$0x3] =	wrdreg s5  }
0xaa: {  	[dreg:$0x4] =	wrdreg $0xC0  }
0xab: {  	_ =	task [dreg:s7], $0x5FFFF  }
0xac: {  	[dreg:$0x1] =	wrdreg $0xFFFFFFFF  }
0xad: {  	[dreg:$0x0] =	wrdreg $0x60  }
0xae: {  	[dreg:$0x2] =	wrdreg s24  }
0xaf: {  	[dreg:$0x3] =	wrdreg s2  }
0xb0: {  	[dreg:$0x4] =	wrdreg $0xA1000  }
0xb1: {  	[dreg:$0x5] =	wrdreg $0x9  }
0xb2: {  	_ =	task.clear_ibuf [dreg:s7], $0x6FFFF;
	_ =	strace $0x9000004C  }
0xb3: {  	s29 =	simm.s32 $0x9;
	_ =	strace $0x8000004E  }
0xb4: {  	_ =	swait.ge [sflag:s29], $0x1  }
0xb5: {  	[sflag:s29] =	ssyncadd.s32 $0xFFFFFFFF  }
0xb6: {  	_ =	strace $0x9000004E  }
0xb7: {  	_ =	sfence  }
0xb8: {  	s30 =	sld [smem:$0x0];
	_ =	sdelay $0x2  }
0xb9: {  	s31 =	sshll.u32 s1, $0xD;
	s1 =	sshrl.u32 s1, $0x2  }
0xba: {  	s3 =	sand.u32 $0x4000, s31;
	s1 =	sadd.s32 s1, s30  }
0xbb: {  	s0 =	sor.u32 s3, s0;
	s1 =	sshll.u32 s1, $0x11  }
0xbc: {  	s0 =	sor.u32 s1, s0  }
0xbd: {  	s0 =	sadd.s32 $0x8F2B, s0  }
0xbe: {  	[sflag:s0] =	ssyncadd.remote.s32 $0x1  }
0xbf: {  	_ =	sfence.sel $0xFFFF  }
0xc0: {  	[dreg:$0x0] =	wrdreg $0xFFFFFFFF;
	(pc) =	sbr.abs _section_cstart, $3  }
0xc1: {  	[dreg:$0x1] =	wrdreg $0xFFFFFFFF  }
0xc2: {  	_ =	task.clear_ibuf [dreg:s7], $0x2FFFF;
	_ =	strace $0x9FFFFFFF  }
0xc3: {  	(tm) =	ssettm $0x7FFFFFFF  }
tec
execute0_lowered:
.L_overlay_start_1:
0x0: {  	(tag) =	ssettag $0x1  }
0x1: {  	s0 =	rddreg [dreg:$0x0]  }
0x2: {  	s1 =	srdreg.scid;
	s7 =	rddreg [dreg:$0x1]  }
0x3: {  	s13 =	stileid.u32;
	s2 =	rddreg [dreg:$0x2];
	s28 =	simm.s32 $0x5100  }
0x4: {  	s29 =	simm.s32 $0x2880;
	s31 =	simm.s32 $0x7900;
	s11 =	smul.u32 $0x4E000, s13  }
0x5: {  	s30 =	simm.s32 $0x5;
	s1 =	sand.u32 $0x1, s1;
	s24 =	smul.u32 $0x13800, s13  }
0x6: {  	s3 =	sshll.u32 s13, $0x1;
	s16 =	smul.u32 $0x4E20, s13;
	s17 =	sadd.s32 $0x138000, s2  }
0x7: {  	p0 =	sne.s32 s13, $0x0;
	s4 =	sor.u32 s1, s3;
	s12 =	smul.u32 $0x138800, s1  }
0x8: {  	s3 =	simm.s32 $0x0;
	s9 =	ssub.s32 $0x2, s1;
	s1 =	smul.u32 $0x2710, s1  }
0x9: {  	s5 =	smul.u32 $0x2710, s4;
	[smem:$0x7FF] =	sst s3;
	s4 =	sadd.s32 $0x15600, s0  }
0xa: {  	s10 =	sshrl.u32 s9, $0x1;
	s11 =	sshrl.u32 s11, $0x2;
	s14 =	sshrl.u32 s24, $0x3  }
0xb: {  	_ =	strace $0x8000004D;
	s9 =	ssub.s32 s9, s10;
	s15 =	sadd.s32 s7, s14  }
0xc: {  	[dreg:$0xa] =	wrdreg s17;
	s7 =	sadd.s32 $0x27000, s7;
	s19 =	sadd.s32 s24, s12  }
0xd: {  	s20 =	sshrl.u32 s12, $0x3;
	s1 =	sadd.s32 s1, s16;
	s10 =	simm.s32 $0x0  }
0xe: {  	s6 =	sshrl.u32 s5, $0x3;
	s5 =	sadd.s32 $0xB800, s0;
	[dreg:$0x9] =	wrdreg s15  }
0xf: {  	[dreg:$0xb] =	wrdreg s7;
	s7 =	sshrl.u32 s19, $0x3;
	s22 =	sadd.s32 $0x190, s1  }
0x10: {  	s24 =	sadd.s32 $0x140, s1;
	s8 =	sadd.s32 s6, s0;
	s6 =	sadd.s32 s5, s6  }
0x11: {  	s0 =	sadd.s32 $0x3C800, s0;
	s8 =	sadd.s32 $0x1A00, s8;
	[dreg:$0x4] =	wrdreg s6  }
0x12: {  	s23 =	sshrl.u32 s22, $0x3;
	s25 =	sadd.s32 $0xA, s6;
	[dreg:$0x5] =	wrdreg s8  }
0x13: {  	s22 =	simm.s32 $0x7;
	s26 =	sadd.s32 $0x14, s6;
	[dreg:$0x6] =	wrdreg s25  }
0x14: {  	s18 =	sadd.s32 $0x4CE, s6;
	s6 =	sadd.s32 $0x4D8, s6;
	[dreg:$0x7] =	wrdreg s26  }
0x15: {  	s21 =	sadd.s32 s0, s7;
	s0 =	sadd.s32 s0, s20;
	[dreg:$0xc] =	wrdreg s18  }
0x16: {  	s19 =	sadd.s32 s23, s5;
	s23 =	simm.s32 $0x2780;
	[dreg:$0xd] =	wrdreg s6  }
0x17: {  	s7 =	simm.s32 $0x2;
	s8 =	sadd.s32 s11, s2;
	[dreg:$0xe] =	wrdreg s21  }
0x18: {  	s0 =	sadd.s32 $0x27000, s0;
	s25 =	smax.u32 s9, $0x1;
	s26 =	sshrl.u32 s24, $0x3  }
0x19: {  	s21 =	sadd.s32 $0xF0, s1;
	s24 =	simm.s32 $0x50;
	[dreg:$0x8] =	wrdreg s8  }
0x1a: {  	s1 =	simm.s32 $0x4;
	s9 =	simm.s32 $0x3;
	[dreg:$0xf] =	wrdreg s0  }
0x1b: {  	[dreg:$0x10] =	wrdreg s25;
	s20 =	sadd.s32 s26, s5;
	s25 =	simm.s32 $0x2900  }
0x1c: {  	s26 =	simm.s32 $0x2800;
	s0 =	simm.s32 $0x1;
	s8 =	simm.s32 $0x6  }
.LBB2_1:
0x1d: {  	s6 =	rddreg [dreg:$0x5]  }
0x1e: {  	[tilespmem:s3], [sflag:$0x7] =	stream.linear.gather [hbm4b:s6+s3], $0x2710, $0x38;
	[tilespmem:$0x1D980] =	vst v63  }
0x1f: {  	_ =	swait.ge [sflag:s22], $0x2710  }
0x20: {  	[sflag:s22] =	ssyncset.done $0x0  }
0x21: {  	s17 =	rddreg [dreg:$0x4];
	[sflag:s22] =	ssyncadd.s32 $0xFFFFD8F0  }
0x22: {  	[tilespmem:s23], [sflag:$0x4] =	stream.linear.gather [hbm4b:s17+s3], $0x50, $0x38;
	[tilespmem:$0x1D980] =	vst v63  }
0x23: {  	_ = 	snop  }
0x24: {  	[tilespmem:s25], [sflag:$0x1] =	stream.indirect.gather [hbm4b:s4+s24], $0x80, s3, s24, $0xb8;
	[tilespmem:$0x1D980] =	vst v63  }
0x25: {  	s18 =	rddreg [dreg:$0x6]  }
0x26: {  	[tilespmem:s26], [sflag:$0x5] =	stream.linear.gather [hbm4b:s18+s3], $0x50, $0x38;
	[tilespmem:$0x1D980] =	vst v63  }
0x27: {  	_ = 	snop  }
0x28: {  	[tilespmem:s28], [sflag:$0x2] =	stream.indirect.gather [hbm4b:s4+s24], $0x80, s24, s24, $0xb8;
	[tilespmem:$0x1D980] =	vst v63  }
0x29: {  	s13 =	stileid.u32;
	s11 =	rddreg [dreg:$0x7]  }
0x2a: {  	[tilespmem:s29], [sflag:$0x6] =	stream.linear.gather [hbm4b:s11+s3], $0x50, $0x38;
	[tilespmem:$0x1D980] =	vst v63  }
0x2b: {  	s12 =	simm.s32 $0xA0;
	s14 =	rddreg [dreg:$0x8];
	s11 =	sshll.u32 s13, $0x6  }
0x2c: {  	[tilespmem:s31], [sflag:$0x3] =	stream.indirect.gather [hbm4b:s4+s24], $0x80, s12, s24, $0xb8;
	[tilespmem:$0x1D980] =	vst v63  }
0x2d: {  	s15 =	rddreg [dreg:$0x9];
	s11 =	sor.u32 $0x1C07, s11;
	s12 =	sshrl.u32 s14, $0x3  }
0x2e: {  	[spmem:s12], [sflag:s11] =	dma.local [hbm:s15], $0x2700  }
0x2f: {  	_ =	swait.ge [sflag:s22], $0x2700  }
0x30: {  	s14 =	simm.s32 @!p0 $0x7;
	[sflag:s22] =	ssyncset.done $0x0;
	s6 =	rddreg [dreg:$0xa]  }
0x31: {  	[sflag:s22] =	ssyncadd.s32 $0xFFFFD900;
	s13 =	sshrl.u32 @!p0 s6, $0x3;
	s6 =	rddreg [dreg:$0xb]  }
0x32: {  	[spmem:s13], [sflag:s11] =	dma.local @!p0 [hbm:s6], $0x100  }
0x33: {  	_ =	swait.ge @!p0 [sflag:s14], $0x100  }
0x34: {  	[sflag:s14] =	ssyncset.done @!p0 $0x0  }
0x35: {  	[sflag:s14] =	ssyncadd.s32 @!p0 $0xFFFFFF00  }
0x36: {  	[bflag:$0x0] =	sbarrier.arrive $0xFFFF  }
0x37: {  	_ =	swait.ge [sflag:s1], $0x50  }
0x38: {  	[sflag:s1] =	ssyncset.done $0x0  }
0x39: {  	[sflag:s1] =	ssyncadd.s32 $0xFFFFFFB0  }
0x3a: {  	_ =	swait.ge [sflag:s0], $0x2800  }
0x3b: {  	[sflag:s0] =	ssyncset.done $0x0  }
0x3c: {  	[sflag:s0] =	ssyncadd.s32 $0xFFFFD800  }
0x3d: {  	[spmem:s2] =	stream.indirect.scatter.add.f32 [tilespmem:s25], [sflag:$0x7], $0x80, s23, s24, $0xb8;
	[tilespmem:$0x1D980] =	vst v63  }
0x3e: {  	_ =	swait.ge [sflag:s22], $0x2800  }
0x3f: {  	s16 =	sshrl.u32 s21, $0x3;
	[sflag:s22] =	ssyncset.done $0x0  }
0x40: {  	s14 =	sadd.s32 s5, s16;
	[sflag:s22] =	ssyncadd.s32 $0xFFFFD800  }
0x41: {  	[tilespmem:s23], [sflag:$0x4] =	stream.linear.gather [hbm4b:s14+s3], $0x50, $0x38;
	[tilespmem:$0x1D980] =	vst v63  }
0x42: {  	s17 =	simm.s32 $0xF0  }
0x43: {  	[tilespmem:s25], [sflag:$0x1] =	stream.indirect.gather [hbm4b:s4+s24], $0x80, s17, s24, $0xb8;
	[tilespmem:$0x1D980] =	vst v63  }
0x44: {  	_ =	swait.ge [sflag:s30], $0x50  }
0x45: {  	[sflag:s30] =	ssyncset.done $0x0  }
0x46: {  	[sflag:s30] =	ssyncadd.s32 $0xFFFFFFB0  }
0x47: {  	_ =	swait.ge [sflag:s7], $0x2800  }
0x48: {  	[sflag:s7] =	ssyncset.done $0x0  }
0x49: {  	[sflag:s7] =	ssyncadd.s32 $0xFFFFD800  }
0x4a: {  	[spmem:s2] =	stream.indirect.scatter.add.f32 [tilespmem:s28], [sflag:$0x7], $0x80, s26, s24, $0xb8;
	[tilespmem:$0x1D980] =	vst v63  }
0x4b: {  	_ =	swait.ge [sflag:s22], $0x2800  }
0x4c: {  	[sflag:s22] =	ssyncset.done $0x0  }
0x4d: {  	[sflag:s22] =	ssyncadd.s32 $0xFFFFD800  }
0x4e: {  	[tilespmem:s26], [sflag:$0x5] =	stream.linear.gather [hbm4b:s20+s3], $0x50, $0x38;
	[tilespmem:$0x1D980] =	vst v63  }
0x4f: {  	s18 =	simm.s32 $0x140  }
0x50: {  	[tilespmem:s28], [sflag:$0x2] =	stream.indirect.gather [hbm4b:s4+s24], $0x80, s18, s24, $0xb8;
	[tilespmem:$0x1D980] =	vst v63  }
0x51: {  	_ =	swait.ge [sflag:s8], $0x50  }
0x52: {  	[sflag:s8] =	ssyncset.done $0x0  }
0x53: {  	[sflag:s8] =	ssyncadd.s32 $0xFFFFFFB0  }
0x54: {  	_ =	swait.ge [sflag:s9], $0x2800  }
0x55: {  	[sflag:s9] =	ssyncset.done $0x0  }
0x56: {  	[sflag:s9] =	ssyncadd.s32 $0xFFFFD800  }
0x57: {  	[spmem:s2] =	stream.indirect.scatter.add.f32 [tilespmem:s31], [sflag:$0x7], $0x80, s29, s24, $0xb8;
	[tilespmem:$0x1D980] =	vst v63  }
0x58: {  	s15 =	sadd.s32 $0xF0, s21;
	_ =	swait.ge [sflag:s22], $0x2800  }
0x59: {  	s16 =	sadd.s32 $0x1E, s19;
	s14 =	simm.s32 $0x3C0;
	[sflag:s22] =	ssyncset.done $0x0  }
0x5a: {  	s17 =	sadd.s32 $0x1E, s20;
	s18 =	simm.s32 $0x190;
	[sflag:s22] =	ssyncadd.s32 $0xFFFFD800  }
0x5b: {  	[tilespmem:s29], [sflag:$0x6] =	stream.linear.gather [hbm4b:s19+s3], $0x50, $0x38;
	[tilespmem:$0x1D980] =	vst v63  }
.LBB2_2:
0x5c: {  	[tilespmem:s31], [sflag:$0x3] =	stream.indirect.gather [hbm4b:s4+s24], $0x80, s18, s24, $0xb8;
	[tilespmem:$0x1D980] =	vst v63  }
0x5d: {  	s18 =	smov.u32 s14  }
0x5e: {  	p1 =	sne.s32 s14, $0x9240;
	s14 =	sadd.s32 $0x3C0, s14;
	_ =	swait.ge [sflag:s1], $0x50  }
0x5f: {  	[sflag:s1] =	ssyncset.done $0x0  }
0x60: {  	[sflag:s1] =	ssyncadd.s32 $0xFFFFFFB0  }
0x61: {  	_ =	swait.ge [sflag:s0], $0x2800  }
0x62: {  	[sflag:s0] =	ssyncset.done $0x0  }
0x63: {  	[sflag:s0] =	ssyncadd.s32 $0xFFFFD800  }
0x64: {  	[spmem:s2] =	stream.indirect.scatter.add.f32 [tilespmem:s25], [sflag:$0x7], $0x80, s23, s24, $0xb8;
	[tilespmem:$0x1D980] =	vst v63  }
0x65: {  	_ =	swait.ge [sflag:s22], $0x2800  }
0x66: {  	s6 =	sshrl.u32 s15, $0x3;
	[sflag:s22] =	ssyncset.done $0x0  }
0x67: {  	s6 =	sadd.s32 s5, s6;
	s18 =	sshra.s32 s18, $0x2;
	[sflag:s22] =	ssyncadd.s32 $0xFFFFD800  }
0x68: {  	[tilespmem:s23], [sflag:$0x4] =	stream.linear.gather [hbm4b:s6+s3], $0x50, $0x38;
	[tilespmem:$0x1D980] =	vst v63  }
0x69: {  	s6 =	sadd.s32 $0xF0, s18  }
0x6a: {  	[tilespmem:s25], [sflag:$0x1] =	stream.indirect.gather [hbm4b:s4+s24], $0x80, s6, s24, $0xb8;
	[tilespmem:$0x1D980] =	vst v63  }
0x6b: {  	_ =	swait.ge [sflag:s30], $0x50  }
0x6c: {  	[sflag:s30] =	ssyncset.done $0x0  }
0x6d: {  	[sflag:s30] =	ssyncadd.s32 $0xFFFFFFB0  }
0x6e: {  	_ =	swait.ge [sflag:s7], $0x2800  }
0x6f: {  	[sflag:s7] =	ssyncset.done $0x0  }
0x70: {  	[sflag:s7] =	ssyncadd.s32 $0xFFFFD800  }
0x71: {  	[spmem:s2] =	stream.indirect.scatter.add.f32 [tilespmem:s28], [sflag:$0x7], $0x80, s26, s24, $0xb8;
	[tilespmem:$0x1D980] =	vst v63  }
0x72: {  	_ =	swait.ge [sflag:s22], $0x2800  }
0x73: {  	[sflag:s22] =	ssyncset.done $0x0  }
0x74: {  	[sflag:s22] =	ssyncadd.s32 $0xFFFFD800  }
0x75: {  	[tilespmem:s26], [sflag:$0x5] =	stream.linear.gather [hbm4b:s17+s3], $0x50, $0x38;
	[tilespmem:$0x1D980] =	vst v63  }
0x76: {  	s6 =	sadd.s32 $0x140, s18  }
0x77: {  	[tilespmem:s28], [sflag:$0x2] =	stream.indirect.gather [hbm4b:s4+s24], $0x80, s6, s24, $0xb8;
	[tilespmem:$0x1D980] =	vst v63  }
0x78: {  	_ =	swait.ge [sflag:s8], $0x50  }
0x79: {  	[sflag:s8] =	ssyncset.done $0x0  }
0x7a: {  	[sflag:s8] =	ssyncadd.s32 $0xFFFFFFB0  }
0x7b: {  	_ =	swait.ge [sflag:s9], $0x2800  }
0x7c: {  	[sflag:s9] =	ssyncset.done $0x0  }
0x7d: {  	[sflag:s9] =	ssyncadd.s32 $0xFFFFD800  }
0x7e: {  	[spmem:s2] =	stream.indirect.scatter.add.f32 [tilespmem:s31], [sflag:$0x7], $0x80, s29, s24, $0xb8;
	[tilespmem:$0x1D980] =	vst v63  }
.Ltmp0:
0x7f: {  	_ =	swait.ge [sflag:s22], $0x2800;
	(pc) =	sbr.rel @p1 .LBB2_2-.Ltmp0, $4  }
0x80: {  	[sflag:s22] =	ssyncset.done $0x0  }
0x81: {  	s15 =	sadd.s32 $0xF0, s15;
	[sflag:s22] =	ssyncadd.s32 $0xFFFFD800  }
0x82: {  	[tilespmem:s29], [sflag:$0x6] =	stream.linear.gather [hbm4b:s16+s3], $0x50, $0x38;
	[tilespmem:$0x1D980] =	vst v63  }
0x83: {  	s18 =	sadd.s32 $0x190, s18;
	s17 =	sadd.s32 $0x1E, s17;
	s16 =	sadd.s32 $0x1E, s16  }
0x84: {  	[tilespmem:s31], [sflag:$0x3] =	stream.indirect.gather [hbm4b:s4+s24], $0x80, s18, s24, $0xb8;
	[tilespmem:$0x1D980] =	vst v63  }
0x85: {  	_ =	swait.ge [sflag:s1], $0x50  }
0x86: {  	[sflag:s1] =	ssyncset.done $0x0  }
0x87: {  	[sflag:s1] =	ssyncadd.s32 $0xFFFFFFB0  }
0x88: {  	_ =	swait.ge [sflag:s0], $0x2800  }
0x89: {  	[sflag:s0] =	ssyncset.done $0x0  }
0x8a: {  	[sflag:s0] =	ssyncadd.s32 $0xFFFFD800  }
0x8b: {  	[spmem:s2] =	stream.indirect.scatter.add.f32 [tilespmem:s25], [sflag:$0x7], $0x80, s23, s24, $0xb8;
	[tilespmem:$0x1D980] =	vst v63  }
0x8c: {  	_ =	swait.ge [sflag:s22], $0x2800  }
0x8d: {  	[sflag:s22] =	ssyncset.done $0x0  }
0x8e: {  	s6 =	rddreg [dreg:$0xc];
	[sflag:s22] =	ssyncadd.s32 $0xFFFFD800  }
0x8f: {  	[tilespmem:s23], [sflag:$0x4] =	stream.linear.gather [hbm4b:s6+s3], $0x50, $0x38;
	[tilespmem:$0x1D980] =	vst v63  }
0x90: {  	s14 =	simm.s32 $0x2670  }
0x91: {  	[tilespmem:s25], [sflag:$0x1] =	stream.indirect.gather [hbm4b:s4+s24], $0x80, s14, s24, $0xb8;
	[tilespmem:$0x1D980] =	vst v63  }
0x92: {  	_ =	swait.ge [sflag:s30], $0x50  }
0x93: {  	[sflag:s30] =	ssyncset.done $0x0  }
0x94: {  	[sflag:s30] =	ssyncadd.s32 $0xFFFFFFB0  }
0x95: {  	_ =	swait.ge [sflag:s7], $0x2800  }
0x96: {  	[sflag:s7] =	ssyncset.done $0x0  }
0x97: {  	[sflag:s7] =	ssyncadd.s32 $0xFFFFD800  }
0x98: {  	[spmem:s2] =	stream.indirect.scatter.add.f32 [tilespmem:s28], [sflag:$0x7], $0x80, s26, s24, $0xb8;
	[tilespmem:$0x1D980] =	vst v63  }
0x99: {  	_ =	swait.ge [sflag:s22], $0x2800  }
0x9a: {  	[sflag:s22] =	ssyncset.done $0x0  }
0x9b: {  	s15 =	rddreg [dreg:$0xd];
	[sflag:s22] =	ssyncadd.s32 $0xFFFFD800  }
0x9c: {  	[tilespmem:s26], [sflag:$0x5] =	stream.linear.gather [hbm4b:s15+s3], $0x50, $0x38;
	[tilespmem:$0x1D980] =	vst v63  }
0x9d: {  	s16 =	simm.s32 $0x26C0  }
0x9e: {  	[tilespmem:s28], [sflag:$0x2] =	stream.indirect.gather [hbm4b:s4+s24], $0x80, s16, s24, $0xb8;
	[tilespmem:$0x1D980] =	vst v63  }
0x9f: {  	_ =	swait.ge [sflag:s8], $0x50  }
0xa0: {  	[sflag:s8] =	ssyncset.done $0x0  }
0xa1: {  	[sflag:s8] =	ssyncadd.s32 $0xFFFFFFB0  }
0xa2: {  	_ =	swait.ge [sflag:s9], $0x2800  }
0xa3: {  	[sflag:s9] =	ssyncset.done $0x0  }
0xa4: {  	[sflag:s9] =	ssyncadd.s32 $0xFFFFD800  }
0xa5: {  	[spmem:s2] =	stream.indirect.scatter.add.f32 [tilespmem:s31], [sflag:$0x7], $0x80, s29, s24, $0xb8;
	[tilespmem:$0x1D980] =	vst v63  }
0xa6: {  	_ =	swait.ge [sflag:s22], $0x2800  }
0xa7: {  	[sflag:s22] =	ssyncset.done $0x0  }
0xa8: {  	[sflag:s22] =	ssyncadd.s32 $0xFFFFD800  }
0xa9: {  	_ =	swait.ge [sflag:s1], $0x50  }
0xaa: {  	[sflag:s1] =	ssyncset.done $0x0  }
0xab: {  	[sflag:s1] =	ssyncadd.s32 $0xFFFFFFB0  }
0xac: {  	_ =	swait.ge [sflag:s0], $0x2800  }
0xad: {  	[sflag:s0] =	ssyncset.done $0x0  }
0xae: {  	[sflag:s0] =	ssyncadd.s32 $0xFFFFD800  }
0xaf: {  	[spmem:s2] =	stream.indirect.scatter.add.f32 [tilespmem:s25], [sflag:$0x7], $0x80, s23, s24, $0xb8;
	[tilespmem:$0x1D980] =	vst v63  }
0xb0: {  	_ =	swait.ge [sflag:s22], $0x2800  }
0xb1: {  	[sflag:s22] =	ssyncset.done $0x0  }
0xb2: {  	[sflag:s22] =	ssyncadd.s32 $0xFFFFD800  }
0xb3: {  	_ =	swait.ge [sflag:s30], $0x50  }
0xb4: {  	[sflag:s30] =	ssyncset.done $0x0  }
0xb5: {  	[sflag:s30] =	ssyncadd.s32 $0xFFFFFFB0  }
0xb6: {  	_ =	swait.ge [sflag:s7], $0x2800  }
0xb7: {  	[sflag:s7] =	ssyncset.done $0x0  }
0xb8: {  	[sflag:s7] =	ssyncadd.s32 $0xFFFFD800  }
0xb9: {  	[spmem:s2] =	stream.indirect.scatter.add.f32 [tilespmem:s28], [sflag:$0x7], $0x80, s26, s24, $0xb8;
	[tilespmem:$0x1D980] =	vst v63  }
0xba: {  	_ =	swait.ge [sflag:s22], $0x2800  }
0xbb: {  	[sflag:s22] =	ssyncset.done $0x0  }
0xbc: {  	[sflag:s22] =	ssyncadd.s32 $0xFFFFD800  }
0xbd: {  	[bflag:$0x0] =	sbarrier.arrive $0xFFFF  }
0xbe: {  	s17 =	rddreg [dreg:$0xe]  }
0xbf: {  	[hbm:s17], [sflag:s11] =	dma.local [spmem:s12], $0x2700  }
0xc0: {  	_ =	swait.ge [sflag:s22], $0x2700  }
0xc1: {  	[sflag:s22] =	ssyncset.done $0x0  }
0xc2: {  	s6 =	rddreg [dreg:$0xf];
	[sflag:s22] =	ssyncadd.s32 $0xFFFFD900  }
0xc3: {  	[hbm:s6], [sflag:s11] =	dma.local @!p0 [spmem:s13], $0x100  }
0xc4: {  	s6 =	simm.s32 @!p0 $0x7  }
0xc5: {  	_ =	swait.ge @!p0 [sflag:s6], $0x100  }
0xc6: {  	s10 =	sadd.s32 $0x1, s10;
	s18 =	rddreg [dreg:$0x10]  }
0xc7: {  	p1 =	sne.s32 s10, s18  }
.Ltmp1:
0xc8: {  	_ = 	snop;
	(pc) =	sbr.rel @p1 .LBB2_1-.Ltmp1, $3  }
0xc9: {  	_ =	sdelay $0x1  }
0xca: {  	[sflag:s6] =	ssyncset.done @!p0 $0x0  }
0xcb: {  	[sflag:s6] =	ssyncadd.s32 @!p0 $0xFFFFFF00  }
0xcc: {  	_ =	sfence.sel $0x180000  }
0xcd: {  	[bflag:$0x0] =	sbarrier.arrive $0xFFFF  }
0xce: {  	_ =	strace $0x9000004D  }
0xcf: {  	[bflag:$0x2] =	sbarrier.arrive $0xFFFF  }
0xd0: {  	s0 =	rddreg [dreg:$0x3]  }
0xd1: {  	s0 =	sadd.s32 @!p0 $0x100000, s0  }
0xd2: {  	[sflag:s0] =	ssyncadd.tile.s32 @!p0 $0x1;
	_ =	shalt  }
.Lfunc_end2:
_tile_overlayer_lowered:
.L_overlay_start_2:
0xd3: {  	(tag) =	ssettag $0x2  }
0xd4: {  	s0 =	rddreg [dreg:$0x0];
	s2 =	stileid.u32  }
0xd5: {  	s1 =	rddreg [dreg:$0x1];
	p0 =	sne.s32 s2, $0x0  }
0xd6: {  	s3 =	rddreg [dreg:$0x2];
	[bflag:$0x3] =	sbarrier.arrive $0xFFFF;
	s2 =	simm.s32 @!p0 $0x1C07  }
0xd7: {  	[timem:s3], [sflag:s2] =	dma.local @!p0 [hbm:s0], s1  }
0xd8: {  	s0 =	simm.s32 @!p0 $0x7  }
0xd9: {  	_ =	swait.ge @!p0 [sflag:s0], s1  }
0xda: {  	s1 =	ssub.s32 @!p0 $0x0, s1;
	[sflag:s0] =	ssyncset.done @!p0 $0x0  }
0xdb: {  	[sflag:s0] =	ssyncadd.s32 @!p0 s1  }
0xdc: {  	[bflag:$0x3] =	sbarrier.arrive $0xFFFF  }
0xdd: {  	_ =	shalt  }

// kernel: kernel.8.cloned.1.call-start
scs
__scs_entry_jumppad:
0x0: {  	(pc) =	sbr.rel $0x88, $3  }
0x1: {  	(tag) =	ssettag $0x0;
	lr =	simm.s32 $0x1  }
0x2: {  	[smem:$0x3F9D] =	sst lr;
	_ =	strace $0xD0000000  }
0x3: {  	_ = 	snop  }
0x4: {  	_ = 	snop  }
0x5: {  	_ = 	snop  }
0x6: {  	_ = 	snop  }
0x7: {  	_ = 	snop  }
__scs_overlays_trampoline_lowered:
0x8: {  	[smem:$0x3FAC] =	sst s0  }
0x9: {  	[smem:$0x3FAD] =	sst s1  }
0xa: {  	[smem:$0x3FAE] =	sst s2  }
0xb: {  	[smem:$0x3FAF] =	sst s3  }
0xc: {  	[smem:$0x3FB0] =	sst s4  }
0xd: {  	[smem:$0x3FB1] =	sst s5  }
0xe: {  	[smem:$0x3FB2] =	sst s6  }
0xf: {  	[smem:$0x3FB3] =	sst s7  }
0x10: {  	[smem:$0x3FB4] =	sst s8  }
0x11: {  	[smem:$0x3FB5] =	sst s9;
	s0 =	simm.s32 @!p0 $0x0  }
0x12: {  	s1 =	sld [smem:$0x3F9B];
	s0 =	simm.s32 @p0 $0x1  }
0x13: {  	[smem:$0x3FB6] =	sst s0;
	s0 =	simm.s32 @!p1 $0x0  }
0x14: {  	s2 =	sld [smem:$0x3F9A];
	s0 =	simm.s32 @p1 $0x1  }
0x15: {  	[smem:$0x3FB7] =	sst s0;
	s0 =	simm.s32 @!p2 $0x0  }
0x16: {  	s3 =	sld [smem:$0x3FDB];
	s0 =	simm.s32 @p2 $0x1  }
0x17: {  	s4 =	simm.s32 $0x1BF5;
	[smem:$0x3FB9] =	sst s0  }
0x18: {  	s0 =	sld [smem:$0x3F9C];
	_ =	swait.ge [sflag:s4], $0x0  }
0x19: {  	s7 =	sld [smem:$0x3F9D]  }
0x1a: {  	s8 =	sadd.s32 $0xFFFFE003, lr  }
0x1b: {  	s9 =	sadd.s32 $0xFFFFFEF7, lr;
	s5 =	simm.s32 $0xFFFFFFFF;
	p2 =	slt.u32 s8, $0xFFFFF086  }
0x1c: {  	p1 =	slt.u32 s9, $0xF7A;
	s5 =	simm.s32 @!p2 $0x0  }
0x1d: {  	s5 =	simm.s32 @p1 $0x1;
	p0 =	seq.s32 s7, s2  }
0x1e: {  	s7 =	smul.u32 @!p0 $0xF7A, s2;
	p2 =	seq.s32 @!p0 s5, $0x0  }
0x1f: {  	s9 =	smul.u32 $0xF7A, s1;
	s8 =	simm.s32 @!p0 $0x1BF5;
	p2 =	por !p2, p0  }
0x20: {  	[sflag:s8] =	ssyncset.s32 @!p0 $0xFFFFF086;
	s6 =	sadd.s32 @!p0 s3, s7;
	s7 =	simm.s32 @!p0 $0x108  }
0x21: {  	s3 =	sadd.s32 s3, s9;
	s6 =	sadd.s32 @!p0 $0x88, s6;
	s7 =	simm.s32 @p2 $0x1082  }
0x22: {  	[simem:s7], [sflag:s8] =	dma.local @!p0 [hbm:s6], $0xF7A  }
0x23: {  	s9 =	sor.u32 $0xD0000000, s2;
	s6 =	simm.s32 $0x108;
	_ =	swait.ge @!p0 [sflag:s8], $0x0  }
0x24: {  	s3 =	sadd.s32 $0x88, s3;
	s6 =	simm.s32 @!p1 $0x1082;
	[sflag:s4] =	ssyncset.s32 $0xFFFFF086  }
0x25: {  	[simem:s6], [sflag:s4] =	dma.local [hbm:s3], $0xF7A  }
0x26: {  	[smem:$0x3F9D] =	sst s1;
	(tag) =	ssettag s2;
	_ =	strace s9  }
0x27: {  	s1 =	sld [smem:$0x3FAD]  }
0x28: {  	s2 =	sld [smem:$0x3FAE]  }
0x29: {  	s4 =	sld [smem:$0x3FB0]  }
0x2a: {  	p0 =	seq.s32 s5, $0x0;
	s5 =	sld [smem:$0x3FB1]  }
0x2b: {  	s6 =	sld [smem:$0x3FB2]  }
0x2c: {  	s7 =	sld [smem:$0x3FB3]  }
0x2d: {  	s3 =	simm.s32 $0x108;
	s8 =	sld [smem:$0x3FB4]  }
0x2e: {  	s3 =	simm.s32 @!p0 $0x1082;
	s9 =	sld [smem:$0x3FB5]  }
0x2f: {  	lr =	sadd.s32 s0, s3;
	s0 =	sld [smem:$0x3FAC]  }
0x30: {  	s3 =	sld [smem:$0x3FAF]  }
0x31: {  	[smem:$0x3FB8] =	sst s10  }
0x32: {  	s10 =	sld [smem:$0x3FB6];
	_ =	sdelay $0x3  }
0x33: {  	p0 =	seq.s32 s10, $0x1;
	s10 =	sld [smem:$0x3FB8];
	_ =	sdelay $0x3  }
0x34: {  	[smem:$0x3FB8] =	sst s10  }
0x35: {  	s10 =	sld [smem:$0x3FB7];
	_ =	sdelay $0x3  }
0x36: {  	p1 =	seq.s32 s10, $0x1;
	s10 =	sld [smem:$0x3FB8];
	_ =	sdelay $0x3  }
0x37: {  	[smem:$0x3FB8] =	sst s10  }
0x38: {  	s10 =	sld [smem:$0x3FB9]  }
0x39: {  	_ = 	snop;
	(pc) =	sbr.ind lr, $3  }
0x3a: {  	_ = 	snop  }
0x3b: {  	_ = 	snop  }
0x3c: {  	p2 =	seq.s32 s10, $0x1;
	s10 =	sld [smem:$0x3FB8]  }
0x3d: {  	_ =	shalt  }
0x3e: {  	_ =	shalt  }
0x3f: {  	_ =	shalt  }
0x40: {  	_ =	shalt  }
0x41: {  	_ =	shalt  }
0x42: {  	_ =	shalt  }
0x43: {  	_ =	shalt  }
0x44: {  	_ =	shalt  }
0x45: {  	_ =	shalt  }
0x46: {  	_ =	shalt  }
0x47: {  	_ =	shalt  }
0x48: {  	_ =	shalt  }
0x49: {  	_ =	shalt  }
0x4a: {  	_ =	shalt  }
0x4b: {  	_ =	shalt  }
0x4c: {  	_ =	shalt  }
0x4d: {  	_ =	shalt  }
0x4e: {  	_ =	shalt  }
0x4f: {  	_ =	shalt  }
0x50: {  	_ =	shalt  }
0x51: {  	_ =	shalt  }
0x52: {  	_ =	shalt  }
0x53: {  	_ =	shalt  }
0x54: {  	_ =	shalt  }
0x55: {  	_ =	shalt  }
0x56: {  	_ =	shalt  }
0x57: {  	_ =	shalt  }
0x58: {  	_ =	shalt  }
0x59: {  	_ =	shalt  }
0x5a: {  	_ =	shalt  }
0x5b: {  	_ =	shalt  }
0x5c: {  	_ =	shalt  }
0x5d: {  	_ =	shalt  }
0x5e: {  	_ =	shalt  }
0x5f: {  	_ =	shalt  }
0x60: {  	_ =	shalt  }
0x61: {  	_ =	shalt  }
0x62: {  	_ =	shalt  }
0x63: {  	_ =	shalt  }
0x64: {  	_ =	shalt  }
0x65: {  	_ =	shalt  }
0x66: {  	_ =	shalt  }
0x67: {  	_ =	shalt  }
0x68: {  	_ =	shalt  }
0x69: {  	_ =	shalt  }
0x6a: {  	_ =	shalt  }
0x6b: {  	_ =	shalt  }
0x6c: {  	_ =	shalt  }
0x6d: {  	_ =	shalt  }
0x6e: {  	_ =	shalt  }
0x6f: {  	_ =	shalt  }
0x70: {  	_ =	shalt  }
0x71: {  	_ =	shalt  }
0x72: {  	_ =	shalt  }
0x73: {  	_ =	shalt  }
0x74: {  	_ =	shalt  }
0x75: {  	_ =	shalt  }
0x76: {  	_ =	shalt  }
0x77: {  	_ =	shalt  }
0x78: {  	_ =	shalt  }
0x79: {  	_ =	shalt  }
0x7a: {  	_ =	shalt  }
0x7b: {  	_ =	shalt  }
0x7c: {  	_ =	shalt  }
0x7d: {  	_ =	shalt  }
0x7e: {  	_ =	shalt  }
0x7f: {  	_ =	shalt  }
0x80: {  	_ =	shalt  }
0x81: {  	_ =	shalt  }
0x82: {  	_ =	shalt  }
0x83: {  	_ =	shalt  }
0x84: {  	_ =	shalt  }
0x85: {  	_ =	shalt  }
0x86: {  	_ =	shalt  }
0x87: {  	_ =	shalt  }
.Lfunc_end0:
.L_simem_size_0:
called_computation_lowered:
.L_overlay_start_0:
0x88: {  	s2 =	sld [smem:$0x3FD9]  }
0x89: {  	s3 =	sld [smem:$0x3FFE];
	_ =	sdelay $0x1  }
0x8a: {  	s1 =	srdreg.scid  }
0x8b: {  	s0 =	sand.u32 $0x1, s1  }
0x8c: {  	s17 =	sshll.u32 s0, $0xA;
	s2 =	sadd.s32 s3, s2  }
0x8d: {  	s2 =	sadd.s32 s2, s17  }
0x8e: {  	[smem:$0x3FC4] =	sst s2  }
0x8f: {  	_ = 	snop  }
0x90: {  	s2 =	sld [smem:$0x3FD0];
	(tm) =	ssettm $0x1  }
0x91: {  	s18 =	sld [smem:$0x3FFB];
	_ =	sdelay $0x3  }
0x92: {  	_ =	strace s18  }
0x93: {  	s3 =	sld [smem:$0x3FFC];
	_ =	sdelay $0x3  }
0x94: {  	_ =	strace s3  }
0x95: {  	s3 =	sld [smem:$0x3FFD];
	_ =	sdelay $0x3  }
0x96: {  	_ =	strace s3  }
0x97: {  	_ =	strace $0x8FFFFFFF  }
0x98: {  	s19 =	sld [smem:$0x3FDB];
	_ =	sdelay $0x1  }
0x99: {  	s4 =	simm.s32 $_scs_section_size  }
0x9a: {  	s5 =	simm.s32 $_size__tile_overlayer_lowered;
	s6 =	simm.s32 $_tile_overlayer_lowered  }
0x9b: {  	s22 =	simm.s32 $0x1BFF;
	s21 =	sshll.u32 s6, $0x1;
	s3 =	sadd.s32 s4, s19  }
0x9c: {  	s7 =	simm.s32 $0x0;
	s20 =	sshll.u32 s5, $0x1;
	s5 =	sadd.s32 s21, s3  }
0x9d: {  	[timem:s7], [sflag:s22] =	dma.local [hbm:s5], s20  }
0x9e: {  	_ =	swait.ge [sflag:s22], s20  }
0x9f: {  	s4 =	ssub.s32 $0x0, s20;
	[sflag:s22] =	ssyncset.done $0x0  }
0xa0: {  	[sflag:s22] =	ssyncadd.s32 s4;
	_ =	sdelay $0x1  }
0xa1: {  	s23 =	simm.s32 $0x1B8B  }
0xa2: {  	_ =	swait.ge [sflag:s23], $0x1  }
0xa3: {  	[sflag:s23] =	ssyncset.done $0x0  }
0xa4: {  	s25 =	simm.s32 $0x1B8E;
	s24 =	sld [smem:$0x3FFE];
	[sflag:s23] =	ssyncadd.s32 $0xFFFFFFFF  }
0xa5: {  	s26 =	simm.s32 $execute0_lowered;
	[smem:$0x3FD2] =	sst s25  }
0xa6: {  	s5 =	sshll.u32 s26, $0x1;
	_ =	strace $0x80000046;
	[dreg:$0x1] =	wrdreg $0xFFFFFFFF  }
0xa7: {  	s28 =	simm.s32 $_size_execute0_lowered;
	s3 =	sadd.s32 s3, s5;
	[dreg:$0x0] =	wrdreg $0x0  }
0xa8: {  	s5 =	sshll.u32 s28, $0x1;
	[dreg:$0x2] =	wrdreg s3  }
0xa9: {  	[dreg:$0x3] =	wrdreg s5  }
0xaa: {  	[dreg:$0x4] =	wrdreg $0xC0  }
0xab: {  	_ =	task [dreg:s7], $0x5FFFF  }
0xac: {  	[dreg:$0x1] =	wrdreg $0xFFFFFFFF  }
0xad: {  	[dreg:$0x0] =	wrdreg $0x60  }
0xae: {  	[dreg:$0x2] =	wrdreg s24  }
0xaf: {  	[dreg:$0x3] =	wrdreg s2  }
0xb0: {  	[dreg:$0x4] =	wrdreg $0x42800  }
0xb1: {  	[dreg:$0x5] =	wrdreg $0x9  }
0xb2: {  	_ =	task.clear_ibuf [dreg:s7], $0x6FFFF;
	_ =	strace $0x90000046  }
0xb3: {  	s29 =	simm.s32 $0x9;
	_ =	strace $0x80000048  }
0xb4: {  	_ =	swait.ge [sflag:s29], $0x1  }
0xb5: {  	[sflag:s29] =	ssyncadd.s32 $0xFFFFFFFF  }
0xb6: {  	_ =	strace $0x90000048  }
0xb7: {  	_ =	sfence  }
0xb8: {  	s30 =	sld [smem:$0x0];
	_ =	sdelay $0x2  }
0xb9: {  	s31 =	sshll.u32 s1, $0xD;
	s1 =	sshrl.u32 s1, $0x2  }
0xba: {  	s3 =	sand.u32 $0x4000, s31;
	s1 =	sadd.s32 s1, s30  }
0xbb: {  	s0 =	sor.u32 s3, s0;
	s1 =	sshll.u32 s1, $0x11  }
0xbc: {  	s0 =	sor.u32 s1, s0  }
0xbd: {  	s0 =	sadd.s32 $0x8F2B, s0  }
0xbe: {  	[sflag:s0] =	ssyncadd.remote.s32 $0x1  }
0xbf: {  	_ =	sfence.sel $0xFFFF  }
0xc0: {  	[dreg:$0x0] =	wrdreg $0xFFFFFFFF;
	(pc) =	sbr.abs _section_cstart, $3  }
0xc1: {  	[dreg:$0x1] =	wrdreg $0xFFFFFFFF  }
0xc2: {  	_ =	task.clear_ibuf [dreg:s7], $0x2FFFF;
	_ =	strace $0x9FFFFFFF  }
0xc3: {  	(tm) =	ssettm $0x7FFFFFFF  }
tec
execute0_lowered:
.L_overlay_start_1:
0x0: {  	(tag) =	ssettag $0x1  }
0x1: {  	s0 =	rddreg [dreg:$0x0]  }
0x2: {  	s2 =	rddreg [dreg:$0x1]  }
0x3: {  	s1 =	rddreg [dreg:$0x2]  }
0x4: {  	s4 =	srdreg.scid;
	s12 =	stileid.u32  }
0x5: {  	s3 =	simm.s32 $0x0;
	s28 =	simm.s32 $0x1;
	s29 =	simm.s32 $0x100  }
0x6: {  	s30 =	simm.s32 $0x2;
	s31 =	simm.s32 $0x180;
	s4 =	sand.u32 $0x1, s4  }
0x7: {  	s5 =	sshll.u32 s12, $0x1;
	[smem:$0x7FF] =	sst s3;
	s8 =	smul.u32 $0x4E000, s12  }
0x8: {  	s6 =	sadd.s32 $0xB800, s0;
	s7 =	sadd.s32 $0x15600, s0;
	s10 =	smul.u32 $0x13800, s12  }
0x9: {  	s0 =	sadd.s32 $0x15E00, s0;
	s14 =	smul.u32 $0x4E20, s12;
	s15 =	sadd.s32 $0x138000, s1  }
0xa: {  	p0 =	sne.s32 s12, $0x0;
	s5 =	sor.u32 s4, s5;
	s11 =	smul.u32 $0x138800, s4  }
0xb: {  	_ =	strace $0x80000047;
	[dreg:$0x4] =	wrdreg s7;
	s16 =	smul.u32 $0x2710, s4  }
0xc: {  	s23 =	ssub.s32 $0x2, s4;
	[dreg:$0x9] =	wrdreg s15;
	s5 =	smul.u32 $0x2710, s5  }
0xd: {  	s9 =	sshrl.u32 s23, $0x1;
	s8 =	sshrl.u32 s8, $0x2;
	s26 =	sshrl.u32 s10, $0x3  }
0xe: {  	s7 =	ssub.s32 s23, s9;
	s8 =	sadd.s32 s8, s1;
	s13 =	sadd.s32 s2, s26  }
0xf: {  	s2 =	sadd.s32 $0x27000, s2;
	s21 =	sadd.s32 s10, s11;
	s22 =	sshrl.u32 s11, $0x3  }
0x10: {  	s9 =	simm.s32 $0x9;
	s10 =	simm.s32 $0x0;
	[dreg:$0x7] =	wrdreg s8  }
0x11: {  	s5 =	sshrl.u32 s5, $0x3;
	[dreg:$0x8] =	wrdreg s13;
	s4 =	sshrl.u32 s21, $0x3  }
0x12: {  	[dreg:$0xa] =	wrdreg s2;
	s5 =	sadd.s32 s6, s5;
	s4 =	sadd.s32 s0, s4  }
0x13: {  	s2 =	sadd.s32 s16, s14;
	s24 =	sadd.s32 $0x10, s5;
	[dreg:$0xf] =	wrdreg s4  }
0x14: {  	s8 =	simm.s32 $0x8;
	s25 =	sadd.s32 $0x4E0, s5;
	[dreg:$0x5] =	wrdreg s24  }
0x15: {  	s23 =	sadd.s32 $0x480, s2;
	s17 =	sadd.s32 $0x20, s5;
	[dreg:$0x6] =	wrdreg s25  }
0x16: {  	s0 =	sadd.s32 s0, s22;
	s18 =	sadd.s32 $0x30, s5;
	[dreg:$0xb] =	wrdreg s17  }
0x17: {  	s26 =	sadd.s32 $0x380, s2;
	s19 =	sadd.s32 $0x40, s5;
	[dreg:$0xc] =	wrdreg s18  }
0x18: {  	s20 =	sadd.s32 $0x50, s5;
	s4 =	sshrl.u32 s26, $0x3;
	[dreg:$0xd] =	wrdreg s19  }
0x19: {  	s26 =	simm.s32 $0xA;
	[dreg:$0xe] =	wrdreg s20;
	s24 =	sshrl.u32 s23, $0x3  }
0x1a: {  	s17 =	sadd.s32 $0x27000, s0;
	s18 =	smax.u32 s7, $0x1;
	s25 =	sadd.s32 $0x400, s2  }
0x1b: {  	s2 =	sadd.s32 $0x300, s2;
	s21 =	sadd.s32 s4, s6;
	s23 =	simm.s32 $0x80  }
0x1c: {  	s4 =	simm.s32 $0x4;
	s7 =	simm.s32 $0x7;
	s19 =	sadd.s32 s24, s6  }
0x1d: {  	s0 =	sshrl.u32 s25, $0x3;
	s2 =	sshrl.u32 s2, $0x3;
	s24 =	simm.s32 $0x200  }
0x1e: {  	s25 =	simm.s32 $0x280;
	s20 =	sadd.s32 s0, s6;
	s22 =	sadd.s32 s2, s6  }
0x1f: {  	s0 =	simm.s32 $0x3;
	s2 =	simm.s32 $0x5;
	s6 =	simm.s32 $0x6  }
.LBB2_1:
0x20: {  	[tilespmem:s3], [sflag:$0x1] =	stream.linear.gather [hbm4b:s5+s3], $0x80, $0x38;
	[tilespmem:$0x17B00] =	vst v63  }
0x21: {  	s11 =	rddreg [dreg:$0x5]  }
0x22: {  	[tilespmem:s23], [sflag:$0x2] =	stream.linear.gather [hbm4b:s11+s3], $0x80, $0x38;
	[tilespmem:$0x17B00] =	vst v63  }
0x23: {  	s13 =	rddreg [dreg:$0x6]  }
0x24: {  	[tilespmem:s24], [sflag:$0x9] =	stream.linear.gather [hbm4b:s13+s3], $0x10, $0x38;
	[tilespmem:$0x17B00] =	vst v63  }
0x25: {  	s14 =	rddreg [dreg:$0x4];
	s15 =	stileid.u32  }
0x26: {  	[tilespmem:s25], [sflag:$0xA] =	stream.linear.gather [hbm4b:s14+s3], $0x4000, $0x38;
	[tilespmem:$0x17B00] =	vst v63  }
0x27: {  	s11 =	sshll.u32 s15, $0x6;
	_ =	swait.ge [sflag:s26], $0x4000  }
0x28: {  	s11 =	sor.u32 $0x1C0A, s11;
	[sflag:s26] =	ssyncset.done $0x0;
	s12 =	rddreg [dreg:$0x7]  }
0x29: {  	s13 =	rddreg [dreg:$0x8];
	[sflag:s26] =	ssyncadd.s32 $0xFFFFC000;
	s12 =	sshrl.u32 s12, $0x3  }
0x2a: {  	[spmem:s12], [sflag:s11] =	dma.local [hbm:s13], $0x2700  }
0x2b: {  	_ =	swait.ge [sflag:s26], $0x2700  }
0x2c: {  	[sflag:s26] =	ssyncset.done $0x0;
	s13 =	rddreg [dreg:$0x9]  }
0x2d: {  	s14 =	rddreg [dreg:$0xa];
	[sflag:s26] =	ssyncadd.s32 $0xFFFFD900;
	s13 =	sshrl.u32 @!p0 s13, $0x3  }
0x2e: {  	[spmem:s13], [sflag:s11] =	dma.local @!p0 [hbm:s14], $0x100  }
0x2f: {  	s14 =	simm.s32 @!p0 $0xA  }
0x30: {  	_ =	swait.ge @!p0 [sflag:s14], $0x100  }
0x31: {  	[sflag:s14] =	ssyncset.done @!p0 $0x0  }
0x32: {  	[sflag:s14] =	ssyncadd.s32 @!p0 $0xFFFFFF00  }
0x33: {  	[bflag:$0x0] =	sbarrier.arrive $0xFFFF  }
0x34: {  	_ =	swait.ge [sflag:s28], $0x80  }
0x35: {  	[sflag:s28] =	ssyncset.done $0x0  }
0x36: {  	[sflag:s28] =	ssyncadd.s32 $0xFFFFFF80  }
0x37: {  	[spmem:s1] =	stream.indirect.scatter.add.f32 [tilespmem:s25], [sflag:$0x5], $0x80, s3, s23, $0xb8;
	[tilespmem:$0x17B00] =	vst v63  }
0x38: {  	s16 =	rddreg [dreg:$0xb]  }
0x39: {  	[tilespmem:s29], [sflag:$0x3] =	stream.linear.gather [hbm4b:s16+s3], $0x80, $0x38;
	[tilespmem:$0x17B00] =	vst v63  }
0x3a: {  	_ =	swait.ge [sflag:s30], $0x80  }
0x3b: {  	[sflag:s30] =	ssyncset.done $0x0  }
0x3c: {  	[sflag:s30] =	ssyncadd.s32 $0xFFFFFF80  }
0x3d: {  	[spmem:s1] =	stream.indirect.scatter.add.f32 [tilespmem:s25], [sflag:$0x6], $0x80, s23, s23, $0xb8;
	[tilespmem:$0x17B00] =	vst v63  }
0x3e: {  	s15 =	rddreg [dreg:$0xc]  }
0x3f: {  	[tilespmem:s31], [sflag:$0x4] =	stream.linear.gather [hbm4b:s15+s3], $0x80, $0x38;
	[tilespmem:$0x17B00] =	vst v63  }
0x40: {  	_ =	swait.ge [sflag:s0], $0x80  }
0x41: {  	[sflag:s0] =	ssyncset.done $0x0  }
0x42: {  	[sflag:s0] =	ssyncadd.s32 $0xFFFFFF80  }
0x43: {  	[spmem:s1] =	stream.indirect.scatter.add.f32 [tilespmem:s25], [sflag:$0x7], $0x80, s29, s23, $0xb8;
	[tilespmem:$0x17B00] =	vst v63  }
0x44: {  	_ =	swait.ge [sflag:s2], $0x4000  }
0x45: {  	[sflag:s2] =	ssyncset.done $0x0  }
0x46: {  	s16 =	rddreg [dreg:$0xd];
	[sflag:s2] =	ssyncadd.s32 $0xFFFFC000  }
0x47: {  	[tilespmem:s3], [sflag:$0x1] =	stream.linear.gather [hbm4b:s16+s3], $0x80, $0x38;
	[tilespmem:$0x17B00] =	vst v63  }
0x48: {  	_ =	swait.ge [sflag:s4], $0x80  }
0x49: {  	[sflag:s4] =	ssyncset.done $0x0  }
0x4a: {  	[sflag:s4] =	ssyncadd.s32 $0xFFFFFF80  }
0x4b: {  	[spmem:s1] =	stream.indirect.scatter.add.f32 [tilespmem:s25], [sflag:$0x8], $0x80, s31, s23, $0xb8;
	[tilespmem:$0x17B00] =	vst v63  }
0x4c: {  	_ =	swait.ge [sflag:s6], $0x4000  }
0x4d: {  	[sflag:s6] =	ssyncset.done $0x0  }
0x4e: {  	s15 =	rddreg [dreg:$0xe];
	[sflag:s6] =	ssyncadd.s32 $0xFFFFC000  }
0x4f: {  	[tilespmem:s23], [sflag:$0x2] =	stream.linear.gather [hbm4b:s15+s3], $0x80, $0x38;
	[tilespmem:$0x17B00] =	vst v63  }
0x50: {  	_ =	swait.ge [sflag:s28], $0x80  }
0x51: {  	[sflag:s28] =	ssyncset.done $0x0  }
0x52: {  	[sflag:s28] =	ssyncadd.s32 $0xFFFFFF80  }
0x53: {  	[spmem:s1] =	stream.indirect.scatter.add.f32 [tilespmem:s25], [sflag:$0x5], $0x80, s3, s23, $0xb8;
	[tilespmem:$0x17B00] =	vst v63  }
0x54: {  	_ =	swait.ge [sflag:s7], $0x4000  }
0x55: {  	[sflag:s7] =	ssyncset.done $0x0  }
0x56: {  	s16 =	sadd.s32 $0x0, s22;
	[sflag:s7] =	ssyncadd.s32 $0xFFFFC000  }
0x57: {  	[tilespmem:s29], [sflag:$0x3] =	stream.linear.gather [hbm4b:s16+s3], $0x80, $0x38;
	[tilespmem:$0x17B00] =	vst v63  }
0x58: {  	_ =	swait.ge [sflag:s30], $0x80  }
0x59: {  	[sflag:s30] =	ssyncset.done $0x0  }
0x5a: {  	[sflag:s30] =	ssyncadd.s32 $0xFFFFFF80  }
0x5b: {  	[spmem:s1] =	stream.indirect.scatter.add.f32 [tilespmem:s25], [sflag:$0x6], $0x80, s23, s23, $0xb8;
	[tilespmem:$0x17B00] =	vst v63  }
0x5c: {  	_ =	swait.ge [sflag:s8], $0x4000  }
0x5d: {  	[sflag:s8] =	ssyncset.done $0x0  }
0x5e: {  	s15 =	sadd.s32 $0x0, s21;
	[sflag:s8] =	ssyncadd.s32 $0xFFFFC000  }
0x5f: {  	[tilespmem:s31], [sflag:$0x4] =	stream.linear.gather [hbm4b:s15+s3], $0x80, $0x38;
	[tilespmem:$0x17B00] =	vst v63  }
0x60: {  	_ =	swait.ge [sflag:s0], $0x80  }
0x61: {  	[sflag:s0] =	ssyncset.done $0x0  }
0x62: {  	[sflag:s0] =	ssyncadd.s32 $0xFFFFFF80  }
0x63: {  	[spmem:s1] =	stream.indirect.scatter.add.f32 [tilespmem:s25], [sflag:$0x7], $0x80, s29, s23, $0xb8;
	[tilespmem:$0x17B00] =	vst v63  }
0x64: {  	_ =	swait.ge [sflag:s2], $0x4000  }
0x65: {  	[sflag:s2] =	ssyncset.done $0x0  }
0x66: {  	s16 =	sadd.s32 $0x0, s20;
	[sflag:s2] =	ssyncadd.s32 $0xFFFFC000  }
0x67: {  	[tilespmem:s3], [sflag:$0x1] =	stream.linear.gather [hbm4b:s16+s3], $0x80, $0x38;
	[tilespmem:$0x17B00] =	vst v63  }
0x68: {  	_ =	swait.ge [sflag:s4], $0x80  }
0x69: {  	[sflag:s4] =	ssyncset.done $0x0  }
0x6a: {  	[sflag:s4] =	ssyncadd.s32 $0xFFFFFF80  }
0x6b: {  	[spmem:s1] =	stream.indirect.scatter.add.f32 [tilespmem:s25], [sflag:$0x8], $0x80, s31, s23, $0xb8;
	[tilespmem:$0x17B00] =	vst v63  }
0x6c: {  	_ =	swait.ge [sflag:s6], $0x4000  }
0x6d: {  	[sflag:s6] =	ssyncset.done $0x0  }
0x6e: {  	s14 =	simm.s32 $0x40;
	s15 =	sadd.s32 $0x0, s19;
	[sflag:s6] =	ssyncadd.s32 $0xFFFFC000  }
.LBB2_2:
0x6f: {  	[tilespmem:s23], [sflag:$0x2] =	stream.linear.gather [hbm4b:s15+s3], $0x80, $0x38;
	[tilespmem:$0x17B00] =	vst v63  }
0x70: {  	s15 =	smov.u32 s14  }
0x71: {  	p1 =	sne.s32 s14, $0x440;
	s14 =	sadd.s32 $0x40, s14;
	_ =	swait.ge [sflag:s28], $0x80  }
0x72: {  	[sflag:s28] =	ssyncset.done $0x0  }
0x73: {  	[sflag:s28] =	ssyncadd.s32 $0xFFFFFF80  }
0x74: {  	[spmem:s1] =	stream.indirect.scatter.add.f32 [tilespmem:s25], [sflag:$0x5], $0x80, s3, s23, $0xb8;
	[tilespmem:$0x17B00] =	vst v63  }
0x75: {  	_ =	swait.ge [sflag:s7], $0x4000  }
0x76: {  	[sflag:s7] =	ssyncset.done $0x0  }
0x77: {  	s16 =	sadd.s32 s15, s22;
	[sflag:s7] =	ssyncadd.s32 $0xFFFFC000  }
0x78: {  	[tilespmem:s29], [sflag:$0x3] =	stream.linear.gather [hbm4b:s16+s3], $0x80, $0x38;
	[tilespmem:$0x17B00] =	vst v63  }
0x79: {  	_ =	swait.ge [sflag:s30], $0x80  }
0x7a: {  	[sflag:s30] =	ssyncset.done $0x0  }
0x7b: {  	[sflag:s30] =	ssyncadd.s32 $0xFFFFFF80  }
0x7c: {  	[spmem:s1] =	stream.indirect.scatter.add.f32 [tilespmem:s25], [sflag:$0x6], $0x80, s23, s23, $0xb8;
	[tilespmem:$0x17B00] =	vst v63  }
0x7d: {  	_ =	swait.ge [sflag:s8], $0x4000  }
0x7e: {  	[sflag:s8] =	ssyncset.done $0x0  }
0x7f: {  	s16 =	sadd.s32 s15, s21;
	[sflag:s8] =	ssyncadd.s32 $0xFFFFC000  }
0x80: {  	[tilespmem:s31], [sflag:$0x4] =	stream.linear.gather [hbm4b:s16+s3], $0x80, $0x38;
	[tilespmem:$0x17B00] =	vst v63  }
0x81: {  	_ =	swait.ge [sflag:s0], $0x80  }
0x82: {  	[sflag:s0] =	ssyncset.done $0x0  }
0x83: {  	[sflag:s0] =	ssyncadd.s32 $0xFFFFFF80  }
0x84: {  	[spmem:s1] =	stream.indirect.scatter.add.f32 [tilespmem:s25], [sflag:$0x7], $0x80, s29, s23, $0xb8;
	[tilespmem:$0x17B00] =	vst v63  }
0x85: {  	_ =	swait.ge [sflag:s2], $0x4000  }
0x86: {  	[sflag:s2] =	ssyncset.done $0x0  }
0x87: {  	s16 =	sadd.s32 s15, s20;
	[sflag:s2] =	ssyncadd.s32 $0xFFFFC000  }
0x88: {  	[tilespmem:s3], [sflag:$0x1] =	stream.linear.gather [hbm4b:s16+s3], $0x80, $0x38;
	[tilespmem:$0x17B00] =	vst v63  }
0x89: {  	_ =	swait.ge [sflag:s4], $0x80  }
0x8a: {  	[sflag:s4] =	ssyncset.done $0x0  }
.Ltmp0:
0x8b: {  	[sflag:s4] =	ssyncadd.s32 $0xFFFFFF80;
	(pc) =	sbr.rel @p1 .LBB2_2-.Ltmp0, $4  }
0x8c: {  	[spmem:s1] =	stream.indirect.scatter.add.f32 [tilespmem:s25], [sflag:$0x8], $0x80, s31, s23, $0xb8;
	[tilespmem:$0x17B00] =	vst v63  }
0x8d: {  	_ =	swait.ge [sflag:s6], $0x4000  }
0x8e: {  	[sflag:s6] =	ssyncset.done $0x0  }
0x8f: {  	s15 =	sadd.s32 s15, s19;
	[sflag:s6] =	ssyncadd.s32 $0xFFFFC000  }
0x90: {  	[tilespmem:s23], [sflag:$0x2] =	stream.linear.gather [hbm4b:s15+s3], $0x80, $0x38;
	[tilespmem:$0x17B00] =	vst v63  }
0x91: {  	_ =	swait.ge [sflag:s28], $0x80  }
0x92: {  	[sflag:s28] =	ssyncset.done $0x0  }
0x93: {  	[sflag:s28] =	ssyncadd.s32 $0xFFFFFF80  }
0x94: {  	[spmem:s1] =	stream.indirect.scatter.add.f32 [tilespmem:s25], [sflag:$0x5], $0x80, s3, s23, $0xb8;
	[tilespmem:$0x17B00] =	vst v63  }
0x95: {  	_ =	swait.ge [sflag:s30], $0x80  }
0x96: {  	[sflag:s30] =	ssyncset.done $0x0  }
0x97: {  	[sflag:s30] =	ssyncadd.s32 $0xFFFFFF80  }
0x98: {  	[spmem:s1] =	stream.indirect.scatter.add.f32 [tilespmem:s25], [sflag:$0x6], $0x80, s23, s23, $0xb8;
	[tilespmem:$0x17B00] =	vst v63  }
0x99: {  	_ =	swait.ge [sflag:s9], $0x10  }
0x9a: {  	[sflag:s9] =	ssyncset.done $0x0  }
0x9b: {  	s14 =	simm.s32 $0x10;
	[sflag:s9] =	ssyncadd.s32 $0xFFFFFFF0  }
0x9c: {  	[spmem:s1] =	stream.indirect.scatter.add.f32 [tilespmem:s25], [sflag:$0xA], $0x80, s24, s14, $0xb8;
	[tilespmem:$0x17B00] =	vst v63  }
0x9d: {  	_ =	swait.ge [sflag:s26], $0x800  }
0x9e: {  	[sflag:s26] =	ssyncset.done $0x0  }
0x9f: {  	[sflag:s26] =	ssyncadd.s32 $0xFFFFF800  }
0xa0: {  	_ =	swait.ge [sflag:s7], $0x4000  }
0xa1: {  	[sflag:s7] =	ssyncset.done $0x0  }
0xa2: {  	[sflag:s7] =	ssyncadd.s32 $0xFFFFC000  }
0xa3: {  	_ =	swait.ge [sflag:s8], $0x4000  }
0xa4: {  	[sflag:s8] =	ssyncset.done $0x0  }
0xa5: {  	[sflag:s8] =	ssyncadd.s32 $0xFFFFC000  }
0xa6: {  	_ =	swait.ge [sflag:s2], $0x4000  }
0xa7: {  	[sflag:s2] =	ssyncset.done $0x0  }
0xa8: {  	[sflag:s2] =	ssyncadd.s32 $0xFFFFC000  }
0xa9: {  	_ =	swait.ge [sflag:s6], $0x4000  }
0xaa: {  	[sflag:s6] =	ssyncset.done $0x0  }
0xab: {  	[sflag:s6] =	ssyncadd.s32 $0xFFFFC000  }
0xac: {  	[bflag:$0x0] =	sbarrier.arrive $0xFFFF  }
0xad: {  	s16 =	rddreg [dreg:$0xf]  }
0xae: {  	[hbm:s16], [sflag:s11] =	dma.local [spmem:s12], $0x2700  }
0xaf: {  	_ =	swait.ge [sflag:s26], $0x2700  }
0xb0: {  	s10 =	sadd.s32 $0x1, s10;
	[sflag:s26] =	ssyncset.done $0x0  }
0xb1: {  	p1 =	sne.s32 s10, s18;
	[sflag:s26] =	ssyncadd.s32 $0xFFFFD900  }
0xb2: {  	[hbm:s17], [sflag:s11] =	dma.local @!p0 [spmem:s13], $0x100  }
.Ltmp1:
0xb3: {  	_ = 	snop;
	(pc) =	sbr.rel @p1 .LBB2_1-.Ltmp1, $4  }
0xb4: {  	s11 =	simm.s32 @!p0 $0xA  }
0xb5: {  	_ =	swait.ge @!p0 [sflag:s11], $0x100  }
0xb6: {  	[sflag:s11] =	ssyncset.done @!p0 $0x0  }
0xb7: {  	[sflag:s11] =	ssyncadd.s32 @!p0 $0xFFFFFF00  }
0xb8: {  	_ =	sfence.sel $0x180000  }
0xb9: {  	[bflag:$0x0] =	sbarrier.arrive $0xFFFF  }
0xba: {  	_ =	strace $0x90000047  }
0xbb: {  	[bflag:$0x2] =	sbarrier.arrive $0xFFFF  }
0xbc: {  	s0 =	rddreg [dreg:$0x3]  }
0xbd: {  	s0 =	sadd.s32 @!p0 $0x100000, s0  }
0xbe: {  	[sflag:s0] =	ssyncadd.tile.s32 @!p0 $0x1;
	_ =	shalt  }
.Lfunc_end2:
_tile_overlayer_lowered:
.L_overlay_start_2:
0xbf: {  	(tag) =	ssettag $0x2  }
0xc0: {  	s0 =	rddreg [dreg:$0x0];
	s2 =	stileid.u32  }
0xc1: {  	s1 =	rddreg [dreg:$0x1];
	p0 =	sne.s32 s2, $0x0  }
0xc2: {  	s3 =	rddreg [dreg:$0x2];
	[bflag:$0x3] =	sbarrier.arrive $0xFFFF;
	s2 =	simm.s32 @!p0 $0x1C0A  }
0xc3: {  	[timem:s3], [sflag:s2] =	dma.local @!p0 [hbm:s0], s1  }
0xc4: {  	s0 =	simm.s32 @!p0 $0xA  }
0xc5: {  	_ =	swait.ge @!p0 [sflag:s0], s1  }
0xc6: {  	s1 =	ssub.s32 @!p0 $0x0, s1;
	[sflag:s0] =	ssyncset.done @!p0 $0x0  }
0xc7: {  	[sflag:s0] =	ssyncadd.s32 @!p0 s1  }
0xc8: {  	[bflag:$0x3] =	sbarrier.arrive $0xFFFF  }
0xc9: {  	_ =	shalt  }

</sc_bundles>
